<compile_context>
chip_gen: v7x
topology: tpu7x:2x2x1
jax: 0.10.2.dev20260603
libtpu: 0.0.44.dev20260713+nightly
codegen_flags: <defaults>
</compile_context>

<pallas_src>
import jax
import jax.numpy as jnp
from jax import lax
from jax.experimental import pallas as pl
from jax.experimental.pallas import tpu as pltpu
from jax.experimental.pallas import tpu_sc as plsc

N = 10000
D = 128
E = 320000
NCLS = 40
EPS = 1e-5
NC, NS = 2, 16
NW = NC * NS
EPW = E // NW
B = 80
NB = EPW // B
NP = 10240
RPT = NP // NS

BLK = 2000
GRID = N // BLK


def _mesh():
    return plsc.VectorSubcoreMesh(
        core_axis_name="c", subcore_axis_name="s", num_cores=NC, num_subcores=NS)


def _deg_body(dst_hbm, zero_hbm, ones_hbm, out_hbm, acc, dst_v, ones_v,
              sem0, sem1, sem2):
    c = lax.axis_index("c")
    s = lax.axis_index("s")
    wid = c * NS + s
    cz = pltpu.async_copy(zero_hbm.at[pl.ds(s * RPT, RPT)],
                          acc.at[pl.ds(s * RPT, RPT)], sem0)
    cd = pltpu.async_copy(dst_hbm.at[wid], dst_v, sem1)
    co = pltpu.async_copy(ones_hbm, ones_v, sem2)
    cz.wait()
    cd.wait()
    co.wait()
    plsc.subcore_barrier()

    pltpu.async_copy(ones_v, acc.at[dst_v.at[0]], sem0, add=True)
    pltpu.async_copy(ones_v, acc.at[dst_v.at[1]], sem1, add=True)

    def body(j0, carry):
        j = j0 * 2
        pltpu.make_async_copy(ones_v, acc.at[dst_v.at[j]], sem0).wait()

        @pl.when(j + 2 < NB)
        def _():
            pltpu.async_copy(ones_v, acc.at[dst_v.at[j + 2]], sem0, add=True)

        @pl.when(j + 1 < NB)
        def _():
            pltpu.make_async_copy(ones_v, acc.at[dst_v.at[j + 1]], sem1).wait()

            @pl.when(j + 3 < NB)
            def _():
                pltpu.async_copy(ones_v, acc.at[dst_v.at[j + 3]], sem1, add=True)

        return carry

    lax.fori_loop(0, (NB + 1) // 2, body, 0)
    plsc.subcore_barrier()
    pltpu.sync_copy(acc.at[pl.ds(s * RPT, RPT)],
                    out_hbm.at[c].at[pl.ds(s * RPT, RPT)])


def _sc_deg(dst3, zeros_nd, ones_bd):
    fn = pl.kernel(
        _deg_body,
        out_type=jax.ShapeDtypeStruct((NC, NP, D), jnp.float32),
        mesh=_mesh(),
        scratch_types=[
            pltpu.VMEM_SHARED((NP, D), jnp.float32),
            pltpu.VMEM((NB, B), jnp.int32),
            pltpu.VMEM((B, D), jnp.float32),
            pltpu.SemaphoreType.DMA,
            pltpu.SemaphoreType.DMA,
            pltpu.SemaphoreType.DMA,
        ],
    )
    return fn(dst3, zeros_nd, ones_bd)


def _spmm_body(xw_hbm, src_hbm, dst_hbm, zero_hbm, out_hbm,
               acc, src_v, dst_v, rows, gsem0, gsem1, ssem):
    c = lax.axis_index("c")
    s = lax.axis_index("s")
    wid = c * NS + s
    cz = pltpu.async_copy(zero_hbm.at[pl.ds(s * RPT, RPT)],
                          acc.at[pl.ds(s * RPT, RPT)], gsem0)
    cs = pltpu.async_copy(src_hbm.at[wid], src_v, gsem1)
    cd = pltpu.async_copy(dst_hbm.at[wid], dst_v, ssem)
    cz.wait()
    cs.wait()
    cd.wait()
    plsc.subcore_barrier()

    def sidx(j):
        return src_v.at[pl.ds(pl.multiple_of(j * B, 8), B)]

    pltpu.async_copy(xw_hbm.at[sidx(0)], rows.at[0], gsem0)
    pltpu.async_copy(xw_hbm.at[sidx(1)], rows.at[1], gsem1)

    def pair(j0, carry):
        j = j0 * 2
        pltpu.make_async_copy(xw_hbm.at[sidx(j)], rows.at[0], gsem0).wait()
        pltpu.sync_copy(rows.at[0], acc.at[dst_v.at[j]], add=True)
        pltpu.async_copy(xw_hbm.at[sidx(j + 2)], rows.at[0], gsem0)
        pltpu.make_async_copy(xw_hbm.at[sidx(j + 1)], rows.at[1], gsem1).wait()
        pltpu.sync_copy(rows.at[1], acc.at[dst_v.at[j + 1]], add=True)

        @pl.when(j + 3 < NB)
        def _():
            pltpu.async_copy(xw_hbm.at[sidx(j + 3)], rows.at[1], gsem1)

        return carry

    lax.fori_loop(0, (NB - 1) // 2, pair, 0)
    pltpu.make_async_copy(xw_hbm.at[sidx(NB - 1)], rows.at[0], gsem0).wait()
    pltpu.sync_copy(rows.at[0], acc.at[dst_v.at[NB - 1]], add=True)
    plsc.subcore_barrier()
    pltpu.sync_copy(acc.at[pl.ds(s * RPT, RPT)],
                    out_hbm.at[c].at[pl.ds(s * RPT, RPT)])


def _sc_spmm(xw, src3, dst3, zeros_nd):
    fn = pl.kernel(
        _spmm_body,
        out_type=jax.ShapeDtypeStruct((NC, NP, D), jnp.float32),
        mesh=_mesh(),
        scratch_types=[
            pltpu.VMEM_SHARED((NP, D), jnp.float32),
            pltpu.VMEM((EPW,), jnp.int32),
            pltpu.VMEM((NB, B), jnp.int32),
            pltpu.VMEM((2, B, D), jnp.float32),
            pltpu.SemaphoreType.DMA,
            pltpu.SemaphoreType.DMA,
            pltpu.SemaphoreType.DMA,
        ],
    )
    return fn(xw, src3, dst3, zeros_nd)



def _prep_body(x_ref, degp_ref, g_ref, b_ref, w_ref, xw_ref, dinv_ref,
               x_sc, dv_sc, acc_s, acc_q):
    p = pl.program_id(0)
    i = pl.program_id(1)

    @pl.when(p == 0)
    def _():
        cnt = degp_ref[0][:, 0:1] + degp_ref[1][:, 0:1]
        dv = lax.rsqrt(cnt + 1.0)
        dinv_ref[...] = dv
        dv_sc[pl.ds(i * BLK, BLK), :] = dv
        blk = x_ref[...]
        x_sc[pl.ds(i * BLK, BLK), :] = blk
        s = jnp.sum(blk, axis=0, keepdims=True)
        q = jnp.sum(blk * blk, axis=0, keepdims=True)

        @pl.when(i == 0)
        def _():
            acc_s[...] = s
            acc_q[...] = q

        @pl.when(i > 0)
        def _():
            acc_s[...] += s
            acc_q[...] += q

    @pl.when(p == 1)
    def _():
        m = acc_s[...] / N
        v = acc_q[...] / N - m * m
        h = (x_sc[pl.ds(i * BLK, BLK), :] - m) * (lax.rsqrt(v + EPS) * g_ref[...]) + b_ref[...]
        h = h * dv_sc[pl.ds(i * BLK, BLK), :]
        xw_ref[...] = jnp.dot(h, w_ref[...], preferred_element_type=jnp.float32,
                              precision=lax.Precision.HIGHEST)


def _k_prep(x, degp, g2, b2, W):
    return pl.pallas_call(
        _prep_body,
        grid=(2, GRID),
        in_specs=[
            pl.BlockSpec((BLK, D), lambda p, i: (i * (1 - p), 0)),
            pl.BlockSpec((NC, BLK, D), lambda p, i: (0, i * (1 - p), 0)),
            pl.BlockSpec((1, D), lambda p, i: (0, 0)),
            pl.BlockSpec((1, D), lambda p, i: (0, 0)),
            pl.BlockSpec((D, D), lambda p, i: (0, 0)),
        ],
        out_specs=[
            pl.BlockSpec((BLK, D), lambda p, i: (i * p, 0)),
            pl.BlockSpec((BLK, 1), lambda p, i: (i * (1 - p) + (GRID - 1) * p, 0)),
        ],
        out_shape=[
            jax.ShapeDtypeStruct((N, D), jnp.float32),
            jax.ShapeDtypeStruct((N, 1), jnp.float32),
        ],
        scratch_shapes=[pltpu.VMEM((N, D), jnp.float32),
                        pltpu.VMEM((N, 1), jnp.float32),
                        pltpu.VMEM((1, D), jnp.float32),
                        pltpu.VMEM((1, D), jnp.float32)],
    )(x, degp, g2, b2, W)


def _layer_body(sp_ref, xw_ref, dinv_ref, bc_ref, g_ref, b_ref, w_ref,
                out_ref, y_sc, acc_s, acc_q):
    p = pl.program_id(0)
    i = pl.program_id(1)

    @pl.when(p == 0)
    def _():
        y = sp_ref[0] + sp_ref[1] + xw_ref[...]
        y = jnp.maximum(y * dinv_ref[...] + bc_ref[...], 0.0)
        y_sc[pl.ds(i * BLK, BLK), :] = y
        s = jnp.sum(y, axis=0, keepdims=True)
        q = jnp.sum(y * y, axis=0, keepdims=True)

        @pl.when(i == 0)
        def _():
            acc_s[...] = s
            acc_q[...] = q

        @pl.when(i > 0)
        def _():
            acc_s[...] += s
            acc_q[...] += q

    @pl.when(p == 1)
    def _():
        m = acc_s[...] / N
        v = acc_q[...] / N - m * m
        h = (y_sc[pl.ds(i * BLK, BLK), :] - m) * (lax.rsqrt(v + EPS) * g_ref[...]) + b_ref[...]
        h = h * dinv_ref[...]
        out_ref[...] = jnp.dot(h, w_ref[...], preferred_element_type=jnp.float32,
                               precision=lax.Precision.HIGHEST)


def _k_layer(sp, xw, dinv, bc2, g2, b2, W):
    return pl.pallas_call(
        _layer_body,
        grid=(2, GRID),
        in_specs=[
            pl.BlockSpec((NC, BLK, D), lambda p, i: (0, i * (1 - p), 0)),
            pl.BlockSpec((BLK, D), lambda p, i: (i * (1 - p), 0)),
            pl.BlockSpec((BLK, 1), lambda p, i: (i, 0)),
            pl.BlockSpec((1, D), lambda p, i: (0, 0)),
            pl.BlockSpec((1, D), lambda p, i: (0, 0)),
            pl.BlockSpec((1, D), lambda p, i: (0, 0)),
            pl.BlockSpec((D, D), lambda p, i: (0, 0)),
        ],
        out_specs=pl.BlockSpec((BLK, D), lambda p, i: (i * p, 0)),
        out_shape=jax.ShapeDtypeStruct((N, D), jnp.float32),
        scratch_shapes=[pltpu.VMEM((N, D), jnp.float32),
                        pltpu.VMEM((1, D), jnp.float32),
                        pltpu.VMEM((1, D), jnp.float32)],
    )(sp, xw, dinv, bc2, g2, b2, W)


def _final_body(sp_ref, xw_ref, dinv_ref, b_ref, w_ref, ob_ref, out_ref):
    y = sp_ref[0] + sp_ref[1] + xw_ref[...]
    y = jnp.maximum(y * dinv_ref[...] + b_ref[...], 0.0)
    out_ref[...] = jnp.dot(y, w_ref[...], preferred_element_type=jnp.float32,
                           precision=lax.Precision.HIGHEST) + ob_ref[...]


def _k_final(sp, xw, dinv, b2, wp, obp):
    return pl.pallas_call(
        _final_body,
        grid=(GRID,),
        in_specs=[
            pl.BlockSpec((NC, BLK, D), lambda i: (0, i, 0)),
            pl.BlockSpec((BLK, D), lambda i: (i, 0)),
            pl.BlockSpec((BLK, 1), lambda i: (i, 0)),
            pl.BlockSpec((1, D), lambda i: (0, 0)),
            pl.BlockSpec((D, NCLS), lambda i: (0, 0)),
            pl.BlockSpec((1, NCLS), lambda i: (0, 0)),
        ],
        out_specs=pl.BlockSpec((BLK, NCLS), lambda i: (i, 0)),
        out_shape=jax.ShapeDtypeStruct((N, NCLS), jnp.float32),
    )(sp, xw, dinv, b2, wp, obp)


def kernel(x, edge_index, bn1_g, bn1_b, W1, b1, bn2_g, bn2_b, W2, b2,
           bn3_g, bn3_b, W3, b3, out_W, out_b):
    f32 = jnp.float32
    src2 = edge_index[0].reshape(NW, EPW)
    dst3 = edge_index[1].reshape(NW, NB, B)
    zeros_nd = jnp.zeros((NP, D), f32)
    ones_bd = jnp.ones((B, D), f32)
    wp = out_W
    obp = out_b.reshape(1, NCLS)
    r2 = lambda a: a.reshape(1, D)

    degp = _sc_deg(dst3, zeros_nd, ones_bd)
    xw1, dinv = _k_prep(x, degp, r2(bn1_g), r2(bn1_b), W1)
    sp1 = _sc_spmm(xw1, src2, dst3, zeros_nd)
    xw2 = _k_layer(sp1, xw1, dinv, r2(b1), r2(bn2_g), r2(bn2_b), W2)
    sp2 = _sc_spmm(xw2, src2, dst3, zeros_nd)
    xw3 = _k_layer(sp2, xw2, dinv, r2(b2), r2(bn3_g), r2(bn3_b), W3)
    sp3 = _sc_spmm(xw3, src2, dst3, zeros_nd)
    return _k_final(sp3, xw3, dinv, r2(b3), wp, obp)

# --- scband reference (transcript-rebuilt; emitter-appended) ---
"""Pipeline reference for scband-gcn-79894981640830 (READ-ONLY COPY).

The authoritative reference and input builder live on the scoring server;
editing this copy changes nothing except your own understanding.
"""

import jax, jax.numpy as jnp
import numpy as np

N_NODES = 10000
N_EDGES = 320000
D_IN = 128
D_HID = 128
N_CLASSES = 40
EPS = 1e-5


def _bn(x, g, b):
    # BatchNorm over node dimension (training-mode batch statistics)
    m = jnp.mean(x, axis=0)
    v = jnp.var(x, axis=0)
    return (x - m) / jnp.sqrt(v + EPS) * g + b


def _gcn_conv(x, edge_index, W, b):
    # GCNConv: D^{-1/2} (A + I) D^{-1/2} X W + b
    loop = jnp.arange(N_NODES, dtype=edge_index.dtype)
    src = jnp.concatenate([edge_index[0], loop])
    dst = jnp.concatenate([edge_index[1], loop])
    deg = jax.ops.segment_sum(jnp.ones(src.shape[0], dtype=x.dtype), dst, num_segments=N_NODES)
    dinv = jnp.where(deg > 0, 1.0 / jnp.sqrt(deg), 0.0)
    norm = dinv[src] * dinv[dst]
    xw = x @ W
    msg = xw[src] * norm[:, None]
    out = jax.ops.segment_sum(msg, dst, num_segments=N_NODES)
    return out + b


def setup_inputs(seed: int = 0) -> dict:
    key = jax.random.key(seed)
    ks = jax.random.split(key, 12)
    inp = {}
    inp["x"] = jax.random.normal(ks[0], (N_NODES, D_IN), dtype=jnp.float32)
    inp["edge_index"] = jax.random.randint(ks[1], (2, N_EDGES), 0, N_NODES, dtype=jnp.int32)
    s_in = 1.0 / np.sqrt(D_IN)
    s_hid = 1.0 / np.sqrt(D_HID)
    inp["bn1_g"] = jnp.ones((D_IN,), dtype=jnp.float32)
    inp["bn1_b"] = jnp.zeros((D_IN,), dtype=jnp.float32)
    inp["W1"] = jax.random.normal(ks[2], (D_IN, D_HID), dtype=jnp.float32) * s_in
    inp["b1"] = jnp.zeros((D_HID,), dtype=jnp.float32)
    inp["bn2_g"] = jnp.ones((D_HID,), dtype=jnp.float32)
    inp["bn2_b"] = jnp.zeros((D_HID,), dtype=jnp.float32)
    inp["W2"] = jax.random.normal(ks[3], (D_HID, D_HID), dtype=jnp.float32) * s_hid
    inp["b2"] = jnp.zeros((D_HID,), dtype=jnp.float32)
    inp["bn3_g"] = jnp.ones((D_HID,), dtype=jnp.float32)
    inp["bn3_b"] = jnp.zeros((D_HID,), dtype=jnp.float32)
    inp["W3"] = jax.random.normal(ks[4], (D_HID, D_HID), dtype=jnp.float32) * s_hid
    inp["b3"] = jnp.zeros((D_HID,), dtype=jnp.float32)
    inp["out_W"] = jax.random.normal(ks[5], (D_HID, N_CLASSES), dtype=jnp.float32) * s_hid
    inp["out_b"] = jnp.zeros((N_CLASSES,), dtype=jnp.float32)
    return inp


def reference(x, edge_index, bn1_g, bn1_b, W1, b1, bn2_g, bn2_b, W2, b2, bn3_g, bn3_b, W3, b3, out_W, out_b):
    # Dropout is identity in eval mode.
    h = _bn(x, bn1_g, bn1_b)
    h = jax.nn.relu(_gcn_conv(h, edge_index, W1, b1))
    h = _bn(h, bn2_g, bn2_b)
    h = jax.nn.relu(_gcn_conv(h, edge_index, W2, b2))
    h = _bn(h, bn3_g, bn3_b)
    h = jax.nn.relu(_gcn_conv(h, edge_index, W3, b3))
    logits = h @ out_W + out_b
    return jnp.squeeze(logits)

if __name__ == "__main__":
    import jax
    _d = setup_inputs()
    print(jax.jit(kernel)(*tuple(_d.values())))

</pallas_src>

<mosaic_0001>
#map = affine_map<(d0, d1) -> (0, 0)>
#map1 = affine_map<(d0, d1) -> (0, 0, 0)>
module attributes {stable_mosaic.version = 14 : i64} {
  func.func @_spmm_body(%arg0: i32, %arg1: i32, %arg2: memref<10000x128xf32, #tpu.memory_space<hbm>>, %arg3: memref<32x10000xi32, #tpu.memory_space<hbm>>, %arg4: memref<32x125x80xi32, #tpu.memory_space<hbm>>, %arg5: memref<10240x128xf32, #tpu.memory_space<hbm>>, %arg6: memref<2x10240x128xf32, #tpu.memory_space<hbm>>, %arg7: memref<10240x128xf32, #tpu.memory_space<vmem_shared>>, %arg8: memref<10000xi32, #tpu.memory_space<vmem>>, %arg9: memref<125x80xi32, #tpu.memory_space<vmem>>, %arg10: memref<2x80x128xf32, #tpu.memory_space<vmem>>, %arg11: memref<!tpu.dma_semaphore, #tpu.memory_space<semaphore_mem>>, %arg12: memref<!tpu.dma_semaphore, #tpu.memory_space<semaphore_mem>>, %arg13: memref<!tpu.dma_semaphore, #tpu.memory_space<semaphore_mem>>) attributes {dimension_semantics = [#tpu.dimension_semantics<core_parallel>, #tpu.dimension_semantics<subcore_parallel>], iteration_bounds = array<i64: 2, 16>, scalar_prefetch = 0 : i64, scratch_operands = 7 : i64, tpu.core_type = #tpu.core_type<sc_vector_subcore>, window_params = [{transform_indices = #map}, {transform_indices = #map}, {transform_indices = #map1}, {transform_indices = #map}, {transform_indices = #map1}]} {
    %mul3A = arith.constant 16 : i32
    %mul3A_0 = arith.muli %arg0, %mul3A : i32
    %add3A = arith.addi %mul3A_0, %arg1 : i32
    %mul3A_1 = arith.constant 640 : i32
    %mul3A_2 = arith.muli %arg1, %mul3A_1 : i32
    %mul3A_3 = arith.constant 640 : i32
    %mul3A_4 = arith.muli %arg1, %mul3A_3 : i32
    %dma_start3A = arith.constant 0 : i32
    %dma_start3A_5 = tpu.memref_slice %arg7[%mul3A_4, %dma_start3A] : memref<10240x128xf32, #tpu.memory_space<vmem_shared>> -> memref<640x128xf32, #tpu.memory_space<vmem_shared>>
    %dma_start3A_6 = arith.constant 0 : i32
    %dma_start3A_7 = tpu.memref_slice %arg5[%mul3A_2, %dma_start3A_6] : memref<10240x128xf32, #tpu.memory_space<hbm>> -> memref<640x128xf32, #tpu.memory_space<hbm>>
    tpu.enqueue_dma source(%dma_start3A_7 : memref<640x128xf32, #tpu.memory_space<hbm>>) target(%dma_start3A_5 : memref<640x128xf32, #tpu.memory_space<vmem_shared>>) target_semaphore(%arg11 : memref<!tpu.dma_semaphore, #tpu.memory_space<semaphore_mem>>)
    %dma_start3A_8 = arith.constant 0 : i32
    %dma_start3A_9 = tpu.memref_slice %arg3[%add3A, %dma_start3A_8] : memref<32x10000xi32, #tpu.memory_space<hbm>> -> memref<1x10000xi32, #tpu.memory_space<hbm>>
    %dma_start3A_10 = tpu.memref_squeeze %dma_start3A_9 : memref<1x10000xi32, #tpu.memory_space<hbm>> -> memref<10000xi32, #tpu.memory_space<hbm>>
    %dma_start3A_11 = arith.constant 0 : i32
    %dma_start3A_12 = tpu.memref_slice %arg3[%add3A, %dma_start3A_11] : memref<32x10000xi32, #tpu.memory_space<hbm>> -> memref<1x10000xi32, #tpu.memory_space<hbm>>
    %dma_start3A_13 = tpu.memref_squeeze %dma_start3A_12 : memref<1x10000xi32, #tpu.memory_space<hbm>> -> memref<10000xi32, #tpu.memory_space<hbm>>
    tpu.enqueue_dma source(%dma_start3A_13 : memref<10000xi32, #tpu.memory_space<hbm>>) target(%arg8 : memref<10000xi32, #tpu.memory_space<vmem>>) target_semaphore(%arg12 : memref<!tpu.dma_semaphore, #tpu.memory_space<semaphore_mem>>)
    %dma_start3A_14 = arith.constant 0 : i32
    %dma_start3A_15 = arith.constant 0 : i32
    %dma_start3A_16 = tpu.memref_slice %arg4[%add3A, %dma_start3A_14, %dma_start3A_15] : memref<32x125x80xi32, #tpu.memory_space<hbm>> -> memref<1x125x80xi32, #tpu.memory_space<hbm>>
    %dma_start3A_17 = tpu.memref_squeeze %dma_start3A_16 : memref<1x125x80xi32, #tpu.memory_space<hbm>> -> memref<125x80xi32, #tpu.memory_space<hbm>>
    %dma_start3A_18 = arith.constant 0 : i32
    %dma_start3A_19 = arith.constant 0 : i32
    %dma_start3A_20 = tpu.memref_slice %arg4[%add3A, %dma_start3A_18, %dma_start3A_19] : memref<32x125x80xi32, #tpu.memory_space<hbm>> -> memref<1x125x80xi32, #tpu.memory_space<hbm>>
    %dma_start3A_21 = tpu.memref_squeeze %dma_start3A_20 : memref<1x125x80xi32, #tpu.memory_space<hbm>> -> memref<125x80xi32, #tpu.memory_space<hbm>>
    tpu.enqueue_dma source(%dma_start3A_21 : memref<125x80xi32, #tpu.memory_space<hbm>>) target(%arg9 : memref<125x80xi32, #tpu.memory_space<vmem>>) target_semaphore(%arg13 : memref<!tpu.dma_semaphore, #tpu.memory_space<semaphore_mem>>)
    %dma_wait3A = arith.constant 0 : i32
    %dma_wait3A_22 = tpu.memref_slice %arg7[%mul3A_4, %dma_wait3A] : memref<10240x128xf32, #tpu.memory_space<vmem_shared>> -> memref<640x128xf32, #tpu.memory_space<vmem_shared>>
    %dma_wait3A_23 = arith.constant 0 : i32
    %dma_wait3A_24 = tpu.memref_slice %arg5[%mul3A_2, %dma_wait3A_23] : memref<10240x128xf32, #tpu.memory_space<hbm>> -> memref<640x128xf32, #tpu.memory_space<hbm>>
    tpu.wait_dma2 semaphore(%arg11 : memref<!tpu.dma_semaphore, #tpu.memory_space<semaphore_mem>>) src(%dma_wait3A_24 : memref<640x128xf32, #tpu.memory_space<hbm>>) dst(%dma_wait3A_22 : memref<640x128xf32, #tpu.memory_space<vmem_shared>>)
    %dma_wait3A_25 = arith.constant 0 : i32
    %dma_wait3A_26 = tpu.memref_slice %arg3[%add3A, %dma_wait3A_25] : memref<32x10000xi32, #tpu.memory_space<hbm>> -> memref<1x10000xi32, #tpu.memory_space<hbm>>
    %dma_wait3A_27 = tpu.memref_squeeze %dma_wait3A_26 : memref<1x10000xi32, #tpu.memory_space<hbm>> -> memref<10000xi32, #tpu.memory_space<hbm>>
    %dma_wait3A_28 = arith.constant 0 : i32
    %dma_wait3A_29 = tpu.memref_slice %arg3[%add3A, %dma_wait3A_28] : memref<32x10000xi32, #tpu.memory_space<hbm>> -> memref<1x10000xi32, #tpu.memory_space<hbm>>
    %dma_wait3A_30 = tpu.memref_squeeze %dma_wait3A_29 : memref<1x10000xi32, #tpu.memory_space<hbm>> -> memref<10000xi32, #tpu.memory_space<hbm>>
    tpu.wait_dma2 semaphore(%arg12 : memref<!tpu.dma_semaphore, #tpu.memory_space<semaphore_mem>>) src(%dma_wait3A_30 : memref<10000xi32, #tpu.memory_space<hbm>>) dst(%arg8 : memref<10000xi32, #tpu.memory_space<vmem>>)
    %dma_wait3A_31 = arith.constant 0 : i32
    %dma_wait3A_32 = arith.constant 0 : i32
    %dma_wait3A_33 = tpu.memref_slice %arg4[%add3A, %dma_wait3A_31, %dma_wait3A_32] : memref<32x125x80xi32, #tpu.memory_space<hbm>> -> memref<1x125x80xi32, #tpu.memory_space<hbm>>
    %dma_wait3A_34 = tpu.memref_squeeze %dma_wait3A_33 : memref<1x125x80xi32, #tpu.memory_space<hbm>> -> memref<125x80xi32, #tpu.memory_space<hbm>>
    %dma_wait3A_35 = arith.constant 0 : i32
    %dma_wait3A_36 = arith.constant 0 : i32
    %dma_wait3A_37 = tpu.memref_slice %arg4[%add3A, %dma_wait3A_35, %dma_wait3A_36] : memref<32x125x80xi32, #tpu.memory_space<hbm>> -> memref<1x125x80xi32, #tpu.memory_space<hbm>>
    %dma_wait3A_38 = tpu.memref_squeeze %dma_wait3A_37 : memref<1x125x80xi32, #tpu.memory_space<hbm>> -> memref<125x80xi32, #tpu.memory_space<hbm>>
    tpu.wait_dma2 semaphore(%arg13 : memref<!tpu.dma_semaphore, #tpu.memory_space<semaphore_mem>>) src(%dma_wait3A_38 : memref<125x80xi32, #tpu.memory_space<hbm>>) dst(%arg9 : memref<125x80xi32, #tpu.memory_space<vmem>>)
    %barrier3A = arith.constant 0 : index
    tpu.barrier barrier_id(%barrier3A)
    %multiple_of3A = arith.constant 0 : i32
    %multiple_of3A_39 = tpu.assume_multiple %multiple_of3A, 8 : i32
    %dma_start3A_40 = arith.constant 0 : i32
    %dma_start3A_41 = arith.constant 0 : i32
    %dma_start3A_42 = arith.constant 0 : i32
    %dma_start3A_43 = tpu.memref_slice %arg10[%dma_start3A_40, %dma_start3A_41, %dma_start3A_42] : memref<2x80x128xf32, #tpu.memory_space<vmem>> -> memref<1x80x128xf32, #tpu.memory_space<vmem>>
    %dma_start3A_44 = tpu.memref_squeeze %dma_start3A_43 : memref<1x80x128xf32, #tpu.memory_space<vmem>> -> memref<80x128xf32, #tpu.memory_space<vmem>>
    %dma_start3A_45 = tpu.memref_slice %arg8[%multiple_of3A_39] : memref<10000xi32, #tpu.memory_space<vmem>> -> memref<80xi32, #tpu.memory_space<vmem>>
    %dma_start3A_46 = arith.constant 0 : i32
    %dma_start3A_47 = arith.constant 0 : i32
    %dma_start3A_48 = tpu.memref_slice %arg2[%dma_start3A_46, %dma_start3A_47] : memref<10000x128xf32, #tpu.memory_space<hbm>> -> memref<10000x128xf32, #tpu.memory_space<hbm>>
    tpu.enqueue_indirect_dma source(%dma_start3A_48 : memref<10000x128xf32, #tpu.memory_space<hbm>>) target(%dma_start3A_44 : memref<80x128xf32, #tpu.memory_space<vmem>>) offsets(%dma_start3A_45 : memref<80xi32, #tpu.memory_space<vmem>>) semaphore(%arg11 : memref<!tpu.dma_semaphore, #tpu.memory_space<semaphore_mem>>)
    %multiple_of3A_49 = arith.constant 80 : i32
    %multiple_of3A_50 = tpu.assume_multiple %multiple_of3A_49, 8 : i32
    %dma_start3A_51 = arith.constant 1 : i32
    %dma_start3A_52 = arith.constant 0 : i32
    %dma_start3A_53 = arith.constant 0 : i32
    %dma_start3A_54 = tpu.memref_slice %arg10[%dma_start3A_51, %dma_start3A_52, %dma_start3A_53] : memref<2x80x128xf32, #tpu.memory_space<vmem>> -> memref<1x80x128xf32, #tpu.memory_space<vmem>>
    %dma_start3A_55 = tpu.memref_squeeze %dma_start3A_54 : memref<1x80x128xf32, #tpu.memory_space<vmem>> -> memref<80x128xf32, #tpu.memory_space<vmem>>
    %dma_start3A_56 = tpu.memref_slice %arg8[%multiple_of3A_50] : memref<10000xi32, #tpu.memory_space<vmem>> -> memref<80xi32, #tpu.memory_space<vmem>>
    %dma_start3A_57 = arith.constant 0 : i32
    %dma_start3A_58 = arith.constant 0 : i32
    %dma_start3A_59 = tpu.memref_slice %arg2[%dma_start3A_57, %dma_start3A_58] : memref<10000x128xf32, #tpu.memory_space<hbm>> -> memref<10000x128xf32, #tpu.memory_space<hbm>>
    tpu.enqueue_indirect_dma source(%dma_start3A_59 : memref<10000x128xf32, #tpu.memory_space<hbm>>) target(%dma_start3A_55 : memref<80x128xf32, #tpu.memory_space<vmem>>) offsets(%dma_start3A_56 : memref<80xi32, #tpu.memory_space<vmem>>) semaphore(%arg12 : memref<!tpu.dma_semaphore, #tpu.memory_space<semaphore_mem>>)
    %scan3A = arith.constant 0 : i32
    %scan3A_60 = arith.constant 0 : i32
    %scan3A_61 = arith.constant 62 : i32
    %scan3A_62 = arith.addi %scan3A_60, %scan3A_61 : i32
    %scan3A_63 = arith.constant 1 : i32
    scf.for %scan3A_82 = %scan3A_60 to %scan3A_62 step %scan3A_63  : i32 {
      %mul3A_83 = arith.constant 2 : i32
      %mul3A_84 = arith.muli %scan3A_82, %mul3A_83 : i32
      %mul3A_85 = arith.constant 80 : i32
      %mul3A_86 = arith.muli %mul3A_84, %mul3A_85 : i32
      %multiple_of3A_87 = tpu.assume_multiple %mul3A_86, 8 : i32
      %dma_wait3A_88 = arith.constant 0 : i32
      %dma_wait3A_89 = arith.constant 0 : i32
      %dma_wait3A_90 = arith.constant 0 : i32
      %dma_wait3A_91 = tpu.memref_slice %arg10[%dma_wait3A_88, %dma_wait3A_89, %dma_wait3A_90] : memref<2x80x128xf32, #tpu.memory_space<vmem>> -> memref<1x80x128xf32, #tpu.memory_space<vmem>>
      %dma_wait3A_92 = tpu.memref_squeeze %dma_wait3A_91 : memref<1x80x128xf32, #tpu.memory_space<vmem>> -> memref<80x128xf32, #tpu.memory_space<vmem>>
      %dma_wait3A_93 = tpu.memref_slice %arg8[%multiple_of3A_87] : memref<10000xi32, #tpu.memory_space<vmem>> -> memref<80xi32, #tpu.memory_space<vmem>>
      %dma_wait3A_94 = arith.constant 0 : i32
      %dma_wait3A_95 = arith.constant 0 : i32
      %dma_wait3A_96 = tpu.memref_slice %arg2[%dma_wait3A_94, %dma_wait3A_95] : memref<10000x128xf32, #tpu.memory_space<hbm>> -> memref<10000x128xf32, #tpu.memory_space<hbm>>
      tpu.wait_indirect_dma semaphore(%arg11 : memref<!tpu.dma_semaphore, #tpu.memory_space<semaphore_mem>>) src(%dma_wait3A_96 : memref<10000x128xf32, #tpu.memory_space<hbm>>) dst(%dma_wait3A_92 : memref<80x128xf32, #tpu.memory_space<vmem>>)
      %run_scoped3A_97 = arith.constant 0 : i32
      "tpu.region"() ({
        %run_scoped3A_133 = tpu.sem_alloc : memref<!tpu.dma_semaphore, #tpu.memory_space<semaphore_mem>>
        %dma_start3A_134 = arith.constant 0 : i32
        %dma_start3A_135 = arith.constant 0 : i32
        %dma_start3A_136 = tpu.memref_slice %arg10[%run_scoped3A_97, %dma_start3A_134, %dma_start3A_135] : memref<2x80x128xf32, #tpu.memory_space<vmem>> -> memref<1x80x128xf32, #tpu.memory_space<vmem>>
        %dma_start3A_137 = tpu.memref_squeeze %dma_start3A_136 : memref<1x80x128xf32, #tpu.memory_space<vmem>> -> memref<80x128xf32, #tpu.memory_space<vmem>>
        %dma_start3A_138 = arith.constant 0 : i32
        %dma_start3A_139 = tpu.memref_slice %arg9[%mul3A_84, %dma_start3A_138] : memref<125x80xi32, #tpu.memory_space<vmem>> -> memref<1x80xi32, #tpu.memory_space<vmem>>
        %dma_start3A_140 = tpu.memref_squeeze %dma_start3A_139 : memref<1x80xi32, #tpu.memory_space<vmem>> -> memref<80xi32, #tpu.memory_space<vmem>>
        %dma_start3A_141 = arith.constant 0 : i32
        %dma_start3A_142 = arith.constant 0 : i32
        %dma_start3A_143 = tpu.memref_slice %arg7[%dma_start3A_141, %dma_start3A_142] : memref<10240x128xf32, #tpu.memory_space<vmem_shared>> -> memref<10240x128xf32, #tpu.memory_space<vmem_shared>>
        tpu.enqueue_indirect_dma source(%dma_start3A_137 : memref<80x128xf32, #tpu.memory_space<vmem>>) target(%dma_start3A_143 : memref<10240x128xf32, #tpu.memory_space<vmem_shared>>) offsets(%dma_start3A_140 : memref<80xi32, #tpu.memory_space<vmem>>) semaphore(%run_scoped3A_133 : memref<!tpu.dma_semaphore, #tpu.memory_space<semaphore_mem>>) {add = true}
        %dma_wait3A_144 = arith.constant 0 : i32
        %dma_wait3A_145 = arith.constant 0 : i32
        %dma_wait3A_146 = tpu.memref_slice %arg10[%run_scoped3A_97, %dma_wait3A_144, %dma_wait3A_145] : memref<2x80x128xf32, #tpu.memory_space<vmem>> -> memref<1x80x128xf32, #tpu.memory_space<vmem>>
        %dma_wait3A_147 = tpu.memref_squeeze %dma_wait3A_146 : memref<1x80x128xf32, #tpu.memory_space<vmem>> -> memref<80x128xf32, #tpu.memory_space<vmem>>
        %dma_wait3A_148 = arith.constant 0 : i32
        %dma_wait3A_149 = tpu.memref_slice %arg9[%mul3A_84, %dma_wait3A_148] : memref<125x80xi32, #tpu.memory_space<vmem>> -> memref<1x80xi32, #tpu.memory_space<vmem>>
        %dma_wait3A_150 = tpu.memref_squeeze %dma_wait3A_149 : memref<1x80xi32, #tpu.memory_space<vmem>> -> memref<80xi32, #tpu.memory_space<vmem>>
        %dma_wait3A_151 = arith.constant 0 : i32
        %dma_wait3A_152 = arith.constant 0 : i32
        %dma_wait3A_153 = tpu.memref_slice %arg7[%dma_wait3A_151, %dma_wait3A_152] : memref<10240x128xf32, #tpu.memory_space<vmem_shared>> -> memref<10240x128xf32, #tpu.memory_space<vmem_shared>>
        tpu.wait_indirect_dma semaphore(%run_scoped3A_133 : memref<!tpu.dma_semaphore, #tpu.memory_space<semaphore_mem>>) src(%dma_wait3A_147 : memref<80x128xf32, #tpu.memory_space<vmem>>) dst(%dma_wait3A_153 : memref<10240x128xf32, #tpu.memory_space<vmem_shared>>)
        tpu.yield
      }) : () -> ()
      %add3A_98 = arith.constant 2 : i32
      %add3A_99 = arith.addi %mul3A_84, %add3A_98 : i32
      %mul3A_100 = arith.constant 80 : i32
      %mul3A_101 = arith.muli %add3A_99, %mul3A_100 : i32
      %multiple_of3A_102 = tpu.assume_multiple %mul3A_101, 8 : i32
      %dma_start3A_103 = arith.constant 0 : i32
      %dma_start3A_104 = arith.constant 0 : i32
      %dma_start3A_105 = arith.constant 0 : i32
      %dma_start3A_106 = tpu.memref_slice %arg10[%dma_start3A_103, %dma_start3A_104, %dma_start3A_105] : memref<2x80x128xf32, #tpu.memory_space<vmem>> -> memref<1x80x128xf32, #tpu.memory_space<vmem>>
      %dma_start3A_107 = tpu.memref_squeeze %dma_start3A_106 : memref<1x80x128xf32, #tpu.memory_space<vmem>> -> memref<80x128xf32, #tpu.memory_space<vmem>>
      %dma_start3A_108 = tpu.memref_slice %arg8[%multiple_of3A_102] : memref<10000xi32, #tpu.memory_space<vmem>> -> memref<80xi32, #tpu.memory_space<vmem>>
      %dma_start3A_109 = arith.constant 0 : i32
      %dma_start3A_110 = arith.constant 0 : i32
      %dma_start3A_111 = tpu.memref_slice %arg2[%dma_start3A_109, %dma_start3A_110] : memref<10000x128xf32, #tpu.memory_space<hbm>> -> memref<10000x128xf32, #tpu.memory_space<hbm>>
      tpu.enqueue_indirect_dma source(%dma_start3A_111 : memref<10000x128xf32, #tpu.memory_space<hbm>>) target(%dma_start3A_107 : memref<80x128xf32, #tpu.memory_space<vmem>>) offsets(%dma_start3A_108 : memref<80xi32, #tpu.memory_space<vmem>>) semaphore(%arg11 : memref<!tpu.dma_semaphore, #tpu.memory_space<semaphore_mem>>)
      %add3A_112 = arith.constant 1 : i32
      %add3A_113 = arith.addi %mul3A_84, %add3A_112 : i32
      %mul3A_114 = arith.constant 80 : i32
      %mul3A_115 = arith.muli %add3A_113, %mul3A_114 : i32
      %multiple_of3A_116 = tpu.assume_multiple %mul3A_115, 8 : i32
      %dma_wait3A_117 = arith.constant 1 : i32
      %dma_wait3A_118 = arith.constant 0 : i32
      %dma_wait3A_119 = arith.constant 0 : i32
      %dma_wait3A_120 = tpu.memref_slice %arg10[%dma_wait3A_117, %dma_wait3A_118, %dma_wait3A_119] : memref<2x80x128xf32, #tpu.memory_space<vmem>> -> memref<1x80x128xf32, #tpu.memory_space<vmem>>
      %dma_wait3A_121 = tpu.memref_squeeze %dma_wait3A_120 : memref<1x80x128xf32, #tpu.memory_space<vmem>> -> memref<80x128xf32, #tpu.memory_space<vmem>>
      %dma_wait3A_122 = tpu.memref_slice %arg8[%multiple_of3A_116] : memref<10000xi32, #tpu.memory_space<vmem>> -> memref<80xi32, #tpu.memory_space<vmem>>
      %dma_wait3A_123 = arith.constant 0 : i32
      %dma_wait3A_124 = arith.constant 0 : i32
      %dma_wait3A_125 = tpu.memref_slice %arg2[%dma_wait3A_123, %dma_wait3A_124] : memref<10000x128xf32, #tpu.memory_space<hbm>> -> memref<10000x128xf32, #tpu.memory_space<hbm>>
      tpu.wait_indirect_dma semaphore(%arg12 : memref<!tpu.dma_semaphore, #tpu.memory_space<semaphore_mem>>) src(%dma_wait3A_125 : memref<10000x128xf32, #tpu.memory_space<hbm>>) dst(%dma_wait3A_121 : memref<80x128xf32, #tpu.memory_space<vmem>>)
      %add3A_126 = arith.constant 1 : i32
      %add3A_127 = arith.addi %mul3A_84, %add3A_126 : i32
      %run_scoped3A_128 = arith.constant 1 : i32
      "tpu.region"() ({
        %run_scoped3A_133 = tpu.sem_alloc : memref<!tpu.dma_semaphore, #tpu.memory_space<semaphore_mem>>
        %dma_start3A_134 = arith.constant 0 : i32
        %dma_start3A_135 = arith.constant 0 : i32
        %dma_start3A_136 = tpu.memref_slice %arg10[%run_scoped3A_128, %dma_start3A_134, %dma_start3A_135] : memref<2x80x128xf32, #tpu.memory_space<vmem>> -> memref<1x80x128xf32, #tpu.memory_space<vmem>>
        %dma_start3A_137 = tpu.memref_squeeze %dma_start3A_136 : memref<1x80x128xf32, #tpu.memory_space<vmem>> -> memref<80x128xf32, #tpu.memory_space<vmem>>
        %dma_start3A_138 = arith.constant 0 : i32
        %dma_start3A_139 = tpu.memref_slice %arg9[%add3A_127, %dma_start3A_138] : memref<125x80xi32, #tpu.memory_space<vmem>> -> memref<1x80xi32, #tpu.memory_space<vmem>>
        %dma_start3A_140 = tpu.memref_squeeze %dma_start3A_139 : memref<1x80xi32, #tpu.memory_space<vmem>> -> memref<80xi32, #tpu.memory_space<vmem>>
        %dma_start3A_141 = arith.constant 0 : i32
        %dma_start3A_142 = arith.constant 0 : i32
        %dma_start3A_143 = tpu.memref_slice %arg7[%dma_start3A_141, %dma_start3A_142] : memref<10240x128xf32, #tpu.memory_space<vmem_shared>> -> memref<10240x128xf32, #tpu.memory_space<vmem_shared>>
        tpu.enqueue_indirect_dma source(%dma_start3A_137 : memref<80x128xf32, #tpu.memory_space<vmem>>) target(%dma_start3A_143 : memref<10240x128xf32, #tpu.memory_space<vmem_shared>>) offsets(%dma_start3A_140 : memref<80xi32, #tpu.memory_space<vmem>>) semaphore(%run_scoped3A_133 : memref<!tpu.dma_semaphore, #tpu.memory_space<semaphore_mem>>) {add = true}
        %dma_wait3A_144 = arith.constant 0 : i32
        %dma_wait3A_145 = arith.constant 0 : i32
        %dma_wait3A_146 = tpu.memref_slice %arg10[%run_scoped3A_128, %dma_wait3A_144, %dma_wait3A_145] : memref<2x80x128xf32, #tpu.memory_space<vmem>> -> memref<1x80x128xf32, #tpu.memory_space<vmem>>
        %dma_wait3A_147 = tpu.memref_squeeze %dma_wait3A_146 : memref<1x80x128xf32, #tpu.memory_space<vmem>> -> memref<80x128xf32, #tpu.memory_space<vmem>>
        %dma_wait3A_148 = arith.constant 0 : i32
        %dma_wait3A_149 = tpu.memref_slice %arg9[%add3A_127, %dma_wait3A_148] : memref<125x80xi32, #tpu.memory_space<vmem>> -> memref<1x80xi32, #tpu.memory_space<vmem>>
        %dma_wait3A_150 = tpu.memref_squeeze %dma_wait3A_149 : memref<1x80xi32, #tpu.memory_space<vmem>> -> memref<80xi32, #tpu.memory_space<vmem>>
        %dma_wait3A_151 = arith.constant 0 : i32
        %dma_wait3A_152 = arith.constant 0 : i32
        %dma_wait3A_153 = tpu.memref_slice %arg7[%dma_wait3A_151, %dma_wait3A_152] : memref<10240x128xf32, #tpu.memory_space<vmem_shared>> -> memref<10240x128xf32, #tpu.memory_space<vmem_shared>>
        tpu.wait_indirect_dma semaphore(%run_scoped3A_133 : memref<!tpu.dma_semaphore, #tpu.memory_space<semaphore_mem>>) src(%dma_wait3A_147 : memref<80x128xf32, #tpu.memory_space<vmem>>) dst(%dma_wait3A_153 : memref<10240x128xf32, #tpu.memory_space<vmem_shared>>)
        tpu.yield
      }) : () -> ()
      %add3A_129 = arith.constant 3 : i32
      %add3A_130 = arith.addi %mul3A_84, %add3A_129 : i32
      %lt3A = arith.constant 125 : i32
      %lt3A_131 = arith.cmpi slt, %add3A_130, %lt3A : i32
      %convert_element_type3A = arith.extui %lt3A_131 : i1 to i32
      %cond3A = arith.constant 0 : i32
      %cond3A_132 = arith.cmpi ne, %convert_element_type3A, %cond3A : i32
      scf.if %cond3A_132 {
        %add3A_133 = arith.constant 3 : i32
        %add3A_134 = arith.addi %mul3A_84, %add3A_133 : i32
        %mul3A_135 = arith.constant 80 : i32
        %mul3A_136 = arith.muli %add3A_134, %mul3A_135 : i32
        %multiple_of3A_137 = tpu.assume_multiple %mul3A_136, 8 : i32
        %dma_start3A_138 = arith.constant 1 : i32
        %dma_start3A_139 = arith.constant 0 : i32
        %dma_start3A_140 = arith.constant 0 : i32
        %dma_start3A_141 = tpu.memref_slice %arg10[%dma_start3A_138, %dma_start3A_139, %dma_start3A_140] : memref<2x80x128xf32, #tpu.memory_space<vmem>> -> memref<1x80x128xf32, #tpu.memory_space<vmem>>
        %dma_start3A_142 = tpu.memref_squeeze %dma_start3A_141 : memref<1x80x128xf32, #tpu.memory_space<vmem>> -> memref<80x128xf32, #tpu.memory_space<vmem>>
        %dma_start3A_143 = tpu.memref_slice %arg8[%multiple_of3A_137] : memref<10000xi32, #tpu.memory_space<vmem>> -> memref<80xi32, #tpu.memory_space<vmem>>
        %dma_start3A_144 = arith.constant 0 : i32
        %dma_start3A_145 = arith.constant 0 : i32
        %dma_start3A_146 = tpu.memref_slice %arg2[%dma_start3A_144, %dma_start3A_145] : memref<10000x128xf32, #tpu.memory_space<hbm>> -> memref<10000x128xf32, #tpu.memory_space<hbm>>
        tpu.enqueue_indirect_dma source(%dma_start3A_146 : memref<10000x128xf32, #tpu.memory_space<hbm>>) target(%dma_start3A_142 : memref<80x128xf32, #tpu.memory_space<vmem>>) offsets(%dma_start3A_143 : memref<80xi32, #tpu.memory_space<vmem>>) semaphore(%arg12 : memref<!tpu.dma_semaphore, #tpu.memory_space<semaphore_mem>>)
      } else {
      }
    }
    %scan3A_64 = arith.constant 62 : i32
    %multiple_of3A_65 = arith.constant 9920 : i32
    %multiple_of3A_66 = tpu.assume_multiple %multiple_of3A_65, 8 : i32
    %dma_wait3A_67 = arith.constant 0 : i32
    %dma_wait3A_68 = arith.constant 0 : i32
    %dma_wait3A_69 = arith.constant 0 : i32
    %dma_wait3A_70 = tpu.memref_slice %arg10[%dma_wait3A_67, %dma_wait3A_68, %dma_wait3A_69] : memref<2x80x128xf32, #tpu.memory_space<vmem>> -> memref<1x80x128xf32, #tpu.memory_space<vmem>>
    %dma_wait3A_71 = tpu.memref_squeeze %dma_wait3A_70 : memref<1x80x128xf32, #tpu.memory_space<vmem>> -> memref<80x128xf32, #tpu.memory_space<vmem>>
    %dma_wait3A_72 = tpu.memref_slice %arg8[%multiple_of3A_66] : memref<10000xi32, #tpu.memory_space<vmem>> -> memref<80xi32, #tpu.memory_space<vmem>>
    %dma_wait3A_73 = arith.constant 0 : i32
    %dma_wait3A_74 = arith.constant 0 : i32
    %dma_wait3A_75 = tpu.memref_slice %arg2[%dma_wait3A_73, %dma_wait3A_74] : memref<10000x128xf32, #tpu.memory_space<hbm>> -> memref<10000x128xf32, #tpu.memory_space<hbm>>
    tpu.wait_indirect_dma semaphore(%arg11 : memref<!tpu.dma_semaphore, #tpu.memory_space<semaphore_mem>>) src(%dma_wait3A_75 : memref<10000x128xf32, #tpu.memory_space<hbm>>) dst(%dma_wait3A_71 : memref<80x128xf32, #tpu.memory_space<vmem>>)
    %run_scoped3A = arith.constant 0 : i32
    %run_scoped3A_76 = arith.constant 124 : i32
    "tpu.region"() ({
      %run_scoped3A_82 = tpu.sem_alloc : memref<!tpu.dma_semaphore, #tpu.memory_space<semaphore_mem>>
      %dma_start3A_83 = arith.constant 0 : i32
      %dma_start3A_84 = arith.constant 0 : i32
      %dma_start3A_85 = tpu.memref_slice %arg10[%run_scoped3A, %dma_start3A_83, %dma_start3A_84] : memref<2x80x128xf32, #tpu.memory_space<vmem>> -> memref<1x80x128xf32, #tpu.memory_space<vmem>>
      %dma_start3A_86 = tpu.memref_squeeze %dma_start3A_85 : memref<1x80x128xf32, #tpu.memory_space<vmem>> -> memref<80x128xf32, #tpu.memory_space<vmem>>
      %dma_start3A_87 = arith.constant 0 : i32
      %dma_start3A_88 = tpu.memref_slice %arg9[%run_scoped3A_76, %dma_start3A_87] : memref<125x80xi32, #tpu.memory_space<vmem>> -> memref<1x80xi32, #tpu.memory_space<vmem>>
      %dma_start3A_89 = tpu.memref_squeeze %dma_start3A_88 : memref<1x80xi32, #tpu.memory_space<vmem>> -> memref<80xi32, #tpu.memory_space<vmem>>
      %dma_start3A_90 = arith.constant 0 : i32
      %dma_start3A_91 = arith.constant 0 : i32
      %dma_start3A_92 = tpu.memref_slice %arg7[%dma_start3A_90, %dma_start3A_91] : memref<10240x128xf32, #tpu.memory_space<vmem_shared>> -> memref<10240x128xf32, #tpu.memory_space<vmem_shared>>
      tpu.enqueue_indirect_dma source(%dma_start3A_86 : memref<80x128xf32, #tpu.memory_space<vmem>>) target(%dma_start3A_92 : memref<10240x128xf32, #tpu.memory_space<vmem_shared>>) offsets(%dma_start3A_89 : memref<80xi32, #tpu.memory_space<vmem>>) semaphore(%run_scoped3A_82 : memref<!tpu.dma_semaphore, #tpu.memory_space<semaphore_mem>>) {add = true}
      %dma_wait3A_93 = arith.constant 0 : i32
      %dma_wait3A_94 = arith.constant 0 : i32
      %dma_wait3A_95 = tpu.memref_slice %arg10[%run_scoped3A, %dma_wait3A_93, %dma_wait3A_94] : memref<2x80x128xf32, #tpu.memory_space<vmem>> -> memref<1x80x128xf32, #tpu.memory_space<vmem>>
      %dma_wait3A_96 = tpu.memref_squeeze %dma_wait3A_95 : memref<1x80x128xf32, #tpu.memory_space<vmem>> -> memref<80x128xf32, #tpu.memory_space<vmem>>
      %dma_wait3A_97 = arith.constant 0 : i32
      %dma_wait3A_98 = tpu.memref_slice %arg9[%run_scoped3A_76, %dma_wait3A_97] : memref<125x80xi32, #tpu.memory_space<vmem>> -> memref<1x80xi32, #tpu.memory_space<vmem>>
      %dma_wait3A_99 = tpu.memref_squeeze %dma_wait3A_98 : memref<1x80xi32, #tpu.memory_space<vmem>> -> memref<80xi32, #tpu.memory_space<vmem>>
      %dma_wait3A_100 = arith.constant 0 : i32
      %dma_wait3A_101 = arith.constant 0 : i32
      %dma_wait3A_102 = tpu.memref_slice %arg7[%dma_wait3A_100, %dma_wait3A_101] : memref<10240x128xf32, #tpu.memory_space<vmem_shared>> -> memref<10240x128xf32, #tpu.memory_space<vmem_shared>>
      tpu.wait_indirect_dma semaphore(%run_scoped3A_82 : memref<!tpu.dma_semaphore, #tpu.memory_space<semaphore_mem>>) src(%dma_wait3A_96 : memref<80x128xf32, #tpu.memory_space<vmem>>) dst(%dma_wait3A_102 : memref<10240x128xf32, #tpu.memory_space<vmem_shared>>)
      tpu.yield
    }) : () -> ()
    %barrier3A_77 = arith.constant 0 : index
    tpu.barrier barrier_id(%barrier3A_77)
    %mul3A_78 = arith.constant 640 : i32
    %mul3A_79 = arith.muli %arg1, %mul3A_78 : i32
    %mul3A_80 = arith.constant 640 : i32
    %mul3A_81 = arith.muli %arg1, %mul3A_80 : i32
    "tpu.region"() ({
      %run_scoped3A_82 = tpu.sem_alloc : memref<!tpu.dma_semaphore, #tpu.memory_space<semaphore_mem>>
      %dma_start3A_83 = arith.constant 0 : i32
      %dma_start3A_84 = arith.constant 0 : i32
      %dma_start3A_85 = tpu.memref_slice %arg6[%arg0, %dma_start3A_83, %dma_start3A_84] : memref<2x10240x128xf32, #tpu.memory_space<hbm>> -> memref<1x10240x128xf32, #tpu.memory_space<hbm>>
      %dma_start3A_86 = tpu.memref_squeeze %dma_start3A_85 : memref<1x10240x128xf32, #tpu.memory_space<hbm>> -> memref<10240x128xf32, #tpu.memory_space<hbm>>
      %dma_start3A_87 = arith.constant 0 : i32
      %dma_start3A_88 = tpu.memref_slice %dma_start3A_86[%mul3A_81, %dma_start3A_87] : memref<10240x128xf32, #tpu.memory_space<hbm>> -> memref<640x128xf32, #tpu.memory_space<hbm>>
      %dma_start3A_89 = arith.constant 0 : i32
      %dma_start3A_90 = tpu.memref_slice %arg7[%mul3A_79, %dma_start3A_89] : memref<10240x128xf32, #tpu.memory_space<vmem_shared>> -> memref<640x128xf32, #tpu.memory_space<vmem_shared>>
      tpu.enqueue_dma source(%dma_start3A_90 : memref<640x128xf32, #tpu.memory_space<vmem_shared>>) target(%dma_start3A_88 : memref<640x128xf32, #tpu.memory_space<hbm>>) target_semaphore(%run_scoped3A_82 : memref<!tpu.dma_semaphore, #tpu.memory_space<semaphore_mem>>)
      %dma_wait3A_91 = arith.constant 0 : i32
      %dma_wait3A_92 = arith.constant 0 : i32
      %dma_wait3A_93 = tpu.memref_slice %arg6[%arg0, %dma_wait3A_91, %dma_wait3A_92] : memref<2x10240x128xf32, #tpu.memory_space<hbm>> -> memref<1x10240x128xf32, #tpu.memory_space<hbm>>
      %dma_wait3A_94 = tpu.memref_squeeze %dma_wait3A_93 : memref<1x10240x128xf32, #tpu.memory_space<hbm>> -> memref<10240x128xf32, #tpu.memory_space<hbm>>
      %dma_wait3A_95 = arith.constant 0 : i32
      %dma_wait3A_96 = tpu.memref_slice %dma_wait3A_94[%mul3A_81, %dma_wait3A_95] : memref<10240x128xf32, #tpu.memory_space<hbm>> -> memref<640x128xf32, #tpu.memory_space<hbm>>
      %dma_wait3A_97 = arith.constant 0 : i32
      %dma_wait3A_98 = tpu.memref_slice %arg7[%mul3A_79, %dma_wait3A_97] : memref<10240x128xf32, #tpu.memory_space<vmem_shared>> -> memref<640x128xf32, #tpu.memory_space<vmem_shared>>
      tpu.wait_dma2 semaphore(%run_scoped3A_82 : memref<!tpu.dma_semaphore, #tpu.memory_space<semaphore_mem>>) src(%dma_wait3A_98 : memref<640x128xf32, #tpu.memory_space<vmem_shared>>) dst(%dma_wait3A_96 : memref<640x128xf32, #tpu.memory_space<hbm>>)
      tpu.yield
    }) : () -> ()
    return
  }
}

#map = affine_map<(d0, d1) -> (0, 0, 0)>
#map1 = affine_map<(d0, d1) -> (0, 0)>
module attributes {stable_mosaic.version = 14 : i64} {
  func.func @_deg_body(%arg0: i32, %arg1: i32, %arg2: memref<32x125x80xi32, #tpu.memory_space<hbm>>, %arg3: memref<10240x128xf32, #tpu.memory_space<hbm>>, %arg4: memref<80x128xf32, #tpu.memory_space<hbm>>, %arg5: memref<2x10240x128xf32, #tpu.memory_space<hbm>>, %arg6: memref<10240x128xf32, #tpu.memory_space<vmem_shared>>, %arg7: memref<125x80xi32, #tpu.memory_space<vmem>>, %arg8: memref<80x128xf32, #tpu.memory_space<vmem>>, %arg9: memref<!tpu.dma_semaphore, #tpu.memory_space<semaphore_mem>>, %arg10: memref<!tpu.dma_semaphore, #tpu.memory_space<semaphore_mem>>, %arg11: memref<!tpu.dma_semaphore, #tpu.memory_space<semaphore_mem>>) attributes {dimension_semantics = [#tpu.dimension_semantics<core_parallel>, #tpu.dimension_semantics<subcore_parallel>], iteration_bounds = array<i64: 2, 16>, scalar_prefetch = 0 : i64, scratch_operands = 6 : i64, tpu.core_type = #tpu.core_type<sc_vector_subcore>, window_params = [{transform_indices = #map}, {transform_indices = #map1}, {transform_indices = #map1}, {transform_indices = #map}]} {
    %mul3A = arith.constant 16 : i32
    %mul3A_0 = arith.muli %arg0, %mul3A : i32
    %add3A = arith.addi %mul3A_0, %arg1 : i32
    %mul3A_1 = arith.constant 640 : i32
    %mul3A_2 = arith.muli %arg1, %mul3A_1 : i32
    %mul3A_3 = arith.constant 640 : i32
    %mul3A_4 = arith.muli %arg1, %mul3A_3 : i32
    %dma_start3A = arith.constant 0 : i32
    %dma_start3A_5 = tpu.memref_slice %arg6[%mul3A_4, %dma_start3A] : memref<10240x128xf32, #tpu.memory_space<vmem_shared>> -> memref<640x128xf32, #tpu.memory_space<vmem_shared>>
    %dma_start3A_6 = arith.constant 0 : i32
    %dma_start3A_7 = tpu.memref_slice %arg3[%mul3A_2, %dma_start3A_6] : memref<10240x128xf32, #tpu.memory_space<hbm>> -> memref<640x128xf32, #tpu.memory_space<hbm>>
    tpu.enqueue_dma source(%dma_start3A_7 : memref<640x128xf32, #tpu.memory_space<hbm>>) target(%dma_start3A_5 : memref<640x128xf32, #tpu.memory_space<vmem_shared>>) target_semaphore(%arg9 : memref<!tpu.dma_semaphore, #tpu.memory_space<semaphore_mem>>)
    %dma_start3A_8 = arith.constant 0 : i32
    %dma_start3A_9 = arith.constant 0 : i32
    %dma_start3A_10 = tpu.memref_slice %arg2[%add3A, %dma_start3A_8, %dma_start3A_9] : memref<32x125x80xi32, #tpu.memory_space<hbm>> -> memref<1x125x80xi32, #tpu.memory_space<hbm>>
    %dma_start3A_11 = tpu.memref_squeeze %dma_start3A_10 : memref<1x125x80xi32, #tpu.memory_space<hbm>> -> memref<125x80xi32, #tpu.memory_space<hbm>>
    %dma_start3A_12 = arith.constant 0 : i32
    %dma_start3A_13 = arith.constant 0 : i32
    %dma_start3A_14 = tpu.memref_slice %arg2[%add3A, %dma_start3A_12, %dma_start3A_13] : memref<32x125x80xi32, #tpu.memory_space<hbm>> -> memref<1x125x80xi32, #tpu.memory_space<hbm>>
    %dma_start3A_15 = tpu.memref_squeeze %dma_start3A_14 : memref<1x125x80xi32, #tpu.memory_space<hbm>> -> memref<125x80xi32, #tpu.memory_space<hbm>>
    tpu.enqueue_dma source(%dma_start3A_15 : memref<125x80xi32, #tpu.memory_space<hbm>>) target(%arg7 : memref<125x80xi32, #tpu.memory_space<vmem>>) target_semaphore(%arg10 : memref<!tpu.dma_semaphore, #tpu.memory_space<semaphore_mem>>)
    tpu.enqueue_dma source(%arg4 : memref<80x128xf32, #tpu.memory_space<hbm>>) target(%arg8 : memref<80x128xf32, #tpu.memory_space<vmem>>) target_semaphore(%arg11 : memref<!tpu.dma_semaphore, #tpu.memory_space<semaphore_mem>>)
    %dma_wait3A = arith.constant 0 : i32
    %dma_wait3A_16 = tpu.memref_slice %arg6[%mul3A_4, %dma_wait3A] : memref<10240x128xf32, #tpu.memory_space<vmem_shared>> -> memref<640x128xf32, #tpu.memory_space<vmem_shared>>
    %dma_wait3A_17 = arith.constant 0 : i32
    %dma_wait3A_18 = tpu.memref_slice %arg3[%mul3A_2, %dma_wait3A_17] : memref<10240x128xf32, #tpu.memory_space<hbm>> -> memref<640x128xf32, #tpu.memory_space<hbm>>
    tpu.wait_dma2 semaphore(%arg9 : memref<!tpu.dma_semaphore, #tpu.memory_space<semaphore_mem>>) src(%dma_wait3A_18 : memref<640x128xf32, #tpu.memory_space<hbm>>) dst(%dma_wait3A_16 : memref<640x128xf32, #tpu.memory_space<vmem_shared>>)
    %dma_wait3A_19 = arith.constant 0 : i32
    %dma_wait3A_20 = arith.constant 0 : i32
    %dma_wait3A_21 = tpu.memref_slice %arg2[%add3A, %dma_wait3A_19, %dma_wait3A_20] : memref<32x125x80xi32, #tpu.memory_space<hbm>> -> memref<1x125x80xi32, #tpu.memory_space<hbm>>
    %dma_wait3A_22 = tpu.memref_squeeze %dma_wait3A_21 : memref<1x125x80xi32, #tpu.memory_space<hbm>> -> memref<125x80xi32, #tpu.memory_space<hbm>>
    %dma_wait3A_23 = arith.constant 0 : i32
    %dma_wait3A_24 = arith.constant 0 : i32
    %dma_wait3A_25 = tpu.memref_slice %arg2[%add3A, %dma_wait3A_23, %dma_wait3A_24] : memref<32x125x80xi32, #tpu.memory_space<hbm>> -> memref<1x125x80xi32, #tpu.memory_space<hbm>>
    %dma_wait3A_26 = tpu.memref_squeeze %dma_wait3A_25 : memref<1x125x80xi32, #tpu.memory_space<hbm>> -> memref<125x80xi32, #tpu.memory_space<hbm>>
    tpu.wait_dma2 semaphore(%arg10 : memref<!tpu.dma_semaphore, #tpu.memory_space<semaphore_mem>>) src(%dma_wait3A_26 : memref<125x80xi32, #tpu.memory_space<hbm>>) dst(%arg7 : memref<125x80xi32, #tpu.memory_space<vmem>>)
    tpu.wait_dma2 semaphore(%arg11 : memref<!tpu.dma_semaphore, #tpu.memory_space<semaphore_mem>>) src(%arg4 : memref<80x128xf32, #tpu.memory_space<hbm>>) dst(%arg8 : memref<80x128xf32, #tpu.memory_space<vmem>>)
    %barrier3A = arith.constant 0 : index
    tpu.barrier barrier_id(%barrier3A)
    %dma_start3A_27 = arith.constant 0 : i32
    %dma_start3A_28 = arith.constant 0 : i32
    %dma_start3A_29 = tpu.memref_slice %arg7[%dma_start3A_27, %dma_start3A_28] : memref<125x80xi32, #tpu.memory_space<vmem>> -> memref<1x80xi32, #tpu.memory_space<vmem>>
    %dma_start3A_30 = tpu.memref_squeeze %dma_start3A_29 : memref<1x80xi32, #tpu.memory_space<vmem>> -> memref<80xi32, #tpu.memory_space<vmem>>
    %dma_start3A_31 = arith.constant 0 : i32
    %dma_start3A_32 = arith.constant 0 : i32
    %dma_start3A_33 = tpu.memref_slice %arg6[%dma_start3A_31, %dma_start3A_32] : memref<10240x128xf32, #tpu.memory_space<vmem_shared>> -> memref<10240x128xf32, #tpu.memory_space<vmem_shared>>
    tpu.enqueue_indirect_dma source(%arg8 : memref<80x128xf32, #tpu.memory_space<vmem>>) target(%dma_start3A_33 : memref<10240x128xf32, #tpu.memory_space<vmem_shared>>) offsets(%dma_start3A_30 : memref<80xi32, #tpu.memory_space<vmem>>) semaphore(%arg9 : memref<!tpu.dma_semaphore, #tpu.memory_space<semaphore_mem>>) {add = true}
    %dma_start3A_34 = arith.constant 1 : i32
    %dma_start3A_35 = arith.constant 0 : i32
    %dma_start3A_36 = tpu.memref_slice %arg7[%dma_start3A_34, %dma_start3A_35] : memref<125x80xi32, #tpu.memory_space<vmem>> -> memref<1x80xi32, #tpu.memory_space<vmem>>
    %dma_start3A_37 = tpu.memref_squeeze %dma_start3A_36 : memref<1x80xi32, #tpu.memory_space<vmem>> -> memref<80xi32, #tpu.memory_space<vmem>>
    %dma_start3A_38 = arith.constant 0 : i32
    %dma_start3A_39 = arith.constant 0 : i32
    %dma_start3A_40 = tpu.memref_slice %arg6[%dma_start3A_38, %dma_start3A_39] : memref<10240x128xf32, #tpu.memory_space<vmem_shared>> -> memref<10240x128xf32, #tpu.memory_space<vmem_shared>>
    tpu.enqueue_indirect_dma source(%arg8 : memref<80x128xf32, #tpu.memory_space<vmem>>) target(%dma_start3A_40 : memref<10240x128xf32, #tpu.memory_space<vmem_shared>>) offsets(%dma_start3A_37 : memref<80xi32, #tpu.memory_space<vmem>>) semaphore(%arg10 : memref<!tpu.dma_semaphore, #tpu.memory_space<semaphore_mem>>) {add = true}
    %scan3A = arith.constant 0 : i32
    %scan3A_41 = arith.constant 0 : i32
    %scan3A_42 = arith.constant 63 : i32
    %scan3A_43 = arith.addi %scan3A_41, %scan3A_42 : i32
    %scan3A_44 = arith.constant 1 : i32
    scf.for %scan3A_51 = %scan3A_41 to %scan3A_43 step %scan3A_44  : i32 {
      %mul3A_52 = arith.constant 2 : i32
      %mul3A_53 = arith.muli %scan3A_51, %mul3A_52 : i32
      %dma_wait3A_54 = arith.constant 0 : i32
      %dma_wait3A_55 = tpu.memref_slice %arg7[%mul3A_53, %dma_wait3A_54] : memref<125x80xi32, #tpu.memory_space<vmem>> -> memref<1x80xi32, #tpu.memory_space<vmem>>
      %dma_wait3A_56 = tpu.memref_squeeze %dma_wait3A_55 : memref<1x80xi32, #tpu.memory_space<vmem>> -> memref<80xi32, #tpu.memory_space<vmem>>
      %dma_wait3A_57 = arith.constant 0 : i32
      %dma_wait3A_58 = arith.constant 0 : i32
      %dma_wait3A_59 = tpu.memref_slice %arg6[%dma_wait3A_57, %dma_wait3A_58] : memref<10240x128xf32, #tpu.memory_space<vmem_shared>> -> memref<10240x128xf32, #tpu.memory_space<vmem_shared>>
      tpu.wait_indirect_dma semaphore(%arg9 : memref<!tpu.dma_semaphore, #tpu.memory_space<semaphore_mem>>) src(%arg8 : memref<80x128xf32, #tpu.memory_space<vmem>>) dst(%dma_wait3A_59 : memref<10240x128xf32, #tpu.memory_space<vmem_shared>>)
      %add3A_60 = arith.constant 2 : i32
      %add3A_61 = arith.addi %mul3A_53, %add3A_60 : i32
      %lt3A = arith.constant 125 : i32
      %lt3A_62 = arith.cmpi slt, %add3A_61, %lt3A : i32
      %convert_element_type3A = arith.extui %lt3A_62 : i1 to i32
      %cond3A = arith.constant 0 : i32
      %cond3A_63 = arith.cmpi ne, %convert_element_type3A, %cond3A : i32
      scf.if %cond3A_63 {
        %add3A_71 = arith.constant 2 : i32
        %add3A_72 = arith.addi %mul3A_53, %add3A_71 : i32
        %dma_start3A_73 = arith.constant 0 : i32
        %dma_start3A_74 = tpu.memref_slice %arg7[%add3A_72, %dma_start3A_73] : memref<125x80xi32, #tpu.memory_space<vmem>> -> memref<1x80xi32, #tpu.memory_space<vmem>>
        %dma_start3A_75 = tpu.memref_squeeze %dma_start3A_74 : memref<1x80xi32, #tpu.memory_space<vmem>> -> memref<80xi32, #tpu.memory_space<vmem>>
        %dma_start3A_76 = arith.constant 0 : i32
        %dma_start3A_77 = arith.constant 0 : i32
        %dma_start3A_78 = tpu.memref_slice %arg6[%dma_start3A_76, %dma_start3A_77] : memref<10240x128xf32, #tpu.memory_space<vmem_shared>> -> memref<10240x128xf32, #tpu.memory_space<vmem_shared>>
        tpu.enqueue_indirect_dma source(%arg8 : memref<80x128xf32, #tpu.memory_space<vmem>>) target(%dma_start3A_78 : memref<10240x128xf32, #tpu.memory_space<vmem_shared>>) offsets(%dma_start3A_75 : memref<80xi32, #tpu.memory_space<vmem>>) semaphore(%arg9 : memref<!tpu.dma_semaphore, #tpu.memory_space<semaphore_mem>>) {add = true}
      } else {
      }
      %add3A_64 = arith.constant 1 : i32
      %add3A_65 = arith.addi %mul3A_53, %add3A_64 : i32
      %lt3A_66 = arith.constant 125 : i32
      %lt3A_67 = arith.cmpi slt, %add3A_65, %lt3A_66 : i32
      %convert_element_type3A_68 = arith.extui %lt3A_67 : i1 to i32
      %cond3A_69 = arith.constant 0 : i32
      %cond3A_70 = arith.cmpi ne, %convert_element_type3A_68, %cond3A_69 : i32
      scf.if %cond3A_70 {
        %add3A_71 = arith.constant 1 : i32
        %add3A_72 = arith.addi %mul3A_53, %add3A_71 : i32
        %dma_wait3A_73 = arith.constant 0 : i32
        %dma_wait3A_74 = tpu.memref_slice %arg7[%add3A_72, %dma_wait3A_73] : memref<125x80xi32, #tpu.memory_space<vmem>> -> memref<1x80xi32, #tpu.memory_space<vmem>>
        %dma_wait3A_75 = tpu.memref_squeeze %dma_wait3A_74 : memref<1x80xi32, #tpu.memory_space<vmem>> -> memref<80xi32, #tpu.memory_space<vmem>>
        %dma_wait3A_76 = arith.constant 0 : i32
        %dma_wait3A_77 = arith.constant 0 : i32
        %dma_wait3A_78 = tpu.memref_slice %arg6[%dma_wait3A_76, %dma_wait3A_77] : memref<10240x128xf32, #tpu.memory_space<vmem_shared>> -> memref<10240x128xf32, #tpu.memory_space<vmem_shared>>
        tpu.wait_indirect_dma semaphore(%arg10 : memref<!tpu.dma_semaphore, #tpu.memory_space<semaphore_mem>>) src(%arg8 : memref<80x128xf32, #tpu.memory_space<vmem>>) dst(%dma_wait3A_78 : memref<10240x128xf32, #tpu.memory_space<vmem_shared>>)
        %add3A_79 = arith.constant 3 : i32
        %add3A_80 = arith.addi %mul3A_53, %add3A_79 : i32
        %lt3A_81 = arith.constant 125 : i32
        %lt3A_82 = arith.cmpi slt, %add3A_80, %lt3A_81 : i32
        %convert_element_type3A_83 = arith.extui %lt3A_82 : i1 to i32
        %cond3A_84 = arith.constant 0 : i32
        %cond3A_85 = arith.cmpi ne, %convert_element_type3A_83, %cond3A_84 : i32
        scf.if %cond3A_85 {
          %add3A_86 = arith.constant 3 : i32
          %add3A_87 = arith.addi %mul3A_53, %add3A_86 : i32
          %dma_start3A_88 = arith.constant 0 : i32
          %dma_start3A_89 = tpu.memref_slice %arg7[%add3A_87, %dma_start3A_88] : memref<125x80xi32, #tpu.memory_space<vmem>> -> memref<1x80xi32, #tpu.memory_space<vmem>>
          %dma_start3A_90 = tpu.memref_squeeze %dma_start3A_89 : memref<1x80xi32, #tpu.memory_space<vmem>> -> memref<80xi32, #tpu.memory_space<vmem>>
          %dma_start3A_91 = arith.constant 0 : i32
          %dma_start3A_92 = arith.constant 0 : i32
          %dma_start3A_93 = tpu.memref_slice %arg6[%dma_start3A_91, %dma_start3A_92] : memref<10240x128xf32, #tpu.memory_space<vmem_shared>> -> memref<10240x128xf32, #tpu.memory_space<vmem_shared>>
          tpu.enqueue_indirect_dma source(%arg8 : memref<80x128xf32, #tpu.memory_space<vmem>>) target(%dma_start3A_93 : memref<10240x128xf32, #tpu.memory_space<vmem_shared>>) offsets(%dma_start3A_90 : memref<80xi32, #tpu.memory_space<vmem>>) semaphore(%arg10 : memref<!tpu.dma_semaphore, #tpu.memory_space<semaphore_mem>>) {add = true}
        } else {
        }
      } else {
      }
    }
    %scan3A_45 = arith.constant 63 : i32
    %barrier3A_46 = arith.constant 0 : index
    tpu.barrier barrier_id(%barrier3A_46)
    %mul3A_47 = arith.constant 640 : i32
    %mul3A_48 = arith.muli %arg1, %mul3A_47 : i32
    %mul3A_49 = arith.constant 640 : i32
    %mul3A_50 = arith.muli %arg1, %mul3A_49 : i32
    "tpu.region"() ({
      %run_scoped3A = tpu.sem_alloc : memref<!tpu.dma_semaphore, #tpu.memory_space<semaphore_mem>>
      %dma_start3A_51 = arith.constant 0 : i32
      %dma_start3A_52 = arith.constant 0 : i32
      %dma_start3A_53 = tpu.memref_slice %arg5[%arg0, %dma_start3A_51, %dma_start3A_52] : memref<2x10240x128xf32, #tpu.memory_space<hbm>> -> memref<1x10240x128xf32, #tpu.memory_space<hbm>>
      %dma_start3A_54 = tpu.memref_squeeze %dma_start3A_53 : memref<1x10240x128xf32, #tpu.memory_space<hbm>> -> memref<10240x128xf32, #tpu.memory_space<hbm>>
      %dma_start3A_55 = arith.constant 0 : i32
      %dma_start3A_56 = tpu.memref_slice %dma_start3A_54[%mul3A_50, %dma_start3A_55] : memref<10240x128xf32, #tpu.memory_space<hbm>> -> memref<640x128xf32, #tpu.memory_space<hbm>>
      %dma_start3A_57 = arith.constant 0 : i32
      %dma_start3A_58 = tpu.memref_slice %arg6[%mul3A_48, %dma_start3A_57] : memref<10240x128xf32, #tpu.memory_space<vmem_shared>> -> memref<640x128xf32, #tpu.memory_space<vmem_shared>>
      tpu.enqueue_dma source(%dma_start3A_58 : memref<640x128xf32, #tpu.memory_space<vmem_shared>>) target(%dma_start3A_56 : memref<640x128xf32, #tpu.memory_space<hbm>>) target_semaphore(%run_scoped3A : memref<!tpu.dma_semaphore, #tpu.memory_space<semaphore_mem>>)
      %dma_wait3A_59 = arith.constant 0 : i32
      %dma_wait3A_60 = arith.constant 0 : i32
      %dma_wait3A_61 = tpu.memref_slice %arg5[%arg0, %dma_wait3A_59, %dma_wait3A_60] : memref<2x10240x128xf32, #tpu.memory_space<hbm>> -> memref<1x10240x128xf32, #tpu.memory_space<hbm>>
      %dma_wait3A_62 = tpu.memref_squeeze %dma_wait3A_61 : memref<1x10240x128xf32, #tpu.memory_space<hbm>> -> memref<10240x128xf32, #tpu.memory_space<hbm>>
      %dma_wait3A_63 = arith.constant 0 : i32
      %dma_wait3A_64 = tpu.memref_slice %dma_wait3A_62[%mul3A_50, %dma_wait3A_63] : memref<10240x128xf32, #tpu.memory_space<hbm>> -> memref<640x128xf32, #tpu.memory_space<hbm>>
      %dma_wait3A_65 = arith.constant 0 : i32
      %dma_wait3A_66 = tpu.memref_slice %arg6[%mul3A_48, %dma_wait3A_65] : memref<10240x128xf32, #tpu.memory_space<vmem_shared>> -> memref<640x128xf32, #tpu.memory_space<vmem_shared>>
      tpu.wait_dma2 semaphore(%run_scoped3A : memref<!tpu.dma_semaphore, #tpu.memory_space<semaphore_mem>>) src(%dma_wait3A_66 : memref<640x128xf32, #tpu.memory_space<vmem_shared>>) dst(%dma_wait3A_64 : memref<640x128xf32, #tpu.memory_space<hbm>>)
      tpu.yield
    }) : () -> ()
    return
  }
}

#map = affine_map<(d0, d1) -> (0, 0)>
#map1 = affine_map<(d0, d1) -> (0, 0, 0)>
module attributes {stable_mosaic.version = 14 : i64} {
  func.func @_spmm_body(%arg0: i32, %arg1: i32, %arg2: memref<10000x128xf32, #tpu.memory_space<hbm>>, %arg3: memref<32x10000xi32, #tpu.memory_space<hbm>>, %arg4: memref<32x125x80xi32, #tpu.memory_space<hbm>>, %arg5: memref<10240x128xf32, #tpu.memory_space<hbm>>, %arg6: memref<2x10240x128xf32, #tpu.memory_space<hbm>>, %arg7: memref<10240x128xf32, #tpu.memory_space<vmem_shared>>, %arg8: memref<10000xi32, #tpu.memory_space<vmem>>, %arg9: memref<125x80xi32, #tpu.memory_space<vmem>>, %arg10: memref<2x80x128xf32, #tpu.memory_space<vmem>>, %arg11: memref<!tpu.dma_semaphore, #tpu.memory_space<semaphore_mem>>, %arg12: memref<!tpu.dma_semaphore, #tpu.memory_space<semaphore_mem>>, %arg13: memref<!tpu.dma_semaphore, #tpu.memory_space<semaphore_mem>>) attributes {dimension_semantics = [#tpu.dimension_semantics<core_parallel>, #tpu.dimension_semantics<subcore_parallel>], iteration_bounds = array<i64: 2, 16>, scalar_prefetch = 0 : i64, scratch_operands = 7 : i64, tpu.core_type = #tpu.core_type<sc_vector_subcore>, window_params = [{transform_indices = #map}, {transform_indices = #map}, {transform_indices = #map1}, {transform_indices = #map}, {transform_indices = #map1}]} {
    %mul3A = arith.constant 16 : i32
    %mul3A_0 = arith.muli %arg0, %mul3A : i32
    %add3A = arith.addi %mul3A_0, %arg1 : i32
    %mul3A_1 = arith.constant 640 : i32
    %mul3A_2 = arith.muli %arg1, %mul3A_1 : i32
    %mul3A_3 = arith.constant 640 : i32
    %mul3A_4 = arith.muli %arg1, %mul3A_3 : i32
    %dma_start3A = arith.constant 0 : i32
    %dma_start3A_5 = tpu.memref_slice %arg7[%mul3A_4, %dma_start3A] : memref<10240x128xf32, #tpu.memory_space<vmem_shared>> -> memref<640x128xf32, #tpu.memory_space<vmem_shared>>
    %dma_start3A_6 = arith.constant 0 : i32
    %dma_start3A_7 = tpu.memref_slice %arg5[%mul3A_2, %dma_start3A_6] : memref<10240x128xf32, #tpu.memory_space<hbm>> -> memref<640x128xf32, #tpu.memory_space<hbm>>
    tpu.enqueue_dma source(%dma_start3A_7 : memref<640x128xf32, #tpu.memory_space<hbm>>) target(%dma_start3A_5 : memref<640x128xf32, #tpu.memory_space<vmem_shared>>) target_semaphore(%arg11 : memref<!tpu.dma_semaphore, #tpu.memory_space<semaphore_mem>>)
    %dma_start3A_8 = arith.constant 0 : i32
    %dma_start3A_9 = tpu.memref_slice %arg3[%add3A, %dma_start3A_8] : memref<32x10000xi32, #tpu.memory_space<hbm>> -> memref<1x10000xi32, #tpu.memory_space<hbm>>
    %dma_start3A_10 = tpu.memref_squeeze %dma_start3A_9 : memref<1x10000xi32, #tpu.memory_space<hbm>> -> memref<10000xi32, #tpu.memory_space<hbm>>
    %dma_start3A_11 = arith.constant 0 : i32
    %dma_start3A_12 = tpu.memref_slice %arg3[%add3A, %dma_start3A_11] : memref<32x10000xi32, #tpu.memory_space<hbm>> -> memref<1x10000xi32, #tpu.memory_space<hbm>>
    %dma_start3A_13 = tpu.memref_squeeze %dma_start3A_12 : memref<1x10000xi32, #tpu.memory_space<hbm>> -> memref<10000xi32, #tpu.memory_space<hbm>>
    tpu.enqueue_dma source(%dma_start3A_13 : memref<10000xi32, #tpu.memory_space<hbm>>) target(%arg8 : memref<10000xi32, #tpu.memory_space<vmem>>) target_semaphore(%arg12 : memref<!tpu.dma_semaphore, #tpu.memory_space<semaphore_mem>>)
    %dma_start3A_14 = arith.constant 0 : i32
    %dma_start3A_15 = arith.constant 0 : i32
    %dma_start3A_16 = tpu.memref_slice %arg4[%add3A, %dma_start3A_14, %dma_start3A_15] : memref<32x125x80xi32, #tpu.memory_space<hbm>> -> memref<1x125x80xi32, #tpu.memory_space<hbm>>
    %dma_start3A_17 = tpu.memref_squeeze %dma_start3A_16 : memref<1x125x80xi32, #tpu.memory_space<hbm>> -> memref<125x80xi32, #tpu.memory_space<hbm>>
    %dma_start3A_18 = arith.constant 0 : i32
    %dma_start3A_19 = arith.constant 0 : i32
    %dma_start3A_20 = tpu.memref_slice %arg4[%add3A, %dma_start3A_18, %dma_start3A_19] : memref<32x125x80xi32, #tpu.memory_space<hbm>> -> memref<1x125x80xi32, #tpu.memory_space<hbm>>
    %dma_start3A_21 = tpu.memref_squeeze %dma_start3A_20 : memref<1x125x80xi32, #tpu.memory_space<hbm>> -> memref<125x80xi32, #tpu.memory_space<hbm>>
    tpu.enqueue_dma source(%dma_start3A_21 : memref<125x80xi32, #tpu.memory_space<hbm>>) target(%arg9 : memref<125x80xi32, #tpu.memory_space<vmem>>) target_semaphore(%arg13 : memref<!tpu.dma_semaphore, #tpu.memory_space<semaphore_mem>>)
    %dma_wait3A = arith.constant 0 : i32
    %dma_wait3A_22 = tpu.memref_slice %arg7[%mul3A_4, %dma_wait3A] : memref<10240x128xf32, #tpu.memory_space<vmem_shared>> -> memref<640x128xf32, #tpu.memory_space<vmem_shared>>
    %dma_wait3A_23 = arith.constant 0 : i32
    %dma_wait3A_24 = tpu.memref_slice %arg5[%mul3A_2, %dma_wait3A_23] : memref<10240x128xf32, #tpu.memory_space<hbm>> -> memref<640x128xf32, #tpu.memory_space<hbm>>
    tpu.wait_dma2 semaphore(%arg11 : memref<!tpu.dma_semaphore, #tpu.memory_space<semaphore_mem>>) src(%dma_wait3A_24 : memref<640x128xf32, #tpu.memory_space<hbm>>) dst(%dma_wait3A_22 : memref<640x128xf32, #tpu.memory_space<vmem_shared>>)
    %dma_wait3A_25 = arith.constant 0 : i32
    %dma_wait3A_26 = tpu.memref_slice %arg3[%add3A, %dma_wait3A_25] : memref<32x10000xi32, #tpu.memory_space<hbm>> -> memref<1x10000xi32, #tpu.memory_space<hbm>>
    %dma_wait3A_27 = tpu.memref_squeeze %dma_wait3A_26 : memref<1x10000xi32, #tpu.memory_space<hbm>> -> memref<10000xi32, #tpu.memory_space<hbm>>
    %dma_wait3A_28 = arith.constant 0 : i32
    %dma_wait3A_29 = tpu.memref_slice %arg3[%add3A, %dma_wait3A_28] : memref<32x10000xi32, #tpu.memory_space<hbm>> -> memref<1x10000xi32, #tpu.memory_space<hbm>>
    %dma_wait3A_30 = tpu.memref_squeeze %dma_wait3A_29 : memref<1x10000xi32, #tpu.memory_space<hbm>> -> memref<10000xi32, #tpu.memory_space<hbm>>
    tpu.wait_dma2 semaphore(%arg12 : memref<!tpu.dma_semaphore, #tpu.memory_space<semaphore_mem>>) src(%dma_wait3A_30 : memref<10000xi32, #tpu.memory_space<hbm>>) dst(%arg8 : memref<10000xi32, #tpu.memory_space<vmem>>)
    %dma_wait3A_31 = arith.constant 0 : i32
    %dma_wait3A_32 = arith.constant 0 : i32
    %dma_wait3A_33 = tpu.memref_slice %arg4[%add3A, %dma_wait3A_31, %dma_wait3A_32] : memref<32x125x80xi32, #tpu.memory_space<hbm>> -> memref<1x125x80xi32, #tpu.memory_space<hbm>>
    %dma_wait3A_34 = tpu.memref_squeeze %dma_wait3A_33 : memref<1x125x80xi32, #tpu.memory_space<hbm>> -> memref<125x80xi32, #tpu.memory_space<hbm>>
    %dma_wait3A_35 = arith.constant 0 : i32
    %dma_wait3A_36 = arith.constant 0 : i32
    %dma_wait3A_37 = tpu.memref_slice %arg4[%add3A, %dma_wait3A_35, %dma_wait3A_36] : memref<32x125x80xi32, #tpu.memory_space<hbm>> -> memref<1x125x80xi32, #tpu.memory_space<hbm>>
    %dma_wait3A_38 = tpu.memref_squeeze %dma_wait3A_37 : memref<1x125x80xi32, #tpu.memory_space<hbm>> -> memref<125x80xi32, #tpu.memory_space<hbm>>
    tpu.wait_dma2 semaphore(%arg13 : memref<!tpu.dma_semaphore, #tpu.memory_space<semaphore_mem>>) src(%dma_wait3A_38 : memref<125x80xi32, #tpu.memory_space<hbm>>) dst(%arg9 : memref<125x80xi32, #tpu.memory_space<vmem>>)
    %barrier3A = arith.constant 0 : index
    tpu.barrier barrier_id(%barrier3A)
    %multiple_of3A = arith.constant 0 : i32
    %multiple_of3A_39 = tpu.assume_multiple %multiple_of3A, 8 : i32
    %dma_start3A_40 = arith.constant 0 : i32
    %dma_start3A_41 = arith.constant 0 : i32
    %dma_start3A_42 = arith.constant 0 : i32
    %dma_start3A_43 = tpu.memref_slice %arg10[%dma_start3A_40, %dma_start3A_41, %dma_start3A_42] : memref<2x80x128xf32, #tpu.memory_space<vmem>> -> memref<1x80x128xf32, #tpu.memory_space<vmem>>
    %dma_start3A_44 = tpu.memref_squeeze %dma_start3A_43 : memref<1x80x128xf32, #tpu.memory_space<vmem>> -> memref<80x128xf32, #tpu.memory_space<vmem>>
    %dma_start3A_45 = tpu.memref_slice %arg8[%multiple_of3A_39] : memref<10000xi32, #tpu.memory_space<vmem>> -> memref<80xi32, #tpu.memory_space<vmem>>
    %dma_start3A_46 = arith.constant 0 : i32
    %dma_start3A_47 = arith.constant 0 : i32
    %dma_start3A_48 = tpu.memref_slice %arg2[%dma_start3A_46, %dma_start3A_47] : memref<10000x128xf32, #tpu.memory_space<hbm>> -> memref<10000x128xf32, #tpu.memory_space<hbm>>
    tpu.enqueue_indirect_dma source(%dma_start3A_48 : memref<10000x128xf32, #tpu.memory_space<hbm>>) target(%dma_start3A_44 : memref<80x128xf32, #tpu.memory_space<vmem>>) offsets(%dma_start3A_45 : memref<80xi32, #tpu.memory_space<vmem>>) semaphore(%arg11 : memref<!tpu.dma_semaphore, #tpu.memory_space<semaphore_mem>>)
    %multiple_of3A_49 = arith.constant 80 : i32
    %multiple_of3A_50 = tpu.assume_multiple %multiple_of3A_49, 8 : i32
    %dma_start3A_51 = arith.constant 1 : i32
    %dma_start3A_52 = arith.constant 0 : i32
    %dma_start3A_53 = arith.constant 0 : i32
    %dma_start3A_54 = tpu.memref_slice %arg10[%dma_start3A_51, %dma_start3A_52, %dma_start3A_53] : memref<2x80x128xf32, #tpu.memory_space<vmem>> -> memref<1x80x128xf32, #tpu.memory_space<vmem>>
    %dma_start3A_55 = tpu.memref_squeeze %dma_start3A_54 : memref<1x80x128xf32, #tpu.memory_space<vmem>> -> memref<80x128xf32, #tpu.memory_space<vmem>>
    %dma_start3A_56 = tpu.memref_slice %arg8[%multiple_of3A_50] : memref<10000xi32, #tpu.memory_space<vmem>> -> memref<80xi32, #tpu.memory_space<vmem>>
    %dma_start3A_57 = arith.constant 0 : i32
    %dma_start3A_58 = arith.constant 0 : i32
    %dma_start3A_59 = tpu.memref_slice %arg2[%dma_start3A_57, %dma_start3A_58] : memref<10000x128xf32, #tpu.memory_space<hbm>> -> memref<10000x128xf32, #tpu.memory_space<hbm>>
    tpu.enqueue_indirect_dma source(%dma_start3A_59 : memref<10000x128xf32, #tpu.memory_space<hbm>>) target(%dma_start3A_55 : memref<80x128xf32, #tpu.memory_space<vmem>>) offsets(%dma_start3A_56 : memref<80xi32, #tpu.memory_space<vmem>>) semaphore(%arg12 : memref<!tpu.dma_semaphore, #tpu.memory_space<semaphore_mem>>)
    %scan3A = arith.constant 0 : i32
    %scan3A_60 = arith.constant 0 : i32
    %scan3A_61 = arith.constant 62 : i32
    %scan3A_62 = arith.addi %scan3A_60, %scan3A_61 : i32
    %scan3A_63 = arith.constant 1 : i32
    scf.for %scan3A_82 = %scan3A_60 to %scan3A_62 step %scan3A_63  : i32 {
      %mul3A_83 = arith.constant 2 : i32
      %mul3A_84 = arith.muli %scan3A_82, %mul3A_83 : i32
      %mul3A_85 = arith.constant 80 : i32
      %mul3A_86 = arith.muli %mul3A_84, %mul3A_85 : i32
      %multiple_of3A_87 = tpu.assume_multiple %mul3A_86, 8 : i32
      %dma_wait3A_88 = arith.constant 0 : i32
      %dma_wait3A_89 = arith.constant 0 : i32
      %dma_wait3A_90 = arith.constant 0 : i32
      %dma_wait3A_91 = tpu.memref_slice %arg10[%dma_wait3A_88, %dma_wait3A_89, %dma_wait3A_90] : memref<2x80x128xf32, #tpu.memory_space<vmem>> -> memref<1x80x128xf32, #tpu.memory_space<vmem>>
      %dma_wait3A_92 = tpu.memref_squeeze %dma_wait3A_91 : memref<1x80x128xf32, #tpu.memory_space<vmem>> -> memref<80x128xf32, #tpu.memory_space<vmem>>
      %dma_wait3A_93 = tpu.memref_slice %arg8[%multiple_of3A_87] : memref<10000xi32, #tpu.memory_space<vmem>> -> memref<80xi32, #tpu.memory_space<vmem>>
      %dma_wait3A_94 = arith.constant 0 : i32
      %dma_wait3A_95 = arith.constant 0 : i32
      %dma_wait3A_96 = tpu.memref_slice %arg2[%dma_wait3A_94, %dma_wait3A_95] : memref<10000x128xf32, #tpu.memory_space<hbm>> -> memref<10000x128xf32, #tpu.memory_space<hbm>>
      tpu.wait_indirect_dma semaphore(%arg11 : memref<!tpu.dma_semaphore, #tpu.memory_space<semaphore_mem>>) src(%dma_wait3A_96 : memref<10000x128xf32, #tpu.memory_space<hbm>>) dst(%dma_wait3A_92 : memref<80x128xf32, #tpu.memory_space<vmem>>)
      %run_scoped3A_97 = arith.constant 0 : i32
      "tpu.region"() ({
        %run_scoped3A_133 = tpu.sem_alloc : memref<!tpu.dma_semaphore, #tpu.memory_space<semaphore_mem>>
        %dma_start3A_134 = arith.constant 0 : i32
        %dma_start3A_135 = arith.constant 0 : i32
        %dma_start3A_136 = tpu.memref_slice %arg10[%run_scoped3A_97, %dma_start3A_134, %dma_start3A_135] : memref<2x80x128xf32, #tpu.memory_space<vmem>> -> memref<1x80x128xf32, #tpu.memory_space<vmem>>
        %dma_start3A_137 = tpu.memref_squeeze %dma_start3A_136 : memref<1x80x128xf32, #tpu.memory_space<vmem>> -> memref<80x128xf32, #tpu.memory_space<vmem>>
        %dma_start3A_138 = arith.constant 0 : i32
        %dma_start3A_139 = tpu.memref_slice %arg9[%mul3A_84, %dma_start3A_138] : memref<125x80xi32, #tpu.memory_space<vmem>> -> memref<1x80xi32, #tpu.memory_space<vmem>>
        %dma_start3A_140 = tpu.memref_squeeze %dma_start3A_139 : memref<1x80xi32, #tpu.memory_space<vmem>> -> memref<80xi32, #tpu.memory_space<vmem>>
        %dma_start3A_141 = arith.constant 0 : i32
        %dma_start3A_142 = arith.constant 0 : i32
        %dma_start3A_143 = tpu.memref_slice %arg7[%dma_start3A_141, %dma_start3A_142] : memref<10240x128xf32, #tpu.memory_space<vmem_shared>> -> memref<10240x128xf32, #tpu.memory_space<vmem_shared>>
        tpu.enqueue_indirect_dma source(%dma_start3A_137 : memref<80x128xf32, #tpu.memory_space<vmem>>) target(%dma_start3A_143 : memref<10240x128xf32, #tpu.memory_space<vmem_shared>>) offsets(%dma_start3A_140 : memref<80xi32, #tpu.memory_space<vmem>>) semaphore(%run_scoped3A_133 : memref<!tpu.dma_semaphore, #tpu.memory_space<semaphore_mem>>) {add = true}
        %dma_wait3A_144 = arith.constant 0 : i32
        %dma_wait3A_145 = arith.constant 0 : i32
        %dma_wait3A_146 = tpu.memref_slice %arg10[%run_scoped3A_97, %dma_wait3A_144, %dma_wait3A_145] : memref<2x80x128xf32, #tpu.memory_space<vmem>> -> memref<1x80x128xf32, #tpu.memory_space<vmem>>
        %dma_wait3A_147 = tpu.memref_squeeze %dma_wait3A_146 : memref<1x80x128xf32, #tpu.memory_space<vmem>> -> memref<80x128xf32, #tpu.memory_space<vmem>>
        %dma_wait3A_148 = arith.constant 0 : i32
        %dma_wait3A_149 = tpu.memref_slice %arg9[%mul3A_84, %dma_wait3A_148] : memref<125x80xi32, #tpu.memory_space<vmem>> -> memref<1x80xi32, #tpu.memory_space<vmem>>
        %dma_wait3A_150 = tpu.memref_squeeze %dma_wait3A_149 : memref<1x80xi32, #tpu.memory_space<vmem>> -> memref<80xi32, #tpu.memory_space<vmem>>
        %dma_wait3A_151 = arith.constant 0 : i32
        %dma_wait3A_152 = arith.constant 0 : i32
        %dma_wait3A_153 = tpu.memref_slice %arg7[%dma_wait3A_151, %dma_wait3A_152] : memref<10240x128xf32, #tpu.memory_space<vmem_shared>> -> memref<10240x128xf32, #tpu.memory_space<vmem_shared>>
        tpu.wait_indirect_dma semaphore(%run_scoped3A_133 : memref<!tpu.dma_semaphore, #tpu.memory_space<semaphore_mem>>) src(%dma_wait3A_147 : memref<80x128xf32, #tpu.memory_space<vmem>>) dst(%dma_wait3A_153 : memref<10240x128xf32, #tpu.memory_space<vmem_shared>>)
        tpu.yield
      }) : () -> ()
      %add3A_98 = arith.constant 2 : i32
      %add3A_99 = arith.addi %mul3A_84, %add3A_98 : i32
      %mul3A_100 = arith.constant 80 : i32
      %mul3A_101 = arith.muli %add3A_99, %mul3A_100 : i32
      %multiple_of3A_102 = tpu.assume_multiple %mul3A_101, 8 : i32
      %dma_start3A_103 = arith.constant 0 : i32
      %dma_start3A_104 = arith.constant 0 : i32
      %dma_start3A_105 = arith.constant 0 : i32
      %dma_start3A_106 = tpu.memref_slice %arg10[%dma_start3A_103, %dma_start3A_104, %dma_start3A_105] : memref<2x80x128xf32, #tpu.memory_space<vmem>> -> memref<1x80x128xf32, #tpu.memory_space<vmem>>
      %dma_start3A_107 = tpu.memref_squeeze %dma_start3A_106 : memref<1x80x128xf32, #tpu.memory_space<vmem>> -> memref<80x128xf32, #tpu.memory_space<vmem>>
      %dma_start3A_108 = tpu.memref_slice %arg8[%multiple_of3A_102] : memref<10000xi32, #tpu.memory_space<vmem>> -> memref<80xi32, #tpu.memory_space<vmem>>
      %dma_start3A_109 = arith.constant 0 : i32
      %dma_start3A_110 = arith.constant 0 : i32
      %dma_start3A_111 = tpu.memref_slice %arg2[%dma_start3A_109, %dma_start3A_110] : memref<10000x128xf32, #tpu.memory_space<hbm>> -> memref<10000x128xf32, #tpu.memory_space<hbm>>
      tpu.enqueue_indirect_dma source(%dma_start3A_111 : memref<10000x128xf32, #tpu.memory_space<hbm>>) target(%dma_start3A_107 : memref<80x128xf32, #tpu.memory_space<vmem>>) offsets(%dma_start3A_108 : memref<80xi32, #tpu.memory_space<vmem>>) semaphore(%arg11 : memref<!tpu.dma_semaphore, #tpu.memory_space<semaphore_mem>>)
      %add3A_112 = arith.constant 1 : i32
      %add3A_113 = arith.addi %mul3A_84, %add3A_112 : i32
      %mul3A_114 = arith.constant 80 : i32
      %mul3A_115 = arith.muli %add3A_113, %mul3A_114 : i32
      %multiple_of3A_116 = tpu.assume_multiple %mul3A_115, 8 : i32
      %dma_wait3A_117 = arith.constant 1 : i32
      %dma_wait3A_118 = arith.constant 0 : i32
      %dma_wait3A_119 = arith.constant 0 : i32
      %dma_wait3A_120 = tpu.memref_slice %arg10[%dma_wait3A_117, %dma_wait3A_118, %dma_wait3A_119] : memref<2x80x128xf32, #tpu.memory_space<vmem>> -> memref<1x80x128xf32, #tpu.memory_space<vmem>>
      %dma_wait3A_121 = tpu.memref_squeeze %dma_wait3A_120 : memref<1x80x128xf32, #tpu.memory_space<vmem>> -> memref<80x128xf32, #tpu.memory_space<vmem>>
      %dma_wait3A_122 = tpu.memref_slice %arg8[%multiple_of3A_116] : memref<10000xi32, #tpu.memory_space<vmem>> -> memref<80xi32, #tpu.memory_space<vmem>>
      %dma_wait3A_123 = arith.constant 0 : i32
      %dma_wait3A_124 = arith.constant 0 : i32
      %dma_wait3A_125 = tpu.memref_slice %arg2[%dma_wait3A_123, %dma_wait3A_124] : memref<10000x128xf32, #tpu.memory_space<hbm>> -> memref<10000x128xf32, #tpu.memory_space<hbm>>
      tpu.wait_indirect_dma semaphore(%arg12 : memref<!tpu.dma_semaphore, #tpu.memory_space<semaphore_mem>>) src(%dma_wait3A_125 : memref<10000x128xf32, #tpu.memory_space<hbm>>) dst(%dma_wait3A_121 : memref<80x128xf32, #tpu.memory_space<vmem>>)
      %add3A_126 = arith.constant 1 : i32
      %add3A_127 = arith.addi %mul3A_84, %add3A_126 : i32
      %run_scoped3A_128 = arith.constant 1 : i32
      "tpu.region"() ({
        %run_scoped3A_133 = tpu.sem_alloc : memref<!tpu.dma_semaphore, #tpu.memory_space<semaphore_mem>>
        %dma_start3A_134 = arith.constant 0 : i32
        %dma_start3A_135 = arith.constant 0 : i32
        %dma_start3A_136 = tpu.memref_slice %arg10[%run_scoped3A_128, %dma_start3A_134, %dma_start3A_135] : memref<2x80x128xf32, #tpu.memory_space<vmem>> -> memref<1x80x128xf32, #tpu.memory_space<vmem>>
        %dma_start3A_137 = tpu.memref_squeeze %dma_start3A_136 : memref<1x80x128xf32, #tpu.memory_space<vmem>> -> memref<80x128xf32, #tpu.memory_space<vmem>>
        %dma_start3A_138 = arith.constant 0 : i32
        %dma_start3A_139 = tpu.memref_slice %arg9[%add3A_127, %dma_start3A_138] : memref<125x80xi32, #tpu.memory_space<vmem>> -> memref<1x80xi32, #tpu.memory_space<vmem>>
        %dma_start3A_140 = tpu.memref_squeeze %dma_start3A_139 : memref<1x80xi32, #tpu.memory_space<vmem>> -> memref<80xi32, #tpu.memory_space<vmem>>
        %dma_start3A_141 = arith.constant 0 : i32
        %dma_start3A_142 = arith.constant 0 : i32
        %dma_start3A_143 = tpu.memref_slice %arg7[%dma_start3A_141, %dma_start3A_142] : memref<10240x128xf32, #tpu.memory_space<vmem_shared>> -> memref<10240x128xf32, #tpu.memory_space<vmem_shared>>
        tpu.enqueue_indirect_dma source(%dma_start3A_137 : memref<80x128xf32, #tpu.memory_space<vmem>>) target(%dma_start3A_143 : memref<10240x128xf32, #tpu.memory_space<vmem_shared>>) offsets(%dma_start3A_140 : memref<80xi32, #tpu.memory_space<vmem>>) semaphore(%run_scoped3A_133 : memref<!tpu.dma_semaphore, #tpu.memory_space<semaphore_mem>>) {add = true}
        %dma_wait3A_144 = arith.constant 0 : i32
        %dma_wait3A_145 = arith.constant 0 : i32
        %dma_wait3A_146 = tpu.memref_slice %arg10[%run_scoped3A_128, %dma_wait3A_144, %dma_wait3A_145] : memref<2x80x128xf32, #tpu.memory_space<vmem>> -> memref<1x80x128xf32, #tpu.memory_space<vmem>>
        %dma_wait3A_147 = tpu.memref_squeeze %dma_wait3A_146 : memref<1x80x128xf32, #tpu.memory_space<vmem>> -> memref<80x128xf32, #tpu.memory_space<vmem>>
        %dma_wait3A_148 = arith.constant 0 : i32
        %dma_wait3A_149 = tpu.memref_slice %arg9[%add3A_127, %dma_wait3A_148] : memref<125x80xi32, #tpu.memory_space<vmem>> -> memref<1x80xi32, #tpu.memory_space<vmem>>
        %dma_wait3A_150 = tpu.memref_squeeze %dma_wait3A_149 : memref<1x80xi32, #tpu.memory_space<vmem>> -> memref<80xi32, #tpu.memory_space<vmem>>
        %dma_wait3A_151 = arith.constant 0 : i32
        %dma_wait3A_152 = arith.constant 0 : i32
        %dma_wait3A_153 = tpu.memref_slice %arg7[%dma_wait3A_151, %dma_wait3A_152] : memref<10240x128xf32, #tpu.memory_space<vmem_shared>> -> memref<10240x128xf32, #tpu.memory_space<vmem_shared>>
        tpu.wait_indirect_dma semaphore(%run_scoped3A_133 : memref<!tpu.dma_semaphore, #tpu.memory_space<semaphore_mem>>) src(%dma_wait3A_147 : memref<80x128xf32, #tpu.memory_space<vmem>>) dst(%dma_wait3A_153 : memref<10240x128xf32, #tpu.memory_space<vmem_shared>>)
        tpu.yield
      }) : () -> ()
      %add3A_129 = arith.constant 3 : i32
      %add3A_130 = arith.addi %mul3A_84, %add3A_129 : i32
      %lt3A = arith.constant 125 : i32
      %lt3A_131 = arith.cmpi slt, %add3A_130, %lt3A : i32
      %convert_element_type3A = arith.extui %lt3A_131 : i1 to i32
      %cond3A = arith.constant 0 : i32
      %cond3A_132 = arith.cmpi ne, %convert_element_type3A, %cond3A : i32
      scf.if %cond3A_132 {
        %add3A_133 = arith.constant 3 : i32
        %add3A_134 = arith.addi %mul3A_84, %add3A_133 : i32
        %mul3A_135 = arith.constant 80 : i32
        %mul3A_136 = arith.muli %add3A_134, %mul3A_135 : i32
        %multiple_of3A_137 = tpu.assume_multiple %mul3A_136, 8 : i32
        %dma_start3A_138 = arith.constant 1 : i32
        %dma_start3A_139 = arith.constant 0 : i32
        %dma_start3A_140 = arith.constant 0 : i32
        %dma_start3A_141 = tpu.memref_slice %arg10[%dma_start3A_138, %dma_start3A_139, %dma_start3A_140] : memref<2x80x128xf32, #tpu.memory_space<vmem>> -> memref<1x80x128xf32, #tpu.memory_space<vmem>>
        %dma_start3A_142 = tpu.memref_squeeze %dma_start3A_141 : memref<1x80x128xf32, #tpu.memory_space<vmem>> -> memref<80x128xf32, #tpu.memory_space<vmem>>
        %dma_start3A_143 = tpu.memref_slice %arg8[%multiple_of3A_137] : memref<10000xi32, #tpu.memory_space<vmem>> -> memref<80xi32, #tpu.memory_space<vmem>>
        %dma_start3A_144 = arith.constant 0 : i32
        %dma_start3A_145 = arith.constant 0 : i32
        %dma_start3A_146 = tpu.memref_slice %arg2[%dma_start3A_144, %dma_start3A_145] : memref<10000x128xf32, #tpu.memory_space<hbm>> -> memref<10000x128xf32, #tpu.memory_space<hbm>>
        tpu.enqueue_indirect_dma source(%dma_start3A_146 : memref<10000x128xf32, #tpu.memory_space<hbm>>) target(%dma_start3A_142 : memref<80x128xf32, #tpu.memory_space<vmem>>) offsets(%dma_start3A_143 : memref<80xi32, #tpu.memory_space<vmem>>) semaphore(%arg12 : memref<!tpu.dma_semaphore, #tpu.memory_space<semaphore_mem>>)
      } else {
      }
    }
    %scan3A_64 = arith.constant 62 : i32
    %multiple_of3A_65 = arith.constant 9920 : i32
    %multiple_of3A_66 = tpu.assume_multiple %multiple_of3A_65, 8 : i32
    %dma_wait3A_67 = arith.constant 0 : i32
    %dma_wait3A_68 = arith.constant 0 : i32
    %dma_wait3A_69 = arith.constant 0 : i32
    %dma_wait3A_70 = tpu.memref_slice %arg10[%dma_wait3A_67, %dma_wait3A_68, %dma_wait3A_69] : memref<2x80x128xf32, #tpu.memory_space<vmem>> -> memref<1x80x128xf32, #tpu.memory_space<vmem>>
    %dma_wait3A_71 = tpu.memref_squeeze %dma_wait3A_70 : memref<1x80x128xf32, #tpu.memory_space<vmem>> -> memref<80x128xf32, #tpu.memory_space<vmem>>
    %dma_wait3A_72 = tpu.memref_slice %arg8[%multiple_of3A_66] : memref<10000xi32, #tpu.memory_space<vmem>> -> memref<80xi32, #tpu.memory_space<vmem>>
    %dma_wait3A_73 = arith.constant 0 : i32
    %dma_wait3A_74 = arith.constant 0 : i32
    %dma_wait3A_75 = tpu.memref_slice %arg2[%dma_wait3A_73, %dma_wait3A_74] : memref<10000x128xf32, #tpu.memory_space<hbm>> -> memref<10000x128xf32, #tpu.memory_space<hbm>>
    tpu.wait_indirect_dma semaphore(%arg11 : memref<!tpu.dma_semaphore, #tpu.memory_space<semaphore_mem>>) src(%dma_wait3A_75 : memref<10000x128xf32, #tpu.memory_space<hbm>>) dst(%dma_wait3A_71 : memref<80x128xf32, #tpu.memory_space<vmem>>)
    %run_scoped3A = arith.constant 0 : i32
    %run_scoped3A_76 = arith.constant 124 : i32
    "tpu.region"() ({
      %run_scoped3A_82 = tpu.sem_alloc : memref<!tpu.dma_semaphore, #tpu.memory_space<semaphore_mem>>
      %dma_start3A_83 = arith.constant 0 : i32
      %dma_start3A_84 = arith.constant 0 : i32
      %dma_start3A_85 = tpu.memref_slice %arg10[%run_scoped3A, %dma_start3A_83, %dma_start3A_84] : memref<2x80x128xf32, #tpu.memory_space<vmem>> -> memref<1x80x128xf32, #tpu.memory_space<vmem>>
      %dma_start3A_86 = tpu.memref_squeeze %dma_start3A_85 : memref<1x80x128xf32, #tpu.memory_space<vmem>> -> memref<80x128xf32, #tpu.memory_space<vmem>>
      %dma_start3A_87 = arith.constant 0 : i32
      %dma_start3A_88 = tpu.memref_slice %arg9[%run_scoped3A_76, %dma_start3A_87] : memref<125x80xi32, #tpu.memory_space<vmem>> -> memref<1x80xi32, #tpu.memory_space<vmem>>
      %dma_start3A_89 = tpu.memref_squeeze %dma_start3A_88 : memref<1x80xi32, #tpu.memory_space<vmem>> -> memref<80xi32, #tpu.memory_space<vmem>>
      %dma_start3A_90 = arith.constant 0 : i32
      %dma_start3A_91 = arith.constant 0 : i32
      %dma_start3A_92 = tpu.memref_slice %arg7[%dma_start3A_90, %dma_start3A_91] : memref<10240x128xf32, #tpu.memory_space<vmem_shared>> -> memref<10240x128xf32, #tpu.memory_space<vmem_shared>>
      tpu.enqueue_indirect_dma source(%dma_start3A_86 : memref<80x128xf32, #tpu.memory_space<vmem>>) target(%dma_start3A_92 : memref<10240x128xf32, #tpu.memory_space<vmem_shared>>) offsets(%dma_start3A_89 : memref<80xi32, #tpu.memory_space<vmem>>) semaphore(%run_scoped3A_82 : memref<!tpu.dma_semaphore, #tpu.memory_space<semaphore_mem>>) {add = true}
      %dma_wait3A_93 = arith.constant 0 : i32
      %dma_wait3A_94 = arith.constant 0 : i32
      %dma_wait3A_95 = tpu.memref_slice %arg10[%run_scoped3A, %dma_wait3A_93, %dma_wait3A_94] : memref<2x80x128xf32, #tpu.memory_space<vmem>> -> memref<1x80x128xf32, #tpu.memory_space<vmem>>
      %dma_wait3A_96 = tpu.memref_squeeze %dma_wait3A_95 : memref<1x80x128xf32, #tpu.memory_space<vmem>> -> memref<80x128xf32, #tpu.memory_space<vmem>>
      %dma_wait3A_97 = arith.constant 0 : i32
      %dma_wait3A_98 = tpu.memref_slice %arg9[%run_scoped3A_76, %dma_wait3A_97] : memref<125x80xi32, #tpu.memory_space<vmem>> -> memref<1x80xi32, #tpu.memory_space<vmem>>
      %dma_wait3A_99 = tpu.memref_squeeze %dma_wait3A_98 : memref<1x80xi32, #tpu.memory_space<vmem>> -> memref<80xi32, #tpu.memory_space<vmem>>
      %dma_wait3A_100 = arith.constant 0 : i32
      %dma_wait3A_101 = arith.constant 0 : i32
      %dma_wait3A_102 = tpu.memref_slice %arg7[%dma_wait3A_100, %dma_wait3A_101] : memref<10240x128xf32, #tpu.memory_space<vmem_shared>> -> memref<10240x128xf32, #tpu.memory_space<vmem_shared>>
      tpu.wait_indirect_dma semaphore(%run_scoped3A_82 : memref<!tpu.dma_semaphore, #tpu.memory_space<semaphore_mem>>) src(%dma_wait3A_96 : memref<80x128xf32, #tpu.memory_space<vmem>>) dst(%dma_wait3A_102 : memref<10240x128xf32, #tpu.memory_space<vmem_shared>>)
      tpu.yield
    }) : () -> ()
    %barrier3A_77 = arith.constant 0 : index
    tpu.barrier barrier_id(%barrier3A_77)
    %mul3A_78 = arith.constant 640 : i32
    %mul3A_79 = arith.muli %arg1, %mul3A_78 : i32
    %mul3A_80 = arith.constant 640 : i32
    %mul3A_81 = arith.muli %arg1, %mul3A_80 : i32
    "tpu.region"() ({
      %run_scoped3A_82 = tpu.sem_alloc : memref<!tpu.dma_semaphore, #tpu.memory_space<semaphore_mem>>
      %dma_start3A_83 = arith.constant 0 : i32
      %dma_start3A_84 = arith.constant 0 : i32
      %dma_start3A_85 = tpu.memref_slice %arg6[%arg0, %dma_start3A_83, %dma_start3A_84] : memref<2x10240x128xf32, #tpu.memory_space<hbm>> -> memref<1x10240x128xf32, #tpu.memory_space<hbm>>
      %dma_start3A_86 = tpu.memref_squeeze %dma_start3A_85 : memref<1x10240x128xf32, #tpu.memory_space<hbm>> -> memref<10240x128xf32, #tpu.memory_space<hbm>>
      %dma_start3A_87 = arith.constant 0 : i32
      %dma_start3A_88 = tpu.memref_slice %dma_start3A_86[%mul3A_81, %dma_start3A_87] : memref<10240x128xf32, #tpu.memory_space<hbm>> -> memref<640x128xf32, #tpu.memory_space<hbm>>
      %dma_start3A_89 = arith.constant 0 : i32
      %dma_start3A_90 = tpu.memref_slice %arg7[%mul3A_79, %dma_start3A_89] : memref<10240x128xf32, #tpu.memory_space<vmem_shared>> -> memref<640x128xf32, #tpu.memory_space<vmem_shared>>
      tpu.enqueue_dma source(%dma_start3A_90 : memref<640x128xf32, #tpu.memory_space<vmem_shared>>) target(%dma_start3A_88 : memref<640x128xf32, #tpu.memory_space<hbm>>) target_semaphore(%run_scoped3A_82 : memref<!tpu.dma_semaphore, #tpu.memory_space<semaphore_mem>>)
      %dma_wait3A_91 = arith.constant 0 : i32
      %dma_wait3A_92 = arith.constant 0 : i32
      %dma_wait3A_93 = tpu.memref_slice %arg6[%arg0, %dma_wait3A_91, %dma_wait3A_92] : memref<2x10240x128xf32, #tpu.memory_space<hbm>> -> memref<1x10240x128xf32, #tpu.memory_space<hbm>>
      %dma_wait3A_94 = tpu.memref_squeeze %dma_wait3A_93 : memref<1x10240x128xf32, #tpu.memory_space<hbm>> -> memref<10240x128xf32, #tpu.memory_space<hbm>>
      %dma_wait3A_95 = arith.constant 0 : i32
      %dma_wait3A_96 = tpu.memref_slice %dma_wait3A_94[%mul3A_81, %dma_wait3A_95] : memref<10240x128xf32, #tpu.memory_space<hbm>> -> memref<640x128xf32, #tpu.memory_space<hbm>>
      %dma_wait3A_97 = arith.constant 0 : i32
      %dma_wait3A_98 = tpu.memref_slice %arg7[%mul3A_79, %dma_wait3A_97] : memref<10240x128xf32, #tpu.memory_space<vmem_shared>> -> memref<640x128xf32, #tpu.memory_space<vmem_shared>>
      tpu.wait_dma2 semaphore(%run_scoped3A_82 : memref<!tpu.dma_semaphore, #tpu.memory_space<semaphore_mem>>) src(%dma_wait3A_98 : memref<640x128xf32, #tpu.memory_space<vmem_shared>>) dst(%dma_wait3A_96 : memref<640x128xf32, #tpu.memory_space<hbm>>)
      tpu.yield
    }) : () -> ()
    return
  }
}

#map = affine_map<(d0, d1) -> (0, 0)>
#map1 = affine_map<(d0, d1) -> (0, 0, 0)>
module attributes {stable_mosaic.version = 14 : i64} {
  func.func @_spmm_body(%arg0: i32, %arg1: i32, %arg2: memref<10000x128xf32, #tpu.memory_space<hbm>>, %arg3: memref<32x10000xi32, #tpu.memory_space<hbm>>, %arg4: memref<32x125x80xi32, #tpu.memory_space<hbm>>, %arg5: memref<10240x128xf32, #tpu.memory_space<hbm>>, %arg6: memref<2x10240x128xf32, #tpu.memory_space<hbm>>, %arg7: memref<10240x128xf32, #tpu.memory_space<vmem_shared>>, %arg8: memref<10000xi32, #tpu.memory_space<vmem>>, %arg9: memref<125x80xi32, #tpu.memory_space<vmem>>, %arg10: memref<2x80x128xf32, #tpu.memory_space<vmem>>, %arg11: memref<!tpu.dma_semaphore, #tpu.memory_space<semaphore_mem>>, %arg12: memref<!tpu.dma_semaphore, #tpu.memory_space<semaphore_mem>>, %arg13: memref<!tpu.dma_semaphore, #tpu.memory_space<semaphore_mem>>) attributes {dimension_semantics = [#tpu.dimension_semantics<core_parallel>, #tpu.dimension_semantics<subcore_parallel>], iteration_bounds = array<i64: 2, 16>, scalar_prefetch = 0 : i64, scratch_operands = 7 : i64, tpu.core_type = #tpu.core_type<sc_vector_subcore>, window_params = [{transform_indices = #map}, {transform_indices = #map}, {transform_indices = #map1}, {transform_indices = #map}, {transform_indices = #map1}]} {
    %mul3A = arith.constant 16 : i32
    %mul3A_0 = arith.muli %arg0, %mul3A : i32
    %add3A = arith.addi %mul3A_0, %arg1 : i32
    %mul3A_1 = arith.constant 640 : i32
    %mul3A_2 = arith.muli %arg1, %mul3A_1 : i32
    %mul3A_3 = arith.constant 640 : i32
    %mul3A_4 = arith.muli %arg1, %mul3A_3 : i32
    %dma_start3A = arith.constant 0 : i32
    %dma_start3A_5 = tpu.memref_slice %arg7[%mul3A_4, %dma_start3A] : memref<10240x128xf32, #tpu.memory_space<vmem_shared>> -> memref<640x128xf32, #tpu.memory_space<vmem_shared>>
    %dma_start3A_6 = arith.constant 0 : i32
    %dma_start3A_7 = tpu.memref_slice %arg5[%mul3A_2, %dma_start3A_6] : memref<10240x128xf32, #tpu.memory_space<hbm>> -> memref<640x128xf32, #tpu.memory_space<hbm>>
    tpu.enqueue_dma source(%dma_start3A_7 : memref<640x128xf32, #tpu.memory_space<hbm>>) target(%dma_start3A_5 : memref<640x128xf32, #tpu.memory_space<vmem_shared>>) target_semaphore(%arg11 : memref<!tpu.dma_semaphore, #tpu.memory_space<semaphore_mem>>)
    %dma_start3A_8 = arith.constant 0 : i32
    %dma_start3A_9 = tpu.memref_slice %arg3[%add3A, %dma_start3A_8] : memref<32x10000xi32, #tpu.memory_space<hbm>> -> memref<1x10000xi32, #tpu.memory_space<hbm>>
    %dma_start3A_10 = tpu.memref_squeeze %dma_start3A_9 : memref<1x10000xi32, #tpu.memory_space<hbm>> -> memref<10000xi32, #tpu.memory_space<hbm>>
    %dma_start3A_11 = arith.constant 0 : i32
    %dma_start3A_12 = tpu.memref_slice %arg3[%add3A, %dma_start3A_11] : memref<32x10000xi32, #tpu.memory_space<hbm>> -> memref<1x10000xi32, #tpu.memory_space<hbm>>
    %dma_start3A_13 = tpu.memref_squeeze %dma_start3A_12 : memref<1x10000xi32, #tpu.memory_space<hbm>> -> memref<10000xi32, #tpu.memory_space<hbm>>
    tpu.enqueue_dma source(%dma_start3A_13 : memref<10000xi32, #tpu.memory_space<hbm>>) target(%arg8 : memref<10000xi32, #tpu.memory_space<vmem>>) target_semaphore(%arg12 : memref<!tpu.dma_semaphore, #tpu.memory_space<semaphore_mem>>)
    %dma_start3A_14 = arith.constant 0 : i32
    %dma_start3A_15 = arith.constant 0 : i32
    %dma_start3A_16 = tpu.memref_slice %arg4[%add3A, %dma_start3A_14, %dma_start3A_15] : memref<32x125x80xi32, #tpu.memory_space<hbm>> -> memref<1x125x80xi32, #tpu.memory_space<hbm>>
    %dma_start3A_17 = tpu.memref_squeeze %dma_start3A_16 : memref<1x125x80xi32, #tpu.memory_space<hbm>> -> memref<125x80xi32, #tpu.memory_space<hbm>>
    %dma_start3A_18 = arith.constant 0 : i32
    %dma_start3A_19 = arith.constant 0 : i32
    %dma_start3A_20 = tpu.memref_slice %arg4[%add3A, %dma_start3A_18, %dma_start3A_19] : memref<32x125x80xi32, #tpu.memory_space<hbm>> -> memref<1x125x80xi32, #tpu.memory_space<hbm>>
    %dma_start3A_21 = tpu.memref_squeeze %dma_start3A_20 : memref<1x125x80xi32, #tpu.memory_space<hbm>> -> memref<125x80xi32, #tpu.memory_space<hbm>>
    tpu.enqueue_dma source(%dma_start3A_21 : memref<125x80xi32, #tpu.memory_space<hbm>>) target(%arg9 : memref<125x80xi32, #tpu.memory_space<vmem>>) target_semaphore(%arg13 : memref<!tpu.dma_semaphore, #tpu.memory_space<semaphore_mem>>)
    %dma_wait3A = arith.constant 0 : i32
    %dma_wait3A_22 = tpu.memref_slice %arg7[%mul3A_4, %dma_wait3A] : memref<10240x128xf32, #tpu.memory_space<vmem_shared>> -> memref<640x128xf32, #tpu.memory_space<vmem_shared>>
    %dma_wait3A_23 = arith.constant 0 : i32
    %dma_wait3A_24 = tpu.memref_slice %arg5[%mul3A_2, %dma_wait3A_23] : memref<10240x128xf32, #tpu.memory_space<hbm>> -> memref<640x128xf32, #tpu.memory_space<hbm>>
    tpu.wait_dma2 semaphore(%arg11 : memref<!tpu.dma_semaphore, #tpu.memory_space<semaphore_mem>>) src(%dma_wait3A_24 : memref<640x128xf32, #tpu.memory_space<hbm>>) dst(%dma_wait3A_22 : memref<640x128xf32, #tpu.memory_space<vmem_shared>>)
    %dma_wait3A_25 = arith.constant 0 : i32
    %dma_wait3A_26 = tpu.memref_slice %arg3[%add3A, %dma_wait3A_25] : memref<32x10000xi32, #tpu.memory_space<hbm>> -> memref<1x10000xi32, #tpu.memory_space<hbm>>
    %dma_wait3A_27 = tpu.memref_squeeze %dma_wait3A_26 : memref<1x10000xi32, #tpu.memory_space<hbm>> -> memref<10000xi32, #tpu.memory_space<hbm>>
    %dma_wait3A_28 = arith.constant 0 : i32
    %dma_wait3A_29 = tpu.memref_slice %arg3[%add3A, %dma_wait3A_28] : memref<32x10000xi32, #tpu.memory_space<hbm>> -> memref<1x10000xi32, #tpu.memory_space<hbm>>
    %dma_wait3A_30 = tpu.memref_squeeze %dma_wait3A_29 : memref<1x10000xi32, #tpu.memory_space<hbm>> -> memref<10000xi32, #tpu.memory_space<hbm>>
    tpu.wait_dma2 semaphore(%arg12 : memref<!tpu.dma_semaphore, #tpu.memory_space<semaphore_mem>>) src(%dma_wait3A_30 : memref<10000xi32, #tpu.memory_space<hbm>>) dst(%arg8 : memref<10000xi32, #tpu.memory_space<vmem>>)
    %dma_wait3A_31 = arith.constant 0 : i32
    %dma_wait3A_32 = arith.constant 0 : i32
    %dma_wait3A_33 = tpu.memref_slice %arg4[%add3A, %dma_wait3A_31, %dma_wait3A_32] : memref<32x125x80xi32, #tpu.memory_space<hbm>> -> memref<1x125x80xi32, #tpu.memory_space<hbm>>
    %dma_wait3A_34 = tpu.memref_squeeze %dma_wait3A_33 : memref<1x125x80xi32, #tpu.memory_space<hbm>> -> memref<125x80xi32, #tpu.memory_space<hbm>>
    %dma_wait3A_35 = arith.constant 0 : i32
    %dma_wait3A_36 = arith.constant 0 : i32
    %dma_wait3A_37 = tpu.memref_slice %arg4[%add3A, %dma_wait3A_35, %dma_wait3A_36] : memref<32x125x80xi32, #tpu.memory_space<hbm>> -> memref<1x125x80xi32, #tpu.memory_space<hbm>>
    %dma_wait3A_38 = tpu.memref_squeeze %dma_wait3A_37 : memref<1x125x80xi32, #tpu.memory_space<hbm>> -> memref<125x80xi32, #tpu.memory_space<hbm>>
    tpu.wait_dma2 semaphore(%arg13 : memref<!tpu.dma_semaphore, #tpu.memory_space<semaphore_mem>>) src(%dma_wait3A_38 : memref<125x80xi32, #tpu.memory_space<hbm>>) dst(%arg9 : memref<125x80xi32, #tpu.memory_space<vmem>>)
    %barrier3A = arith.constant 0 : index
    tpu.barrier barrier_id(%barrier3A)
    %multiple_of3A = arith.constant 0 : i32
    %multiple_of3A_39 = tpu.assume_multiple %multiple_of3A, 8 : i32
    %dma_start3A_40 = arith.constant 0 : i32
    %dma_start3A_41 = arith.constant 0 : i32
    %dma_start3A_42 = arith.constant 0 : i32
    %dma_start3A_43 = tpu.memref_slice %arg10[%dma_start3A_40, %dma_start3A_41, %dma_start3A_42] : memref<2x80x128xf32, #tpu.memory_space<vmem>> -> memref<1x80x128xf32, #tpu.memory_space<vmem>>
    %dma_start3A_44 = tpu.memref_squeeze %dma_start3A_43 : memref<1x80x128xf32, #tpu.memory_space<vmem>> -> memref<80x128xf32, #tpu.memory_space<vmem>>
    %dma_start3A_45 = tpu.memref_slice %arg8[%multiple_of3A_39] : memref<10000xi32, #tpu.memory_space<vmem>> -> memref<80xi32, #tpu.memory_space<vmem>>
    %dma_start3A_46 = arith.constant 0 : i32
    %dma_start3A_47 = arith.constant 0 : i32
    %dma_start3A_48 = tpu.memref_slice %arg2[%dma_start3A_46, %dma_start3A_47] : memref<10000x128xf32, #tpu.memory_space<hbm>> -> memref<10000x128xf32, #tpu.memory_space<hbm>>
    tpu.enqueue_indirect_dma source(%dma_start3A_48 : memref<10000x128xf32, #tpu.memory_space<hbm>>) target(%dma_start3A_44 : memref<80x128xf32, #tpu.memory_space<vmem>>) offsets(%dma_start3A_45 : memref<80xi32, #tpu.memory_space<vmem>>) semaphore(%arg11 : memref<!tpu.dma_semaphore, #tpu.memory_space<semaphore_mem>>)
    %multiple_of3A_49 = arith.constant 80 : i32
    %multiple_of3A_50 = tpu.assume_multiple %multiple_of3A_49, 8 : i32
    %dma_start3A_51 = arith.constant 1 : i32
    %dma_start3A_52 = arith.constant 0 : i32
    %dma_start3A_53 = arith.constant 0 : i32
    %dma_start3A_54 = tpu.memref_slice %arg10[%dma_start3A_51, %dma_start3A_52, %dma_start3A_53] : memref<2x80x128xf32, #tpu.memory_space<vmem>> -> memref<1x80x128xf32, #tpu.memory_space<vmem>>
    %dma_start3A_55 = tpu.memref_squeeze %dma_start3A_54 : memref<1x80x128xf32, #tpu.memory_space<vmem>> -> memref<80x128xf32, #tpu.memory_space<vmem>>
    %dma_start3A_56 = tpu.memref_slice %arg8[%multiple_of3A_50] : memref<10000xi32, #tpu.memory_space<vmem>> -> memref<80xi32, #tpu.memory_space<vmem>>
    %dma_start3A_57 = arith.constant 0 : i32
    %dma_start3A_58 = arith.constant 0 : i32
    %dma_start3A_59 = tpu.memref_slice %arg2[%dma_start3A_57, %dma_start3A_58] : memref<10000x128xf32, #tpu.memory_space<hbm>> -> memref<10000x128xf32, #tpu.memory_space<hbm>>
    tpu.enqueue_indirect_dma source(%dma_start3A_59 : memref<10000x128xf32, #tpu.memory_space<hbm>>) target(%dma_start3A_55 : memref<80x128xf32, #tpu.memory_space<vmem>>) offsets(%dma_start3A_56 : memref<80xi32, #tpu.memory_space<vmem>>) semaphore(%arg12 : memref<!tpu.dma_semaphore, #tpu.memory_space<semaphore_mem>>)
    %scan3A = arith.constant 0 : i32
    %scan3A_60 = arith.constant 0 : i32
    %scan3A_61 = arith.constant 62 : i32
    %scan3A_62 = arith.addi %scan3A_60, %scan3A_61 : i32
    %scan3A_63 = arith.constant 1 : i32
    scf.for %scan3A_82 = %scan3A_60 to %scan3A_62 step %scan3A_63  : i32 {
      %mul3A_83 = arith.constant 2 : i32
      %mul3A_84 = arith.muli %scan3A_82, %mul3A_83 : i32
      %mul3A_85 = arith.constant 80 : i32
      %mul3A_86 = arith.muli %mul3A_84, %mul3A_85 : i32
      %multiple_of3A_87 = tpu.assume_multiple %mul3A_86, 8 : i32
      %dma_wait3A_88 = arith.constant 0 : i32
      %dma_wait3A_89 = arith.constant 0 : i32
      %dma_wait3A_90 = arith.constant 0 : i32
      %dma_wait3A_91 = tpu.memref_slice %arg10[%dma_wait3A_88, %dma_wait3A_89, %dma_wait3A_90] : memref<2x80x128xf32, #tpu.memory_space<vmem>> -> memref<1x80x128xf32, #tpu.memory_space<vmem>>
      %dma_wait3A_92 = tpu.memref_squeeze %dma_wait3A_91 : memref<1x80x128xf32, #tpu.memory_space<vmem>> -> memref<80x128xf32, #tpu.memory_space<vmem>>
      %dma_wait3A_93 = tpu.memref_slice %arg8[%multiple_of3A_87] : memref<10000xi32, #tpu.memory_space<vmem>> -> memref<80xi32, #tpu.memory_space<vmem>>
      %dma_wait3A_94 = arith.constant 0 : i32
      %dma_wait3A_95 = arith.constant 0 : i32
      %dma_wait3A_96 = tpu.memref_slice %arg2[%dma_wait3A_94, %dma_wait3A_95] : memref<10000x128xf32, #tpu.memory_space<hbm>> -> memref<10000x128xf32, #tpu.memory_space<hbm>>
      tpu.wait_indirect_dma semaphore(%arg11 : memref<!tpu.dma_semaphore, #tpu.memory_space<semaphore_mem>>) src(%dma_wait3A_96 : memref<10000x128xf32, #tpu.memory_space<hbm>>) dst(%dma_wait3A_92 : memref<80x128xf32, #tpu.memory_space<vmem>>)
      %run_scoped3A_97 = arith.constant 0 : i32
      "tpu.region"() ({
        %run_scoped3A_133 = tpu.sem_alloc : memref<!tpu.dma_semaphore, #tpu.memory_space<semaphore_mem>>
        %dma_start3A_134 = arith.constant 0 : i32
        %dma_start3A_135 = arith.constant 0 : i32
        %dma_start3A_136 = tpu.memref_slice %arg10[%run_scoped3A_97, %dma_start3A_134, %dma_start3A_135] : memref<2x80x128xf32, #tpu.memory_space<vmem>> -> memref<1x80x128xf32, #tpu.memory_space<vmem>>
        %dma_start3A_137 = tpu.memref_squeeze %dma_start3A_136 : memref<1x80x128xf32, #tpu.memory_space<vmem>> -> memref<80x128xf32, #tpu.memory_space<vmem>>
        %dma_start3A_138 = arith.constant 0 : i32
        %dma_start3A_139 = tpu.memref_slice %arg9[%mul3A_84, %dma_start3A_138] : memref<125x80xi32, #tpu.memory_space<vmem>> -> memref<1x80xi32, #tpu.memory_space<vmem>>
        %dma_start3A_140 = tpu.memref_squeeze %dma_start3A_139 : memref<1x80xi32, #tpu.memory_space<vmem>> -> memref<80xi32, #tpu.memory_space<vmem>>
        %dma_start3A_141 = arith.constant 0 : i32
        %dma_start3A_142 = arith.constant 0 : i32
        %dma_start3A_143 = tpu.memref_slice %arg7[%dma_start3A_141, %dma_start3A_142] : memref<10240x128xf32, #tpu.memory_space<vmem_shared>> -> memref<10240x128xf32, #tpu.memory_space<vmem_shared>>
        tpu.enqueue_indirect_dma source(%dma_start3A_137 : memref<80x128xf32, #tpu.memory_space<vmem>>) target(%dma_start3A_143 : memref<10240x128xf32, #tpu.memory_space<vmem_shared>>) offsets(%dma_start3A_140 : memref<80xi32, #tpu.memory_space<vmem>>) semaphore(%run_scoped3A_133 : memref<!tpu.dma_semaphore, #tpu.memory_space<semaphore_mem>>) {add = true}
        %dma_wait3A_144 = arith.constant 0 : i32
        %dma_wait3A_145 = arith.constant 0 : i32
        %dma_wait3A_146 = tpu.memref_slice %arg10[%run_scoped3A_97, %dma_wait3A_144, %dma_wait3A_145] : memref<2x80x128xf32, #tpu.memory_space<vmem>> -> memref<1x80x128xf32, #tpu.memory_space<vmem>>
        %dma_wait3A_147 = tpu.memref_squeeze %dma_wait3A_146 : memref<1x80x128xf32, #tpu.memory_space<vmem>> -> memref<80x128xf32, #tpu.memory_space<vmem>>
        %dma_wait3A_148 = arith.constant 0 : i32
        %dma_wait3A_149 = tpu.memref_slice %arg9[%mul3A_84, %dma_wait3A_148] : memref<125x80xi32, #tpu.memory_space<vmem>> -> memref<1x80xi32, #tpu.memory_space<vmem>>
        %dma_wait3A_150 = tpu.memref_squeeze %dma_wait3A_149 : memref<1x80xi32, #tpu.memory_space<vmem>> -> memref<80xi32, #tpu.memory_space<vmem>>
        %dma_wait3A_151 = arith.constant 0 : i32
        %dma_wait3A_152 = arith.constant 0 : i32
        %dma_wait3A_153 = tpu.memref_slice %arg7[%dma_wait3A_151, %dma_wait3A_152] : memref<10240x128xf32, #tpu.memory_space<vmem_shared>> -> memref<10240x128xf32, #tpu.memory_space<vmem_shared>>
        tpu.wait_indirect_dma semaphore(%run_scoped3A_133 : memref<!tpu.dma_semaphore, #tpu.memory_space<semaphore_mem>>) src(%dma_wait3A_147 : memref<80x128xf32, #tpu.memory_space<vmem>>) dst(%dma_wait3A_153 : memref<10240x128xf32, #tpu.memory_space<vmem_shared>>)
        tpu.yield
      }) : () -> ()
      %add3A_98 = arith.constant 2 : i32
      %add3A_99 = arith.addi %mul3A_84, %add3A_98 : i32
      %mul3A_100 = arith.constant 80 : i32
      %mul3A_101 = arith.muli %add3A_99, %mul3A_100 : i32
      %multiple_of3A_102 = tpu.assume_multiple %mul3A_101, 8 : i32
      %dma_start3A_103 = arith.constant 0 : i32
      %dma_start3A_104 = arith.constant 0 : i32
      %dma_start3A_105 = arith.constant 0 : i32
      %dma_start3A_106 = tpu.memref_slice %arg10[%dma_start3A_103, %dma_start3A_104, %dma_start3A_105] : memref<2x80x128xf32, #tpu.memory_space<vmem>> -> memref<1x80x128xf32, #tpu.memory_space<vmem>>
      %dma_start3A_107 = tpu.memref_squeeze %dma_start3A_106 : memref<1x80x128xf32, #tpu.memory_space<vmem>> -> memref<80x128xf32, #tpu.memory_space<vmem>>
      %dma_start3A_108 = tpu.memref_slice %arg8[%multiple_of3A_102] : memref<10000xi32, #tpu.memory_space<vmem>> -> memref<80xi32, #tpu.memory_space<vmem>>
      %dma_start3A_109 = arith.constant 0 : i32
      %dma_start3A_110 = arith.constant 0 : i32
      %dma_start3A_111 = tpu.memref_slice %arg2[%dma_start3A_109, %dma_start3A_110] : memref<10000x128xf32, #tpu.memory_space<hbm>> -> memref<10000x128xf32, #tpu.memory_space<hbm>>
      tpu.enqueue_indirect_dma source(%dma_start3A_111 : memref<10000x128xf32, #tpu.memory_space<hbm>>) target(%dma_start3A_107 : memref<80x128xf32, #tpu.memory_space<vmem>>) offsets(%dma_start3A_108 : memref<80xi32, #tpu.memory_space<vmem>>) semaphore(%arg11 : memref<!tpu.dma_semaphore, #tpu.memory_space<semaphore_mem>>)
      %add3A_112 = arith.constant 1 : i32
      %add3A_113 = arith.addi %mul3A_84, %add3A_112 : i32
      %mul3A_114 = arith.constant 80 : i32
      %mul3A_115 = arith.muli %add3A_113, %mul3A_114 : i32
      %multiple_of3A_116 = tpu.assume_multiple %mul3A_115, 8 : i32
      %dma_wait3A_117 = arith.constant 1 : i32
      %dma_wait3A_118 = arith.constant 0 : i32
      %dma_wait3A_119 = arith.constant 0 : i32
      %dma_wait3A_120 = tpu.memref_slice %arg10[%dma_wait3A_117, %dma_wait3A_118, %dma_wait3A_119] : memref<2x80x128xf32, #tpu.memory_space<vmem>> -> memref<1x80x128xf32, #tpu.memory_space<vmem>>
      %dma_wait3A_121 = tpu.memref_squeeze %dma_wait3A_120 : memref<1x80x128xf32, #tpu.memory_space<vmem>> -> memref<80x128xf32, #tpu.memory_space<vmem>>
      %dma_wait3A_122 = tpu.memref_slice %arg8[%multiple_of3A_116] : memref<10000xi32, #tpu.memory_space<vmem>> -> memref<80xi32, #tpu.memory_space<vmem>>
      %dma_wait3A_123 = arith.constant 0 : i32
      %dma_wait3A_124 = arith.constant 0 : i32
      %dma_wait3A_125 = tpu.memref_slice %arg2[%dma_wait3A_123, %dma_wait3A_124] : memref<10000x128xf32, #tpu.memory_space<hbm>> -> memref<10000x128xf32, #tpu.memory_space<hbm>>
      tpu.wait_indirect_dma semaphore(%arg12 : memref<!tpu.dma_semaphore, #tpu.memory_space<semaphore_mem>>) src(%dma_wait3A_125 : memref<10000x128xf32, #tpu.memory_space<hbm>>) dst(%dma_wait3A_121 : memref<80x128xf32, #tpu.memory_space<vmem>>)
      %add3A_126 = arith.constant 1 : i32
      %add3A_127 = arith.addi %mul3A_84, %add3A_126 : i32
      %run_scoped3A_128 = arith.constant 1 : i32
      "tpu.region"() ({
        %run_scoped3A_133 = tpu.sem_alloc : memref<!tpu.dma_semaphore, #tpu.memory_space<semaphore_mem>>
        %dma_start3A_134 = arith.constant 0 : i32
        %dma_start3A_135 = arith.constant 0 : i32
        %dma_start3A_136 = tpu.memref_slice %arg10[%run_scoped3A_128, %dma_start3A_134, %dma_start3A_135] : memref<2x80x128xf32, #tpu.memory_space<vmem>> -> memref<1x80x128xf32, #tpu.memory_space<vmem>>
        %dma_start3A_137 = tpu.memref_squeeze %dma_start3A_136 : memref<1x80x128xf32, #tpu.memory_space<vmem>> -> memref<80x128xf32, #tpu.memory_space<vmem>>
        %dma_start3A_138 = arith.constant 0 : i32
        %dma_start3A_139 = tpu.memref_slice %arg9[%add3A_127, %dma_start3A_138] : memref<125x80xi32, #tpu.memory_space<vmem>> -> memref<1x80xi32, #tpu.memory_space<vmem>>
        %dma_start3A_140 = tpu.memref_squeeze %dma_start3A_139 : memref<1x80xi32, #tpu.memory_space<vmem>> -> memref<80xi32, #tpu.memory_space<vmem>>
        %dma_start3A_141 = arith.constant 0 : i32
        %dma_start3A_142 = arith.constant 0 : i32
        %dma_start3A_143 = tpu.memref_slice %arg7[%dma_start3A_141, %dma_start3A_142] : memref<10240x128xf32, #tpu.memory_space<vmem_shared>> -> memref<10240x128xf32, #tpu.memory_space<vmem_shared>>
        tpu.enqueue_indirect_dma source(%dma_start3A_137 : memref<80x128xf32, #tpu.memory_space<vmem>>) target(%dma_start3A_143 : memref<10240x128xf32, #tpu.memory_space<vmem_shared>>) offsets(%dma_start3A_140 : memref<80xi32, #tpu.memory_space<vmem>>) semaphore(%run_scoped3A_133 : memref<!tpu.dma_semaphore, #tpu.memory_space<semaphore_mem>>) {add = true}
        %dma_wait3A_144 = arith.constant 0 : i32
        %dma_wait3A_145 = arith.constant 0 : i32
        %dma_wait3A_146 = tpu.memref_slice %arg10[%run_scoped3A_128, %dma_wait3A_144, %dma_wait3A_145] : memref<2x80x128xf32, #tpu.memory_space<vmem>> -> memref<1x80x128xf32, #tpu.memory_space<vmem>>
        %dma_wait3A_147 = tpu.memref_squeeze %dma_wait3A_146 : memref<1x80x128xf32, #tpu.memory_space<vmem>> -> memref<80x128xf32, #tpu.memory_space<vmem>>
        %dma_wait3A_148 = arith.constant 0 : i32
        %dma_wait3A_149 = tpu.memref_slice %arg9[%add3A_127, %dma_wait3A_148] : memref<125x80xi32, #tpu.memory_space<vmem>> -> memref<1x80xi32, #tpu.memory_space<vmem>>
        %dma_wait3A_150 = tpu.memref_squeeze %dma_wait3A_149 : memref<1x80xi32, #tpu.memory_space<vmem>> -> memref<80xi32, #tpu.memory_space<vmem>>
        %dma_wait3A_151 = arith.constant 0 : i32
        %dma_wait3A_152 = arith.constant 0 : i32
        %dma_wait3A_153 = tpu.memref_slice %arg7[%dma_wait3A_151, %dma_wait3A_152] : memref<10240x128xf32, #tpu.memory_space<vmem_shared>> -> memref<10240x128xf32, #tpu.memory_space<vmem_shared>>
        tpu.wait_indirect_dma semaphore(%run_scoped3A_133 : memref<!tpu.dma_semaphore, #tpu.memory_space<semaphore_mem>>) src(%dma_wait3A_147 : memref<80x128xf32, #tpu.memory_space<vmem>>) dst(%dma_wait3A_153 : memref<10240x128xf32, #tpu.memory_space<vmem_shared>>)
        tpu.yield
      }) : () -> ()
      %add3A_129 = arith.constant 3 : i32
      %add3A_130 = arith.addi %mul3A_84, %add3A_129 : i32
      %lt3A = arith.constant 125 : i32
      %lt3A_131 = arith.cmpi slt, %add3A_130, %lt3A : i32
      %convert_element_type3A = arith.extui %lt3A_131 : i1 to i32
      %cond3A = arith.constant 0 : i32
      %cond3A_132 = arith.cmpi ne, %convert_element_type3A, %cond3A : i32
      scf.if %cond3A_132 {
        %add3A_133 = arith.constant 3 : i32
        %add3A_134 = arith.addi %mul3A_84, %add3A_133 : i32
        %mul3A_135 = arith.constant 80 : i32
        %mul3A_136 = arith.muli %add3A_134, %mul3A_135 : i32
        %multiple_of3A_137 = tpu.assume_multiple %mul3A_136, 8 : i32
        %dma_start3A_138 = arith.constant 1 : i32
        %dma_start3A_139 = arith.constant 0 : i32
        %dma_start3A_140 = arith.constant 0 : i32
        %dma_start3A_141 = tpu.memref_slice %arg10[%dma_start3A_138, %dma_start3A_139, %dma_start3A_140] : memref<2x80x128xf32, #tpu.memory_space<vmem>> -> memref<1x80x128xf32, #tpu.memory_space<vmem>>
        %dma_start3A_142 = tpu.memref_squeeze %dma_start3A_141 : memref<1x80x128xf32, #tpu.memory_space<vmem>> -> memref<80x128xf32, #tpu.memory_space<vmem>>
        %dma_start3A_143 = tpu.memref_slice %arg8[%multiple_of3A_137] : memref<10000xi32, #tpu.memory_space<vmem>> -> memref<80xi32, #tpu.memory_space<vmem>>
        %dma_start3A_144 = arith.constant 0 : i32
        %dma_start3A_145 = arith.constant 0 : i32
        %dma_start3A_146 = tpu.memref_slice %arg2[%dma_start3A_144, %dma_start3A_145] : memref<10000x128xf32, #tpu.memory_space<hbm>> -> memref<10000x128xf32, #tpu.memory_space<hbm>>
        tpu.enqueue_indirect_dma source(%dma_start3A_146 : memref<10000x128xf32, #tpu.memory_space<hbm>>) target(%dma_start3A_142 : memref<80x128xf32, #tpu.memory_space<vmem>>) offsets(%dma_start3A_143 : memref<80xi32, #tpu.memory_space<vmem>>) semaphore(%arg12 : memref<!tpu.dma_semaphore, #tpu.memory_space<semaphore_mem>>)
      } else {
      }
    }
    %scan3A_64 = arith.constant 62 : i32
    %multiple_of3A_65 = arith.constant 9920 : i32
    %multiple_of3A_66 = tpu.assume_multiple %multiple_of3A_65, 8 : i32
    %dma_wait3A_67 = arith.constant 0 : i32
    %dma_wait3A_68 = arith.constant 0 : i32
    %dma_wait3A_69 = arith.constant 0 : i32
    %dma_wait3A_70 = tpu.memref_slice %arg10[%dma_wait3A_67, %dma_wait3A_68, %dma_wait3A_69] : memref<2x80x128xf32, #tpu.memory_space<vmem>> -> memref<1x80x128xf32, #tpu.memory_space<vmem>>
    %dma_wait3A_71 = tpu.memref_squeeze %dma_wait3A_70 : memref<1x80x128xf32, #tpu.memory_space<vmem>> -> memref<80x128xf32, #tpu.memory_space<vmem>>
    %dma_wait3A_72 = tpu.memref_slice %arg8[%multiple_of3A_66] : memref<10000xi32, #tpu.memory_space<vmem>> -> memref<80xi32, #tpu.memory_space<vmem>>
    %dma_wait3A_73 = arith.constant 0 : i32
    %dma_wait3A_74 = arith.constant 0 : i32
    %dma_wait3A_75 = tpu.memref_slice %arg2[%dma_wait3A_73, %dma_wait3A_74] : memref<10000x128xf32, #tpu.memory_space<hbm>> -> memref<10000x128xf32, #tpu.memory_space<hbm>>
    tpu.wait_indirect_dma semaphore(%arg11 : memref<!tpu.dma_semaphore, #tpu.memory_space<semaphore_mem>>) src(%dma_wait3A_75 : memref<10000x128xf32, #tpu.memory_space<hbm>>) dst(%dma_wait3A_71 : memref<80x128xf32, #tpu.memory_space<vmem>>)
    %run_scoped3A = arith.constant 0 : i32
    %run_scoped3A_76 = arith.constant 124 : i32
    "tpu.region"() ({
      %run_scoped3A_82 = tpu.sem_alloc : memref<!tpu.dma_semaphore, #tpu.memory_space<semaphore_mem>>
      %dma_start3A_83 = arith.constant 0 : i32
      %dma_start3A_84 = arith.constant 0 : i32
      %dma_start3A_85 = tpu.memref_slice %arg10[%run_scoped3A, %dma_start3A_83, %dma_start3A_84] : memref<2x80x128xf32, #tpu.memory_space<vmem>> -> memref<1x80x128xf32, #tpu.memory_space<vmem>>
      %dma_start3A_86 = tpu.memref_squeeze %dma_start3A_85 : memref<1x80x128xf32, #tpu.memory_space<vmem>> -> memref<80x128xf32, #tpu.memory_space<vmem>>
      %dma_start3A_87 = arith.constant 0 : i32
      %dma_start3A_88 = tpu.memref_slice %arg9[%run_scoped3A_76, %dma_start3A_87] : memref<125x80xi32, #tpu.memory_space<vmem>> -> memref<1x80xi32, #tpu.memory_space<vmem>>
      %dma_start3A_89 = tpu.memref_squeeze %dma_start3A_88 : memref<1x80xi32, #tpu.memory_space<vmem>> -> memref<80xi32, #tpu.memory_space<vmem>>
      %dma_start3A_90 = arith.constant 0 : i32
      %dma_start3A_91 = arith.constant 0 : i32
      %dma_start3A_92 = tpu.memref_slice %arg7[%dma_start3A_90, %dma_start3A_91] : memref<10240x128xf32, #tpu.memory_space<vmem_shared>> -> memref<10240x128xf32, #tpu.memory_space<vmem_shared>>
      tpu.enqueue_indirect_dma source(%dma_start3A_86 : memref<80x128xf32, #tpu.memory_space<vmem>>) target(%dma_start3A_92 : memref<10240x128xf32, #tpu.memory_space<vmem_shared>>) offsets(%dma_start3A_89 : memref<80xi32, #tpu.memory_space<vmem>>) semaphore(%run_scoped3A_82 : memref<!tpu.dma_semaphore, #tpu.memory_space<semaphore_mem>>) {add = true}
      %dma_wait3A_93 = arith.constant 0 : i32
      %dma_wait3A_94 = arith.constant 0 : i32
      %dma_wait3A_95 = tpu.memref_slice %arg10[%run_scoped3A, %dma_wait3A_93, %dma_wait3A_94] : memref<2x80x128xf32, #tpu.memory_space<vmem>> -> memref<1x80x128xf32, #tpu.memory_space<vmem>>
      %dma_wait3A_96 = tpu.memref_squeeze %dma_wait3A_95 : memref<1x80x128xf32, #tpu.memory_space<vmem>> -> memref<80x128xf32, #tpu.memory_space<vmem>>
      %dma_wait3A_97 = arith.constant 0 : i32
      %dma_wait3A_98 = tpu.memref_slice %arg9[%run_scoped3A_76, %dma_wait3A_97] : memref<125x80xi32, #tpu.memory_space<vmem>> -> memref<1x80xi32, #tpu.memory_space<vmem>>
      %dma_wait3A_99 = tpu.memref_squeeze %dma_wait3A_98 : memref<1x80xi32, #tpu.memory_space<vmem>> -> memref<80xi32, #tpu.memory_space<vmem>>
      %dma_wait3A_100 = arith.constant 0 : i32
      %dma_wait3A_101 = arith.constant 0 : i32
      %dma_wait3A_102 = tpu.memref_slice %arg7[%dma_wait3A_100, %dma_wait3A_101] : memref<10240x128xf32, #tpu.memory_space<vmem_shared>> -> memref<10240x128xf32, #tpu.memory_space<vmem_shared>>
      tpu.wait_indirect_dma semaphore(%run_scoped3A_82 : memref<!tpu.dma_semaphore, #tpu.memory_space<semaphore_mem>>) src(%dma_wait3A_96 : memref<80x128xf32, #tpu.memory_space<vmem>>) dst(%dma_wait3A_102 : memref<10240x128xf32, #tpu.memory_space<vmem_shared>>)
      tpu.yield
    }) : () -> ()
    %barrier3A_77 = arith.constant 0 : index
    tpu.barrier barrier_id(%barrier3A_77)
    %mul3A_78 = arith.constant 640 : i32
    %mul3A_79 = arith.muli %arg1, %mul3A_78 : i32
    %mul3A_80 = arith.constant 640 : i32
    %mul3A_81 = arith.muli %arg1, %mul3A_80 : i32
    "tpu.region"() ({
      %run_scoped3A_82 = tpu.sem_alloc : memref<!tpu.dma_semaphore, #tpu.memory_space<semaphore_mem>>
      %dma_start3A_83 = arith.constant 0 : i32
      %dma_start3A_84 = arith.constant 0 : i32
      %dma_start3A_85 = tpu.memref_slice %arg6[%arg0, %dma_start3A_83, %dma_start3A_84] : memref<2x10240x128xf32, #tpu.memory_space<hbm>> -> memref<1x10240x128xf32, #tpu.memory_space<hbm>>
      %dma_start3A_86 = tpu.memref_squeeze %dma_start3A_85 : memref<1x10240x128xf32, #tpu.memory_space<hbm>> -> memref<10240x128xf32, #tpu.memory_space<hbm>>
      %dma_start3A_87 = arith.constant 0 : i32
      %dma_start3A_88 = tpu.memref_slice %dma_start3A_86[%mul3A_81, %dma_start3A_87] : memref<10240x128xf32, #tpu.memory_space<hbm>> -> memref<640x128xf32, #tpu.memory_space<hbm>>
      %dma_start3A_89 = arith.constant 0 : i32
      %dma_start3A_90 = tpu.memref_slice %arg7[%mul3A_79, %dma_start3A_89] : memref<10240x128xf32, #tpu.memory_space<vmem_shared>> -> memref<640x128xf32, #tpu.memory_space<vmem_shared>>
      tpu.enqueue_dma source(%dma_start3A_90 : memref<640x128xf32, #tpu.memory_space<vmem_shared>>) target(%dma_start3A_88 : memref<640x128xf32, #tpu.memory_space<hbm>>) target_semaphore(%run_scoped3A_82 : memref<!tpu.dma_semaphore, #tpu.memory_space<semaphore_mem>>)
      %dma_wait3A_91 = arith.constant 0 : i32
      %dma_wait3A_92 = arith.constant 0 : i32
      %dma_wait3A_93 = tpu.memref_slice %arg6[%arg0, %dma_wait3A_91, %dma_wait3A_92] : memref<2x10240x128xf32, #tpu.memory_space<hbm>> -> memref<1x10240x128xf32, #tpu.memory_space<hbm>>
      %dma_wait3A_94 = tpu.memref_squeeze %dma_wait3A_93 : memref<1x10240x128xf32, #tpu.memory_space<hbm>> -> memref<10240x128xf32, #tpu.memory_space<hbm>>
      %dma_wait3A_95 = arith.constant 0 : i32
      %dma_wait3A_96 = tpu.memref_slice %dma_wait3A_94[%mul3A_81, %dma_wait3A_95] : memref<10240x128xf32, #tpu.memory_space<hbm>> -> memref<640x128xf32, #tpu.memory_space<hbm>>
      %dma_wait3A_97 = arith.constant 0 : i32
      %dma_wait3A_98 = tpu.memref_slice %arg7[%mul3A_79, %dma_wait3A_97] : memref<10240x128xf32, #tpu.memory_space<vmem_shared>> -> memref<640x128xf32, #tpu.memory_space<vmem_shared>>
      tpu.wait_dma2 semaphore(%run_scoped3A_82 : memref<!tpu.dma_semaphore, #tpu.memory_space<semaphore_mem>>) src(%dma_wait3A_98 : memref<640x128xf32, #tpu.memory_space<vmem_shared>>) dst(%dma_wait3A_96 : memref<640x128xf32, #tpu.memory_space<hbm>>)
      tpu.yield
    }) : () -> ()
    return
  }
}

module attributes {stable_mosaic.version = 14 : i64} {
  func.func @_prep_body(%arg0: i32, %arg1: i32, %arg2: memref<2000x128xf32, #tpu.memory_space<vmem>>, %arg3: memref<2x2000x128xf32, #tpu.memory_space<vmem>>, %arg4: memref<1x128xf32, #tpu.memory_space<vmem>>, %arg5: memref<1x128xf32, #tpu.memory_space<vmem>>, %arg6: memref<128x128xf32, #tpu.memory_space<vmem>>, %arg7: memref<2000x128xf32, #tpu.memory_space<vmem>>, %arg8: memref<2000x1xf32, #tpu.memory_space<vmem>>, %arg9: memref<10000x128xf32, #tpu.memory_space<vmem>>, %arg10: memref<10000x1xf32, #tpu.memory_space<vmem>>, %arg11: memref<1x128xf32, #tpu.memory_space<vmem>>, %arg12: memref<1x128xf32, #tpu.memory_space<vmem>>) attributes {dimension_semantics = [#tpu.dimension_semantics<arbitrary>, #tpu.dimension_semantics<arbitrary>], iteration_bounds = array<i64: 2, 5>, scalar_prefetch = 0 : i64, scratch_operands = 4 : i64, tpu.core_type = #tpu.core_type<tc>, window_params = [{transform_indices = @transform_0, window_bounds = array<i64: 2000, 128>}, {transform_indices = @transform_1, window_bounds = array<i64: 2, 2000, 128>}, {pipeline_mode = #tpu.pipeline_mode<synchronous>, transform_indices = @transform_2, window_bounds = array<i64: 1, 128>}, {pipeline_mode = #tpu.pipeline_mode<synchronous>, transform_indices = @transform_3, window_bounds = array<i64: 1, 128>}, {pipeline_mode = #tpu.pipeline_mode<synchronous>, transform_indices = @transform_4, window_bounds = array<i64: 128, 128>}, {transform_indices = @transform_5, window_bounds = array<i64: 2000, 128>}, {transform_indices = @transform_6, window_bounds = array<i64: 2000, 1>}]} {
    %eq3A = arith.constant 0 : i32
    %eq3A_0 = arith.cmpi eq, %arg0, %eq3A : i32
    %convert_element_type3A = arith.extui %eq3A_0 : i1 to i32
    %cond3A = arith.constant 0 : i32
    %cond3A_1 = arith.cmpi ne, %convert_element_type3A, %cond3A : i32
    scf.if %cond3A_1 {
      %get3A = arith.constant 0 : index
      %get3A_7 = arith.constant 0 : index
      %get3A_8 = arith.constant 0 : index
      %get3A_9 = vector.load %arg3[%get3A, %get3A_7, %get3A_8] : memref<2x2000x128xf32, #tpu.memory_space<vmem>>, vector<1x2000x128xf32>
      %get3A_10 = vector.shape_cast %get3A_9 : vector<1x2000x128xf32> to vector<2000x128xf32>
      %slice3A = vector.extract_strided_slice %get3A_10 {offsets = [0, 0], sizes = [2000, 1], strides = [1, 1]} : vector<2000x128xf32> to vector<2000x1xf32>
      %get3A_11 = arith.constant 1 : index
      %get3A_12 = arith.constant 0 : index
      %get3A_13 = arith.constant 0 : index
      %get3A_14 = vector.load %arg3[%get3A_11, %get3A_12, %get3A_13] : memref<2x2000x128xf32, #tpu.memory_space<vmem>>, vector<1x2000x128xf32>
      %get3A_15 = vector.shape_cast %get3A_14 : vector<1x2000x128xf32> to vector<2000x128xf32>
      %slice3A_16 = vector.extract_strided_slice %get3A_15 {offsets = [0, 0], sizes = [2000, 1], strides = [1, 1]} : vector<2000x128xf32> to vector<2000x1xf32>
      %add3A = arith.addf %slice3A, %slice3A_16 : vector<2000x1xf32>
      %add3A_17 = arith.constant 1.000000e+00 : f32
      %add3A_18 = vector.broadcast %add3A_17 : f32 to vector<2000x1xf32>
      %add3A_19 = arith.addf %add3A, %add3A_18 : vector<2000x1xf32>
      %rsqrt3A = math.rsqrt %add3A_19 : vector<2000x1xf32>
      %swap3A = arith.constant 0 : index
      %swap3A_20 = arith.constant 0 : index
      %swap3A_21 = vector.load %arg8[%swap3A, %swap3A_20] : memref<2000x1xf32, #tpu.memory_space<vmem>>, vector<2000x1xf32>
      tpu.vector_store %arg8[%swap3A, %swap3A_20], %rsqrt3A {strides = array<i32>} : memref<2000x1xf32, #tpu.memory_space<vmem>>, vector<2000x1xf32>,
      %mul3A = arith.constant 2000 : i32
      %mul3A_22 = arith.muli %arg1, %mul3A : i32
      %swap3A_23 = arith.index_cast %mul3A_22 : i32 to index
      %swap3A_24 = arith.constant 0 : index
      %swap3A_25 = vector.load %arg10[%swap3A_23, %swap3A_24] : memref<10000x1xf32, #tpu.memory_space<vmem>>, vector<2000x1xf32>
      tpu.vector_store %arg10[%swap3A_23, %swap3A_24], %rsqrt3A {strides = array<i32>} : memref<10000x1xf32, #tpu.memory_space<vmem>>, vector<2000x1xf32>,
      %get3A_26 = arith.constant 0 : index
      %get3A_27 = arith.constant 0 : index
      %get3A_28 = vector.load %arg2[%get3A_26, %get3A_27] : memref<2000x128xf32, #tpu.memory_space<vmem>>, vector<2000x128xf32>
      %mul3A_29 = arith.constant 2000 : i32
      %mul3A_30 = arith.muli %arg1, %mul3A_29 : i32
      %swap3A_31 = arith.index_cast %mul3A_30 : i32 to index
      %swap3A_32 = arith.constant 0 : index
      %swap3A_33 = vector.load %arg9[%swap3A_31, %swap3A_32] : memref<10000x128xf32, #tpu.memory_space<vmem>>, vector<2000x128xf32>
      tpu.vector_store %arg9[%swap3A_31, %swap3A_32], %get3A_28 {strides = array<i32>} : memref<10000x128xf32, #tpu.memory_space<vmem>>, vector<2000x128xf32>,
      %reduce_sum3A = arith.constant dense<0.000000e+00> : vector<128xf32>
      %reduce_sum3A_34 = vector.multi_reduction <add>, %get3A_28, %reduce_sum3A [0] : vector<2000x128xf32> to vector<128xf32>
      %broadcast_in_dim3A = vector.shape_cast %reduce_sum3A_34 : vector<128xf32> to vector<1x128xf32>
      %mul3A_35 = arith.mulf %get3A_28, %get3A_28 : vector<2000x128xf32>
      %reduce_sum3A_36 = arith.constant dense<0.000000e+00> : vector<128xf32>
      %reduce_sum3A_37 = vector.multi_reduction <add>, %mul3A_35, %reduce_sum3A_36 [0] : vector<2000x128xf32> to vector<128xf32>
      %broadcast_in_dim3A_38 = vector.shape_cast %reduce_sum3A_37 : vector<128xf32> to vector<1x128xf32>
      %eq3A_39 = arith.constant 0 : i32
      %eq3A_40 = arith.cmpi eq, %arg1, %eq3A_39 : i32
      %convert_element_type3A_41 = arith.extui %eq3A_40 : i1 to i32
      %cond3A_42 = arith.constant 0 : i32
      %cond3A_43 = arith.cmpi ne, %convert_element_type3A_41, %cond3A_42 : i32
      scf.if %cond3A_43 {
        %swap3A_48 = arith.constant 0 : index
        %swap3A_49 = arith.constant 0 : index
        %swap3A_50 = vector.load %arg11[%swap3A_48, %swap3A_49] : memref<1x128xf32, #tpu.memory_space<vmem>>, vector<1x128xf32>
        tpu.vector_store %arg11[%swap3A_48, %swap3A_49], %broadcast_in_dim3A {strides = array<i32>} : memref<1x128xf32, #tpu.memory_space<vmem>>, vector<1x128xf32>,
        %swap3A_51 = arith.constant 0 : index
        %swap3A_52 = arith.constant 0 : index
        %swap3A_53 = vector.load %arg12[%swap3A_51, %swap3A_52] : memref<1x128xf32, #tpu.memory_space<vmem>>, vector<1x128xf32>
        tpu.vector_store %arg12[%swap3A_51, %swap3A_52], %broadcast_in_dim3A_38 {strides = array<i32>} : memref<1x128xf32, #tpu.memory_space<vmem>>, vector<1x128xf32>,
      } else {
      }
      %gt3A = arith.constant 0 : i32
      %gt3A_44 = arith.cmpi sgt, %arg1, %gt3A : i32
      %convert_element_type3A_45 = arith.extui %gt3A_44 : i1 to i32
      %cond3A_46 = arith.constant 0 : i32
      %cond3A_47 = arith.cmpi ne, %convert_element_type3A_45, %cond3A_46 : i32
      scf.if %cond3A_47 {
        %get3A_48 = arith.constant 0 : index
        %get3A_49 = arith.constant 0 : index
        %get3A_50 = vector.load %arg11[%get3A_48, %get3A_49] : memref<1x128xf32, #tpu.memory_space<vmem>>, vector<1x128xf32>
        %add3A_51 = arith.addf %get3A_50, %broadcast_in_dim3A : vector<1x128xf32>
        %swap3A_52 = arith.constant 0 : index
        %swap3A_53 = arith.constant 0 : index
        %swap3A_54 = vector.load %arg11[%swap3A_52, %swap3A_53] : memref<1x128xf32, #tpu.memory_space<vmem>>, vector<1x128xf32>
        tpu.vector_store %arg11[%swap3A_52, %swap3A_53], %add3A_51 {strides = array<i32>} : memref<1x128xf32, #tpu.memory_space<vmem>>, vector<1x128xf32>,
        %get3A_55 = arith.constant 0 : index
        %get3A_56 = arith.constant 0 : index
        %get3A_57 = vector.load %arg12[%get3A_55, %get3A_56] : memref<1x128xf32, #tpu.memory_space<vmem>>, vector<1x128xf32>
        %add3A_58 = arith.addf %get3A_57, %broadcast_in_dim3A_38 : vector<1x128xf32>
        %swap3A_59 = arith.constant 0 : index
        %swap3A_60 = arith.constant 0 : index
        %swap3A_61 = vector.load %arg12[%swap3A_59, %swap3A_60] : memref<1x128xf32, #tpu.memory_space<vmem>>, vector<1x128xf32>
        tpu.vector_store %arg12[%swap3A_59, %swap3A_60], %add3A_58 {strides = array<i32>} : memref<1x128xf32, #tpu.memory_space<vmem>>, vector<1x128xf32>,
      } else {
      }
    } else {
    }
    %eq3A_2 = arith.constant 1 : i32
    %eq3A_3 = arith.cmpi eq, %arg0, %eq3A_2 : i32
    %convert_element_type3A_4 = arith.extui %eq3A_3 : i1 to i32
    %cond3A_5 = arith.constant 0 : i32
    %cond3A_6 = arith.cmpi ne, %convert_element_type3A_4, %cond3A_5 : i32
    scf.if %cond3A_6 {
      %get3A = arith.constant 0 : index
      %get3A_7 = arith.constant 0 : index
      %get3A_8 = vector.load %arg11[%get3A, %get3A_7] : memref<1x128xf32, #tpu.memory_space<vmem>>, vector<1x128xf32>
      %div3A = arith.constant 1.000000e+04 : f32
      %div3A_9 = vector.broadcast %div3A : f32 to vector<1x128xf32>
      %div3A_10 = arith.divf %get3A_8, %div3A_9 : vector<1x128xf32>
      %get3A_11 = arith.constant 0 : index
      %get3A_12 = arith.constant 0 : index
      %get3A_13 = vector.load %arg12[%get3A_11, %get3A_12] : memref<1x128xf32, #tpu.memory_space<vmem>>, vector<1x128xf32>
      %div3A_14 = arith.constant 1.000000e+04 : f32
      %div3A_15 = vector.broadcast %div3A_14 : f32 to vector<1x128xf32>
      %div3A_16 = arith.divf %get3A_13, %div3A_15 : vector<1x128xf32>
      %mul3A = arith.mulf %div3A_10, %div3A_10 : vector<1x128xf32>
      %sub3A = arith.subf %div3A_16, %mul3A : vector<1x128xf32>
      %mul3A_17 = arith.constant 2000 : i32
      %mul3A_18 = arith.muli %arg1, %mul3A_17 : i32
      %get3A_19 = arith.index_cast %mul3A_18 : i32 to index
      %get3A_20 = arith.constant 0 : index
      %get3A_21 = vector.load %arg9[%get3A_19, %get3A_20] : memref<10000x128xf32, #tpu.memory_space<vmem>>, vector<2000x128xf32>
      %sub3A_22 = vector.broadcast %div3A_10 : vector<1x128xf32> to vector<2000x128xf32>
      %sub3A_23 = arith.subf %get3A_21, %sub3A_22 : vector<2000x128xf32>
      %add3A = arith.constant 9.99999974E-6 : f32
      %add3A_24 = vector.broadcast %add3A : f32 to vector<1x128xf32>
      %add3A_25 = arith.addf %sub3A, %add3A_24 : vector<1x128xf32>
      %rsqrt3A = math.rsqrt %add3A_25 : vector<1x128xf32>
      %get3A_26 = arith.constant 0 : index
      %get3A_27 = arith.constant 0 : index
      %get3A_28 = vector.load %arg4[%get3A_26, %get3A_27] : memref<1x128xf32, #tpu.memory_space<vmem>>, vector<1x128xf32>
      %mul3A_29 = arith.mulf %rsqrt3A, %get3A_28 : vector<1x128xf32>
      %mul3A_30 = vector.broadcast %mul3A_29 : vector<1x128xf32> to vector<2000x128xf32>
      %mul3A_31 = arith.mulf %sub3A_23, %mul3A_30 : vector<2000x128xf32>
      %get3A_32 = arith.constant 0 : index
      %get3A_33 = arith.constant 0 : index
      %get3A_34 = vector.load %arg5[%get3A_32, %get3A_33] : memref<1x128xf32, #tpu.memory_space<vmem>>, vector<1x128xf32>
      %add3A_35 = vector.broadcast %get3A_34 : vector<1x128xf32> to vector<2000x128xf32>
      %add3A_36 = arith.addf %mul3A_31, %add3A_35 : vector<2000x128xf32>
      %mul3A_37 = arith.constant 2000 : i32
      %mul3A_38 = arith.muli %arg1, %mul3A_37 : i32
      %get3A_39 = arith.index_cast %mul3A_38 : i32 to index
      %get3A_40 = arith.constant 0 : index
      %get3A_41 = vector.load %arg10[%get3A_39, %get3A_40] : memref<10000x1xf32, #tpu.memory_space<vmem>>, vector<2000x1xf32>
      %mul3A_42 = vector.broadcast %get3A_41 : vector<2000x1xf32> to vector<2000x128xf32>
      %mul3A_43 = arith.mulf %add3A_36, %mul3A_42 : vector<2000x128xf32>
      %get3A_44 = arith.constant 0 : index
      %get3A_45 = arith.constant 0 : index
      %get3A_46 = vector.load %arg6[%get3A_44, %get3A_45] : memref<128x128xf32, #tpu.memory_space<vmem>>, vector<128x128xf32>
      %dot_general3A = arith.constant dense<0.000000e+00> : vector<2000x128xf32>
      %dot_general3A_47 = tpu.matmul %mul3A_43, %get3A_46, %dot_general3A {dimension_numbers = #tpu.dot_dimension_numbers<[1], [0], [0], [1], [0, 0, 1, 1], [], []>, precision = #tpu.contract_precision<fp32>, transpose_lhs_hint = false} : vector<2000x128xf32>, vector<128x128xf32>, vector<2000x128xf32> -> vector<2000x128xf32>
      %swap3A = arith.constant 0 : index
      %swap3A_48 = arith.constant 0 : index
      %swap3A_49 = vector.load %arg7[%swap3A, %swap3A_48] : memref<2000x128xf32, #tpu.memory_space<vmem>>, vector<2000x128xf32>
      tpu.vector_store %arg7[%swap3A, %swap3A_48], %dot_general3A_47 {strides = array<i32>} : memref<2000x128xf32, #tpu.memory_space<vmem>>, vector<2000x128xf32>,
    } else {
    }
    return
  }
  func.func @transform_0(%arg0: i32, %arg1: i32) -> (i32, i32) {
    %sub3A = arith.constant 1 : i32
    %sub3A_0 = arith.subi %sub3A, %arg0 : i32
    %mul3A = arith.muli %arg1, %sub3A_0 : i32
    %c0_i32 = arith.constant 0 : i32
    %c0_i32_1 = arith.constant 0 : i32
    return %mul3A, %c0_i32 : i32, i32
  }
  func.func @transform_1(%arg0: i32, %arg1: i32) -> (i32, i32, i32) {
    %sub3A = arith.constant 1 : i32
    %sub3A_0 = arith.subi %sub3A, %arg0 : i32
    %mul3A = arith.muli %arg1, %sub3A_0 : i32
    %c0_i32 = arith.constant 0 : i32
    %c0_i32_1 = arith.constant 0 : i32
    %c0_i32_2 = arith.constant 0 : i32
    return %c0_i32, %mul3A, %c0_i32_1 : i32, i32, i32
  }
  func.func @transform_2(%arg0: i32, %arg1: i32) -> (i32, i32) {
    %c0_i32 = arith.constant 0 : i32
    %c0_i32_0 = arith.constant 0 : i32
    %c0_i32_1 = arith.constant 0 : i32
    return %c0_i32, %c0_i32_0 : i32, i32
  }
  func.func @transform_3(%arg0: i32, %arg1: i32) -> (i32, i32) {
    %c0_i32 = arith.constant 0 : i32
    %c0_i32_0 = arith.constant 0 : i32
    %c0_i32_1 = arith.constant 0 : i32
    return %c0_i32, %c0_i32_0 : i32, i32
  }
  func.func @transform_4(%arg0: i32, %arg1: i32) -> (i32, i32) {
    %c0_i32 = arith.constant 0 : i32
    %c0_i32_0 = arith.constant 0 : i32
    %c0_i32_1 = arith.constant 0 : i32
    return %c0_i32, %c0_i32_0 : i32, i32
  }
  func.func @transform_5(%arg0: i32, %arg1: i32) -> (i32, i32) {
    %mul3A = arith.muli %arg1, %arg0 : i32
    %c0_i32 = arith.constant 0 : i32
    %c0_i32_0 = arith.constant 0 : i32
    return %mul3A, %c0_i32 : i32, i32
  }
  func.func @transform_6(%arg0: i32, %arg1: i32) -> (i32, i32) {
    %sub3A = arith.constant 1 : i32
    %sub3A_0 = arith.subi %sub3A, %arg0 : i32
    %mul3A = arith.muli %arg1, %sub3A_0 : i32
    %mul3A_1 = arith.constant 4 : i32
    %mul3A_2 = arith.muli %mul3A_1, %arg0 : i32
    %add3A = arith.addi %mul3A, %mul3A_2 : i32
    %c0_i32 = arith.constant 0 : i32
    %c0_i32_3 = arith.constant 0 : i32
    return %add3A, %c0_i32 : i32, i32
  }
}

module attributes {stable_mosaic.version = 14 : i64} {
  func.func @_layer_body(%arg0: i32, %arg1: i32, %arg2: memref<2x2000x128xf32, #tpu.memory_space<vmem>>, %arg3: memref<2000x128xf32, #tpu.memory_space<vmem>>, %arg4: memref<2000x1xf32, #tpu.memory_space<vmem>>, %arg5: memref<1x128xf32, #tpu.memory_space<vmem>>, %arg6: memref<1x128xf32, #tpu.memory_space<vmem>>, %arg7: memref<1x128xf32, #tpu.memory_space<vmem>>, %arg8: memref<128x128xf32, #tpu.memory_space<vmem>>, %arg9: memref<2000x128xf32, #tpu.memory_space<vmem>>, %arg10: memref<10000x128xf32, #tpu.memory_space<vmem>>, %arg11: memref<1x128xf32, #tpu.memory_space<vmem>>, %arg12: memref<1x128xf32, #tpu.memory_space<vmem>>) attributes {dimension_semantics = [#tpu.dimension_semantics<arbitrary>, #tpu.dimension_semantics<arbitrary>], iteration_bounds = array<i64: 2, 5>, scalar_prefetch = 0 : i64, scratch_operands = 3 : i64, tpu.core_type = #tpu.core_type<tc>, window_params = [{transform_indices = @transform_0, window_bounds = array<i64: 2, 2000, 128>}, {transform_indices = @transform_1, window_bounds = array<i64: 2000, 128>}, {transform_indices = @transform_2, window_bounds = array<i64: 2000, 1>}, {pipeline_mode = #tpu.pipeline_mode<synchronous>, transform_indices = @transform_3, window_bounds = array<i64: 1, 128>}, {pipeline_mode = #tpu.pipeline_mode<synchronous>, transform_indices = @transform_4, window_bounds = array<i64: 1, 128>}, {pipeline_mode = #tpu.pipeline_mode<synchronous>, transform_indices = @transform_5, window_bounds = array<i64: 1, 128>}, {pipeline_mode = #tpu.pipeline_mode<synchronous>, transform_indices = @transform_6, window_bounds = array<i64: 128, 128>}, {transform_indices = @transform_7, window_bounds = array<i64: 2000, 128>}]} {
    %eq3A = arith.constant 0 : i32
    %eq3A_0 = arith.cmpi eq, %arg0, %eq3A : i32
    %convert_element_type3A = arith.extui %eq3A_0 : i1 to i32
    %cond3A = arith.constant 0 : i32
    %cond3A_1 = arith.cmpi ne, %convert_element_type3A, %cond3A : i32
    scf.if %cond3A_1 {
      %get3A = arith.constant 0 : index
      %get3A_7 = arith.constant 0 : index
      %get3A_8 = arith.constant 0 : index
      %get3A_9 = vector.load %arg2[%get3A, %get3A_7, %get3A_8] : memref<2x2000x128xf32, #tpu.memory_space<vmem>>, vector<1x2000x128xf32>
      %get3A_10 = vector.shape_cast %get3A_9 : vector<1x2000x128xf32> to vector<2000x128xf32>
      %get3A_11 = arith.constant 1 : index
      %get3A_12 = arith.constant 0 : index
      %get3A_13 = arith.constant 0 : index
      %get3A_14 = vector.load %arg2[%get3A_11, %get3A_12, %get3A_13] : memref<2x2000x128xf32, #tpu.memory_space<vmem>>, vector<1x2000x128xf32>
      %get3A_15 = vector.shape_cast %get3A_14 : vector<1x2000x128xf32> to vector<2000x128xf32>
      %add3A = arith.addf %get3A_10, %get3A_15 : vector<2000x128xf32>
      %get3A_16 = arith.constant 0 : index
      %get3A_17 = arith.constant 0 : index
      %get3A_18 = vector.load %arg3[%get3A_16, %get3A_17] : memref<2000x128xf32, #tpu.memory_space<vmem>>, vector<2000x128xf32>
      %add3A_19 = arith.addf %add3A, %get3A_18 : vector<2000x128xf32>
      %get3A_20 = arith.constant 0 : index
      %get3A_21 = arith.constant 0 : index
      %get3A_22 = vector.load %arg4[%get3A_20, %get3A_21] : memref<2000x1xf32, #tpu.memory_space<vmem>>, vector<2000x1xf32>
      %mul3A = vector.broadcast %get3A_22 : vector<2000x1xf32> to vector<2000x128xf32>
      %mul3A_23 = arith.mulf %add3A_19, %mul3A : vector<2000x128xf32>
      %get3A_24 = arith.constant 0 : index
      %get3A_25 = arith.constant 0 : index
      %get3A_26 = vector.load %arg5[%get3A_24, %get3A_25] : memref<1x128xf32, #tpu.memory_space<vmem>>, vector<1x128xf32>
      %add3A_27 = vector.broadcast %get3A_26 : vector<1x128xf32> to vector<2000x128xf32>
      %add3A_28 = arith.addf %mul3A_23, %add3A_27 : vector<2000x128xf32>
      %max3A = arith.constant 0.000000e+00 : f32
      %max3A_29 = vector.broadcast %max3A : f32 to vector<2000x128xf32>
      %max3A_30 = arith.maximumf %add3A_28, %max3A_29 : vector<2000x128xf32>
      %mul3A_31 = arith.constant 2000 : i32
      %mul3A_32 = arith.muli %arg1, %mul3A_31 : i32
      %swap3A = arith.index_cast %mul3A_32 : i32 to index
      %swap3A_33 = arith.constant 0 : index
      %swap3A_34 = vector.load %arg10[%swap3A, %swap3A_33] : memref<10000x128xf32, #tpu.memory_space<vmem>>, vector<2000x128xf32>
      tpu.vector_store %arg10[%swap3A, %swap3A_33], %max3A_30 {strides = array<i32>} : memref<10000x128xf32, #tpu.memory_space<vmem>>, vector<2000x128xf32>,
      %reduce_sum3A = arith.constant dense<0.000000e+00> : vector<128xf32>
      %reduce_sum3A_35 = vector.multi_reduction <add>, %max3A_30, %reduce_sum3A [0] : vector<2000x128xf32> to vector<128xf32>
      %broadcast_in_dim3A = vector.shape_cast %reduce_sum3A_35 : vector<128xf32> to vector<1x128xf32>
      %mul3A_36 = arith.mulf %max3A_30, %max3A_30 : vector<2000x128xf32>
      %reduce_sum3A_37 = arith.constant dense<0.000000e+00> : vector<128xf32>
      %reduce_sum3A_38 = vector.multi_reduction <add>, %mul3A_36, %reduce_sum3A_37 [0] : vector<2000x128xf32> to vector<128xf32>
      %broadcast_in_dim3A_39 = vector.shape_cast %reduce_sum3A_38 : vector<128xf32> to vector<1x128xf32>
      %eq3A_40 = arith.constant 0 : i32
      %eq3A_41 = arith.cmpi eq, %arg1, %eq3A_40 : i32
      %convert_element_type3A_42 = arith.extui %eq3A_41 : i1 to i32
      %cond3A_43 = arith.constant 0 : i32
      %cond3A_44 = arith.cmpi ne, %convert_element_type3A_42, %cond3A_43 : i32
      scf.if %cond3A_44 {
        %swap3A_49 = arith.constant 0 : index
        %swap3A_50 = arith.constant 0 : index
        %swap3A_51 = vector.load %arg11[%swap3A_49, %swap3A_50] : memref<1x128xf32, #tpu.memory_space<vmem>>, vector<1x128xf32>
        tpu.vector_store %arg11[%swap3A_49, %swap3A_50], %broadcast_in_dim3A {strides = array<i32>} : memref<1x128xf32, #tpu.memory_space<vmem>>, vector<1x128xf32>,
        %swap3A_52 = arith.constant 0 : index
        %swap3A_53 = arith.constant 0 : index
        %swap3A_54 = vector.load %arg12[%swap3A_52, %swap3A_53] : memref<1x128xf32, #tpu.memory_space<vmem>>, vector<1x128xf32>
        tpu.vector_store %arg12[%swap3A_52, %swap3A_53], %broadcast_in_dim3A_39 {strides = array<i32>} : memref<1x128xf32, #tpu.memory_space<vmem>>, vector<1x128xf32>,
      } else {
      }
      %gt3A = arith.constant 0 : i32
      %gt3A_45 = arith.cmpi sgt, %arg1, %gt3A : i32
      %convert_element_type3A_46 = arith.extui %gt3A_45 : i1 to i32
      %cond3A_47 = arith.constant 0 : i32
      %cond3A_48 = arith.cmpi ne, %convert_element_type3A_46, %cond3A_47 : i32
      scf.if %cond3A_48 {
        %get3A_49 = arith.constant 0 : index
        %get3A_50 = arith.constant 0 : index
        %get3A_51 = vector.load %arg11[%get3A_49, %get3A_50] : memref<1x128xf32, #tpu.memory_space<vmem>>, vector<1x128xf32>
        %add3A_52 = arith.addf %get3A_51, %broadcast_in_dim3A : vector<1x128xf32>
        %swap3A_53 = arith.constant 0 : index
        %swap3A_54 = arith.constant 0 : index
        %swap3A_55 = vector.load %arg11[%swap3A_53, %swap3A_54] : memref<1x128xf32, #tpu.memory_space<vmem>>, vector<1x128xf32>
        tpu.vector_store %arg11[%swap3A_53, %swap3A_54], %add3A_52 {strides = array<i32>} : memref<1x128xf32, #tpu.memory_space<vmem>>, vector<1x128xf32>,
        %get3A_56 = arith.constant 0 : index
        %get3A_57 = arith.constant 0 : index
        %get3A_58 = vector.load %arg12[%get3A_56, %get3A_57] : memref<1x128xf32, #tpu.memory_space<vmem>>, vector<1x128xf32>
        %add3A_59 = arith.addf %get3A_58, %broadcast_in_dim3A_39 : vector<1x128xf32>
        %swap3A_60 = arith.constant 0 : index
        %swap3A_61 = arith.constant 0 : index
        %swap3A_62 = vector.load %arg12[%swap3A_60, %swap3A_61] : memref<1x128xf32, #tpu.memory_space<vmem>>, vector<1x128xf32>
        tpu.vector_store %arg12[%swap3A_60, %swap3A_61], %add3A_59 {strides = array<i32>} : memref<1x128xf32, #tpu.memory_space<vmem>>, vector<1x128xf32>,
      } else {
      }
    } else {
    }
    %eq3A_2 = arith.constant 1 : i32
    %eq3A_3 = arith.cmpi eq, %arg0, %eq3A_2 : i32
    %convert_element_type3A_4 = arith.extui %eq3A_3 : i1 to i32
    %cond3A_5 = arith.constant 0 : i32
    %cond3A_6 = arith.cmpi ne, %convert_element_type3A_4, %cond3A_5 : i32
    scf.if %cond3A_6 {
      %get3A = arith.constant 0 : index
      %get3A_7 = arith.constant 0 : index
      %get3A_8 = vector.load %arg11[%get3A, %get3A_7] : memref<1x128xf32, #tpu.memory_space<vmem>>, vector<1x128xf32>
      %div3A = arith.constant 1.000000e+04 : f32
      %div3A_9 = vector.broadcast %div3A : f32 to vector<1x128xf32>
      %div3A_10 = arith.divf %get3A_8, %div3A_9 : vector<1x128xf32>
      %get3A_11 = arith.constant 0 : index
      %get3A_12 = arith.constant 0 : index
      %get3A_13 = vector.load %arg12[%get3A_11, %get3A_12] : memref<1x128xf32, #tpu.memory_space<vmem>>, vector<1x128xf32>
      %div3A_14 = arith.constant 1.000000e+04 : f32
      %div3A_15 = vector.broadcast %div3A_14 : f32 to vector<1x128xf32>
      %div3A_16 = arith.divf %get3A_13, %div3A_15 : vector<1x128xf32>
      %mul3A = arith.mulf %div3A_10, %div3A_10 : vector<1x128xf32>
      %sub3A = arith.subf %div3A_16, %mul3A : vector<1x128xf32>
      %mul3A_17 = arith.constant 2000 : i32
      %mul3A_18 = arith.muli %arg1, %mul3A_17 : i32
      %get3A_19 = arith.index_cast %mul3A_18 : i32 to index
      %get3A_20 = arith.constant 0 : index
      %get3A_21 = vector.load %arg10[%get3A_19, %get3A_20] : memref<10000x128xf32, #tpu.memory_space<vmem>>, vector<2000x128xf32>
      %sub3A_22 = vector.broadcast %div3A_10 : vector<1x128xf32> to vector<2000x128xf32>
      %sub3A_23 = arith.subf %get3A_21, %sub3A_22 : vector<2000x128xf32>
      %add3A = arith.constant 9.99999974E-6 : f32
      %add3A_24 = vector.broadcast %add3A : f32 to vector<1x128xf32>
      %add3A_25 = arith.addf %sub3A, %add3A_24 : vector<1x128xf32>
      %rsqrt3A = math.rsqrt %add3A_25 : vector<1x128xf32>
      %get3A_26 = arith.constant 0 : index
      %get3A_27 = arith.constant 0 : index
      %get3A_28 = vector.load %arg6[%get3A_26, %get3A_27] : memref<1x128xf32, #tpu.memory_space<vmem>>, vector<1x128xf32>
      %mul3A_29 = arith.mulf %rsqrt3A, %get3A_28 : vector<1x128xf32>
      %mul3A_30 = vector.broadcast %mul3A_29 : vector<1x128xf32> to vector<2000x128xf32>
      %mul3A_31 = arith.mulf %sub3A_23, %mul3A_30 : vector<2000x128xf32>
      %get3A_32 = arith.constant 0 : index
      %get3A_33 = arith.constant 0 : index
      %get3A_34 = vector.load %arg7[%get3A_32, %get3A_33] : memref<1x128xf32, #tpu.memory_space<vmem>>, vector<1x128xf32>
      %add3A_35 = vector.broadcast %get3A_34 : vector<1x128xf32> to vector<2000x128xf32>
      %add3A_36 = arith.addf %mul3A_31, %add3A_35 : vector<2000x128xf32>
      %get3A_37 = arith.constant 0 : index
      %get3A_38 = arith.constant 0 : index
      %get3A_39 = vector.load %arg4[%get3A_37, %get3A_38] : memref<2000x1xf32, #tpu.memory_space<vmem>>, vector<2000x1xf32>
      %mul3A_40 = vector.broadcast %get3A_39 : vector<2000x1xf32> to vector<2000x128xf32>
      %mul3A_41 = arith.mulf %add3A_36, %mul3A_40 : vector<2000x128xf32>
      %get3A_42 = arith.constant 0 : index
      %get3A_43 = arith.constant 0 : index
      %get3A_44 = vector.load %arg8[%get3A_42, %get3A_43] : memref<128x128xf32, #tpu.memory_space<vmem>>, vector<128x128xf32>
      %dot_general3A = arith.constant dense<0.000000e+00> : vector<2000x128xf32>
      %dot_general3A_45 = tpu.matmul %mul3A_41, %get3A_44, %dot_general3A {dimension_numbers = #tpu.dot_dimension_numbers<[1], [0], [0], [1], [0, 0, 1, 1], [], []>, precision = #tpu.contract_precision<fp32>, transpose_lhs_hint = false} : vector<2000x128xf32>, vector<128x128xf32>, vector<2000x128xf32> -> vector<2000x128xf32>
      %swap3A = arith.constant 0 : index
      %swap3A_46 = arith.constant 0 : index
      %swap3A_47 = vector.load %arg9[%swap3A, %swap3A_46] : memref<2000x128xf32, #tpu.memory_space<vmem>>, vector<2000x128xf32>
      tpu.vector_store %arg9[%swap3A, %swap3A_46], %dot_general3A_45 {strides = array<i32>} : memref<2000x128xf32, #tpu.memory_space<vmem>>, vector<2000x128xf32>,
    } else {
    }
    return
  }
  func.func @transform_0(%arg0: i32, %arg1: i32) -> (i32, i32, i32) {
    %sub3A = arith.constant 1 : i32
    %sub3A_0 = arith.subi %sub3A, %arg0 : i32
    %mul3A = arith.muli %arg1, %sub3A_0 : i32
    %c0_i32 = arith.constant 0 : i32
    %c0_i32_1 = arith.constant 0 : i32
    %c0_i32_2 = arith.constant 0 : i32
    return %c0_i32, %mul3A, %c0_i32_1 : i32, i32, i32
  }
  func.func @transform_1(%arg0: i32, %arg1: i32) -> (i32, i32) {
    %sub3A = arith.constant 1 : i32
    %sub3A_0 = arith.subi %sub3A, %arg0 : i32
    %mul3A = arith.muli %arg1, %sub3A_0 : i32
    %c0_i32 = arith.constant 0 : i32
    %c0_i32_1 = arith.constant 0 : i32
    return %mul3A, %c0_i32 : i32, i32
  }
  func.func @transform_2(%arg0: i32, %arg1: i32) -> (i32, i32) {
    %c0_i32 = arith.constant 0 : i32
    %c0_i32_0 = arith.constant 0 : i32
    return %arg1, %c0_i32 : i32, i32
  }
  func.func @transform_3(%arg0: i32, %arg1: i32) -> (i32, i32) {
    %c0_i32 = arith.constant 0 : i32
    %c0_i32_0 = arith.constant 0 : i32
    %c0_i32_1 = arith.constant 0 : i32
    return %c0_i32, %c0_i32_0 : i32, i32
  }
  func.func @transform_4(%arg0: i32, %arg1: i32) -> (i32, i32) {
    %c0_i32 = arith.constant 0 : i32
    %c0_i32_0 = arith.constant 0 : i32
    %c0_i32_1 = arith.constant 0 : i32
    return %c0_i32, %c0_i32_0 : i32, i32
  }
  func.func @transform_5(%arg0: i32, %arg1: i32) -> (i32, i32) {
    %c0_i32 = arith.constant 0 : i32
    %c0_i32_0 = arith.constant 0 : i32
    %c0_i32_1 = arith.constant 0 : i32
    return %c0_i32, %c0_i32_0 : i32, i32
  }
  func.func @transform_6(%arg0: i32, %arg1: i32) -> (i32, i32) {
    %c0_i32 = arith.constant 0 : i32
    %c0_i32_0 = arith.constant 0 : i32
    %c0_i32_1 = arith.constant 0 : i32
    return %c0_i32, %c0_i32_0 : i32, i32
  }
  func.func @transform_7(%arg0: i32, %arg1: i32) -> (i32, i32) {
    %mul3A = arith.muli %arg1, %arg0 : i32
    %c0_i32 = arith.constant 0 : i32
    %c0_i32_0 = arith.constant 0 : i32
    return %mul3A, %c0_i32 : i32, i32
  }
}

module attributes {stable_mosaic.version = 14 : i64} {
  func.func @_final_body(%arg0: i32, %arg1: memref<2x2000x128xf32, #tpu.memory_space<vmem>>, %arg2: memref<2000x128xf32, #tpu.memory_space<vmem>>, %arg3: memref<2000x1xf32, #tpu.memory_space<vmem>>, %arg4: memref<1x128xf32, #tpu.memory_space<vmem>>, %arg5: memref<128x40xf32, #tpu.memory_space<vmem>>, %arg6: memref<1x40xf32, #tpu.memory_space<vmem>>, %arg7: memref<2000x40xf32, #tpu.memory_space<vmem>>) attributes {dimension_semantics = [#tpu.dimension_semantics<arbitrary>], iteration_bounds = array<i64: 5>, scalar_prefetch = 0 : i64, scratch_operands = 0 : i64, tpu.core_type = #tpu.core_type<tc>, window_params = [{transform_indices = @transform_0, window_bounds = array<i64: 2, 2000, 128>}, {transform_indices = @transform_1, window_bounds = array<i64: 2000, 128>}, {transform_indices = @transform_2, window_bounds = array<i64: 2000, 1>}, {pipeline_mode = #tpu.pipeline_mode<synchronous>, transform_indices = @transform_3, window_bounds = array<i64: 1, 128>}, {pipeline_mode = #tpu.pipeline_mode<synchronous>, transform_indices = @transform_4, window_bounds = array<i64: 128, 40>}, {pipeline_mode = #tpu.pipeline_mode<synchronous>, transform_indices = @transform_5, window_bounds = array<i64: 1, 40>}, {transform_indices = @transform_6, window_bounds = array<i64: 2000, 40>}]} {
    %get3A = arith.constant 0 : index
    %get3A_0 = arith.constant 0 : index
    %get3A_1 = arith.constant 0 : index
    %get3A_2 = vector.load %arg1[%get3A, %get3A_0, %get3A_1] : memref<2x2000x128xf32, #tpu.memory_space<vmem>>, vector<1x2000x128xf32>
    %get3A_3 = vector.shape_cast %get3A_2 : vector<1x2000x128xf32> to vector<2000x128xf32>
    %get3A_4 = arith.constant 1 : index
    %get3A_5 = arith.constant 0 : index
    %get3A_6 = arith.constant 0 : index
    %get3A_7 = vector.load %arg1[%get3A_4, %get3A_5, %get3A_6] : memref<2x2000x128xf32, #tpu.memory_space<vmem>>, vector<1x2000x128xf32>
    %get3A_8 = vector.shape_cast %get3A_7 : vector<1x2000x128xf32> to vector<2000x128xf32>
    %add3A = arith.addf %get3A_3, %get3A_8 : vector<2000x128xf32>
    %get3A_9 = arith.constant 0 : index
    %get3A_10 = arith.constant 0 : index
    %get3A_11 = vector.load %arg2[%get3A_9, %get3A_10] : memref<2000x128xf32, #tpu.memory_space<vmem>>, vector<2000x128xf32>
    %add3A_12 = arith.addf %add3A, %get3A_11 : vector<2000x128xf32>
    %get3A_13 = arith.constant 0 : index
    %get3A_14 = arith.constant 0 : index
    %get3A_15 = vector.load %arg3[%get3A_13, %get3A_14] : memref<2000x1xf32, #tpu.memory_space<vmem>>, vector<2000x1xf32>
    %mul3A = vector.broadcast %get3A_15 : vector<2000x1xf32> to vector<2000x128xf32>
    %mul3A_16 = arith.mulf %add3A_12, %mul3A : vector<2000x128xf32>
    %get3A_17 = arith.constant 0 : index
    %get3A_18 = arith.constant 0 : index
    %get3A_19 = vector.load %arg4[%get3A_17, %get3A_18] : memref<1x128xf32, #tpu.memory_space<vmem>>, vector<1x128xf32>
    %add3A_20 = vector.broadcast %get3A_19 : vector<1x128xf32> to vector<2000x128xf32>
    %add3A_21 = arith.addf %mul3A_16, %add3A_20 : vector<2000x128xf32>
    %max3A = arith.constant 0.000000e+00 : f32
    %max3A_22 = vector.broadcast %max3A : f32 to vector<2000x128xf32>
    %max3A_23 = arith.maximumf %add3A_21, %max3A_22 : vector<2000x128xf32>
    %get3A_24 = arith.constant 0 : index
    %get3A_25 = arith.constant 0 : index
    %get3A_26 = vector.load %arg5[%get3A_24, %get3A_25] : memref<128x40xf32, #tpu.memory_space<vmem>>, vector<128x40xf32>
    %dot_general3A = arith.constant dense<0.000000e+00> : vector<2000x40xf32>
    %dot_general3A_27 = tpu.matmul %max3A_23, %get3A_26, %dot_general3A {dimension_numbers = #tpu.dot_dimension_numbers<[1], [0], [0], [1], [0, 0, 1, 1], [], []>, precision = #tpu.contract_precision<fp32>, transpose_lhs_hint = false} : vector<2000x128xf32>, vector<128x40xf32>, vector<2000x40xf32> -> vector<2000x40xf32>
    %get3A_28 = arith.constant 0 : index
    %get3A_29 = arith.constant 0 : index
    %get3A_30 = vector.load %arg6[%get3A_28, %get3A_29] : memref<1x40xf32, #tpu.memory_space<vmem>>, vector<1x40xf32>
    %add3A_31 = vector.broadcast %get3A_30 : vector<1x40xf32> to vector<2000x40xf32>
    %add3A_32 = arith.addf %dot_general3A_27, %add3A_31 : vector<2000x40xf32>
    %swap3A = arith.constant 0 : index
    %swap3A_33 = arith.constant 0 : index
    %swap3A_34 = vector.load %arg7[%swap3A, %swap3A_33] : memref<2000x40xf32, #tpu.memory_space<vmem>>, vector<2000x40xf32>
    tpu.vector_store %arg7[%swap3A, %swap3A_33], %add3A_32 {strides = array<i32>} : memref<2000x40xf32, #tpu.memory_space<vmem>>, vector<2000x40xf32>,
    return
  }
  func.func @transform_0(%arg0: i32) -> (i32, i32, i32) {
    %c0_i32 = arith.constant 0 : i32
    %c0_i32_0 = arith.constant 0 : i32
    %c0_i32_1 = arith.constant 0 : i32
    return %c0_i32, %arg0, %c0_i32_0 : i32, i32, i32
  }
  func.func @transform_1(%arg0: i32) -> (i32, i32) {
    %c0_i32 = arith.constant 0 : i32
    %c0_i32_0 = arith.constant 0 : i32
    return %arg0, %c0_i32 : i32, i32
  }
  func.func @transform_2(%arg0: i32) -> (i32, i32) {
    %c0_i32 = arith.constant 0 : i32
    %c0_i32_0 = arith.constant 0 : i32
    return %arg0, %c0_i32 : i32, i32
  }
  func.func @transform_3(%arg0: i32) -> (i32, i32) {
    %c0_i32 = arith.constant 0 : i32
    %c0_i32_0 = arith.constant 0 : i32
    %c0_i32_1 = arith.constant 0 : i32
    return %c0_i32, %c0_i32_0 : i32, i32
  }
  func.func @transform_4(%arg0: i32) -> (i32, i32) {
    %c0_i32 = arith.constant 0 : i32
    %c0_i32_0 = arith.constant 0 : i32
    %c0_i32_1 = arith.constant 0 : i32
    return %c0_i32, %c0_i32_0 : i32, i32
  }
  func.func @transform_5(%arg0: i32) -> (i32, i32) {
    %c0_i32 = arith.constant 0 : i32
    %c0_i32_0 = arith.constant 0 : i32
    %c0_i32_1 = arith.constant 0 : i32
    return %c0_i32, %c0_i32_0 : i32, i32
  }
  func.func @transform_6(%arg0: i32) -> (i32, i32) {
    %c0_i32 = arith.constant 0 : i32
    %c0_i32_0 = arith.constant 0 : i32
    return %arg0, %c0_i32 : i32, i32
  }
}

</mosaic_0001>

<sc_bundles>
// kernel: kernel.10.cloned.1.call-start
scs
__scs_entry_jumppad:
0x0: {  	(pc) =	sbr.rel $0x88, $3  }
0x1: {  	(tag) =	ssettag $0x0;
	lr =	simm.s32 $0x1  }
0x2: {  	[smem:$0x3F91] =	sst lr;
	_ =	strace $0xD0000000  }
0x3: {  	_ = 	snop  }
0x4: {  	_ = 	snop  }
0x5: {  	_ = 	snop  }
0x6: {  	_ = 	snop  }
0x7: {  	_ = 	snop  }
__scs_overlays_trampoline_lowered:
0x8: {  	[smem:$0x3FA0] =	sst s0  }
0x9: {  	[smem:$0x3FA1] =	sst s1  }
0xa: {  	[smem:$0x3FA2] =	sst s2  }
0xb: {  	[smem:$0x3FA3] =	sst s3  }
0xc: {  	[smem:$0x3FA4] =	sst s4  }
0xd: {  	[smem:$0x3FA5] =	sst s5  }
0xe: {  	[smem:$0x3FA6] =	sst s6  }
0xf: {  	[smem:$0x3FA7] =	sst s7  }
0x10: {  	[smem:$0x3FA8] =	sst s8  }
0x11: {  	[smem:$0x3FA9] =	sst s9;
	s0 =	simm.s32 @!p0 $0x0  }
0x12: {  	s1 =	sld [smem:$0x3F8F];
	s0 =	simm.s32 @p0 $0x1  }
0x13: {  	[smem:$0x3FAA] =	sst s0;
	s0 =	simm.s32 @!p1 $0x0  }
0x14: {  	s2 =	sld [smem:$0x3F8E];
	s0 =	simm.s32 @p1 $0x1  }
0x15: {  	[smem:$0x3FAB] =	sst s0;
	s0 =	simm.s32 @!p2 $0x0  }
0x16: {  	s3 =	sld [smem:$0x3FDB];
	s0 =	simm.s32 @p2 $0x1  }
0x17: {  	s4 =	simm.s32 $0x1BF5;
	[smem:$0x3FAD] =	sst s0  }
0x18: {  	s0 =	sld [smem:$0x3F90];
	_ =	swait.ge [sflag:s4], $0x0  }
0x19: {  	s7 =	sld [smem:$0x3F91]  }
0x1a: {  	s8 =	sadd.s32 $0xFFFFE003, lr  }
0x1b: {  	s9 =	sadd.s32 $0xFFFFFEF7, lr;
	s5 =	simm.s32 $0xFFFFFFFF;
	p2 =	slt.u32 s8, $0xFFFFF086  }
0x1c: {  	p1 =	slt.u32 s9, $0xF7A;
	s5 =	simm.s32 @!p2 $0x0  }
0x1d: {  	s5 =	simm.s32 @p1 $0x1;
	p0 =	seq.s32 s7, s2  }
0x1e: {  	s7 =	smul.u32 @!p0 $0xF7A, s2;
	p2 =	seq.s32 @!p0 s5, $0x0  }
0x1f: {  	s9 =	smul.u32 $0xF7A, s1;
	s8 =	simm.s32 @!p0 $0x1BF5;
	p2 =	por !p2, p0  }
0x20: {  	[sflag:s8] =	ssyncset.s32 @!p0 $0xFFFFF086;
	s6 =	sadd.s32 @!p0 s3, s7;
	s7 =	simm.s32 @!p0 $0x108  }
0x21: {  	s3 =	sadd.s32 s3, s9;
	s6 =	sadd.s32 @!p0 $0x88, s6;
	s7 =	simm.s32 @p2 $0x1082  }
0x22: {  	[simem:s7], [sflag:s8] =	dma.local @!p0 [hbm:s6], $0xF7A  }
0x23: {  	s9 =	sor.u32 $0xD0000000, s2;
	s6 =	simm.s32 $0x108;
	_ =	swait.ge @!p0 [sflag:s8], $0x0  }
0x24: {  	s3 =	sadd.s32 $0x88, s3;
	s6 =	simm.s32 @!p1 $0x1082;
	[sflag:s4] =	ssyncset.s32 $0xFFFFF086  }
0x25: {  	[simem:s6], [sflag:s4] =	dma.local [hbm:s3], $0xF7A  }
0x26: {  	[smem:$0x3F91] =	sst s1;
	(tag) =	ssettag s2;
	_ =	strace s9  }
0x27: {  	s1 =	sld [smem:$0x3FA1]  }
0x28: {  	s2 =	sld [smem:$0x3FA2]  }
0x29: {  	s4 =	sld [smem:$0x3FA4]  }
0x2a: {  	p0 =	seq.s32 s5, $0x0;
	s5 =	sld [smem:$0x3FA5]  }
0x2b: {  	s6 =	sld [smem:$0x3FA6]  }
0x2c: {  	s7 =	sld [smem:$0x3FA7]  }
0x2d: {  	s3 =	simm.s32 $0x108;
	s8 =	sld [smem:$0x3FA8]  }
0x2e: {  	s3 =	simm.s32 @!p0 $0x1082;
	s9 =	sld [smem:$0x3FA9]  }
0x2f: {  	lr =	sadd.s32 s0, s3;
	s0 =	sld [smem:$0x3FA0]  }
0x30: {  	s3 =	sld [smem:$0x3FA3]  }
0x31: {  	[smem:$0x3FAC] =	sst s10  }
0x32: {  	s10 =	sld [smem:$0x3FAA];
	_ =	sdelay $0x3  }
0x33: {  	p0 =	seq.s32 s10, $0x1;
	s10 =	sld [smem:$0x3FAC];
	_ =	sdelay $0x3  }
0x34: {  	[smem:$0x3FAC] =	sst s10  }
0x35: {  	s10 =	sld [smem:$0x3FAB];
	_ =	sdelay $0x3  }
0x36: {  	p1 =	seq.s32 s10, $0x1;
	s10 =	sld [smem:$0x3FAC];
	_ =	sdelay $0x3  }
0x37: {  	[smem:$0x3FAC] =	sst s10  }
0x38: {  	s10 =	sld [smem:$0x3FAD]  }
0x39: {  	_ = 	snop;
	(pc) =	sbr.ind lr, $3  }
0x3a: {  	_ = 	snop  }
0x3b: {  	_ = 	snop  }
0x3c: {  	p2 =	seq.s32 s10, $0x1;
	s10 =	sld [smem:$0x3FAC]  }
0x3d: {  	_ =	shalt  }
0x3e: {  	_ =	shalt  }
0x3f: {  	_ =	shalt  }
0x40: {  	_ =	shalt  }
0x41: {  	_ =	shalt  }
0x42: {  	_ =	shalt  }
0x43: {  	_ =	shalt  }
0x44: {  	_ =	shalt  }
0x45: {  	_ =	shalt  }
0x46: {  	_ =	shalt  }
0x47: {  	_ =	shalt  }
0x48: {  	_ =	shalt  }
0x49: {  	_ =	shalt  }
0x4a: {  	_ =	shalt  }
0x4b: {  	_ =	shalt  }
0x4c: {  	_ =	shalt  }
0x4d: {  	_ =	shalt  }
0x4e: {  	_ =	shalt  }
0x4f: {  	_ =	shalt  }
0x50: {  	_ =	shalt  }
0x51: {  	_ =	shalt  }
0x52: {  	_ =	shalt  }
0x53: {  	_ =	shalt  }
0x54: {  	_ =	shalt  }
0x55: {  	_ =	shalt  }
0x56: {  	_ =	shalt  }
0x57: {  	_ =	shalt  }
0x58: {  	_ =	shalt  }
0x59: {  	_ =	shalt  }
0x5a: {  	_ =	shalt  }
0x5b: {  	_ =	shalt  }
0x5c: {  	_ =	shalt  }
0x5d: {  	_ =	shalt  }
0x5e: {  	_ =	shalt  }
0x5f: {  	_ =	shalt  }
0x60: {  	_ =	shalt  }
0x61: {  	_ =	shalt  }
0x62: {  	_ =	shalt  }
0x63: {  	_ =	shalt  }
0x64: {  	_ =	shalt  }
0x65: {  	_ =	shalt  }
0x66: {  	_ =	shalt  }
0x67: {  	_ =	shalt  }
0x68: {  	_ =	shalt  }
0x69: {  	_ =	shalt  }
0x6a: {  	_ =	shalt  }
0x6b: {  	_ =	shalt  }
0x6c: {  	_ =	shalt  }
0x6d: {  	_ =	shalt  }
0x6e: {  	_ =	shalt  }
0x6f: {  	_ =	shalt  }
0x70: {  	_ =	shalt  }
0x71: {  	_ =	shalt  }
0x72: {  	_ =	shalt  }
0x73: {  	_ =	shalt  }
0x74: {  	_ =	shalt  }
0x75: {  	_ =	shalt  }
0x76: {  	_ =	shalt  }
0x77: {  	_ =	shalt  }
0x78: {  	_ =	shalt  }
0x79: {  	_ =	shalt  }
0x7a: {  	_ =	shalt  }
0x7b: {  	_ =	shalt  }
0x7c: {  	_ =	shalt  }
0x7d: {  	_ =	shalt  }
0x7e: {  	_ =	shalt  }
0x7f: {  	_ =	shalt  }
0x80: {  	_ =	shalt  }
0x81: {  	_ =	shalt  }
0x82: {  	_ =	shalt  }
0x83: {  	_ =	shalt  }
0x84: {  	_ =	shalt  }
0x85: {  	_ =	shalt  }
0x86: {  	_ =	shalt  }
0x87: {  	_ =	shalt  }
.Lfunc_end0:
.L_simem_size_0:
called_computation_lowered:
.L_overlay_start_0:
0x88: {  	s2 =	sld [smem:$0x3FD9]  }
0x89: {  	s3 =	sld [smem:$0x3FFE];
	_ =	sdelay $0x1  }
0x8a: {  	s1 =	srdreg.scid  }
0x8b: {  	s0 =	sand.u32 $0x1, s1  }
0x8c: {  	s16 =	sshll.u32 s0, $0xA;
	s2 =	sadd.s32 s3, s2  }
0x8d: {  	s2 =	sadd.s32 s2, s16  }
0x8e: {  	[smem:$0x3FB8] =	sst s2  }
0x8f: {  	_ = 	snop  }
0x90: {  	(tm) =	ssettm $0x1  }
0x91: {  	s17 =	sld [smem:$0x3FFB];
	_ =	sdelay $0x3  }
0x92: {  	_ =	strace s17  }
0x93: {  	s2 =	sld [smem:$0x3FFC];
	_ =	sdelay $0x3  }
0x94: {  	_ =	strace s2  }
0x95: {  	s2 =	sld [smem:$0x3FFD];
	_ =	sdelay $0x3  }
0x96: {  	_ =	strace s2  }
0x97: {  	_ =	strace $0x8FFFFFFF  }
0x98: {  	s18 =	sld [smem:$0x3FDB];
	_ =	sdelay $0x1  }
0x99: {  	s19 =	simm.s32 $_scs_section_size  }
0x9a: {  	s4 =	simm.s32 $_size__tile_overlayer_lowered;
	s5 =	simm.s32 $_tile_overlayer_lowered  }
0x9b: {  	s22 =	simm.s32 $0x1BFF;
	s21 =	sshll.u32 s5, $0x1;
	s2 =	sadd.s32 s19, s18  }
0x9c: {  	s6 =	simm.s32 $0x0;
	s20 =	sshll.u32 s4, $0x1;
	s4 =	sadd.s32 s21, s2  }
0x9d: {  	[timem:s6], [sflag:s22] =	dma.local [hbm:s4], s20  }
0x9e: {  	_ =	swait.ge [sflag:s22], s20  }
0x9f: {  	s3 =	ssub.s32 $0x0, s20;
	[sflag:s22] =	ssyncset.done $0x0  }
0xa0: {  	[sflag:s22] =	ssyncadd.s32 s3;
	_ =	sdelay $0x1  }
0xa1: {  	s23 =	simm.s32 $0x1B8B  }
0xa2: {  	_ =	swait.ge [sflag:s23], $0x1  }
0xa3: {  	[sflag:s23] =	ssyncset.done $0x0  }
0xa4: {  	s25 =	simm.s32 $0x1B8E;
	s24 =	sld [smem:$0x3FFE];
	[sflag:s23] =	ssyncadd.s32 $0xFFFFFFFF  }
0xa5: {  	s26 =	simm.s32 $execute0_lowered;
	[smem:$0x3FD2] =	sst s25  }
0xa6: {  	s4 =	sshll.u32 s26, $0x1;
	_ =	strace $0x80000046;
	[dreg:$0x1] =	wrdreg $0xFFFFFFFF  }
0xa7: {  	s28 =	simm.s32 $_size_execute0_lowered;
	s2 =	sadd.s32 s2, s4;
	[dreg:$0x0] =	wrdreg $0x0  }
0xa8: {  	s4 =	sshll.u32 s28, $0x1;
	[dreg:$0x2] =	wrdreg s2  }
0xa9: {  	[dreg:$0x3] =	wrdreg s4  }
0xaa: {  	[dreg:$0x4] =	wrdreg $0xC0  }
0xab: {  	_ =	task [dreg:s6], $0x5FFFF  }
0xac: {  	[dreg:$0x1] =	wrdreg $0xFFFFFFFF  }
0xad: {  	[dreg:$0x0] =	wrdreg $0x60  }
0xae: {  	[dreg:$0x2] =	wrdreg s24  }
0xaf: {  	[dreg:$0x3] =	wrdreg $0x0  }
0xb0: {  	[dreg:$0x4] =	wrdreg $0x9  }
0xb1: {  	_ =	task.clear_ibuf [dreg:s6], $0x5FFFF;
	_ =	strace $0x90000046  }
0xb2: {  	s29 =	simm.s32 $0x9;
	_ =	strace $0x80000048  }
0xb3: {  	_ =	swait.ge [sflag:s29], $0x1  }
0xb4: {  	[sflag:s29] =	ssyncadd.s32 $0xFFFFFFFF  }
0xb5: {  	_ =	strace $0x90000048  }
0xb6: {  	_ =	sfence  }
0xb7: {  	s30 =	sld [smem:$0x0];
	_ =	sdelay $0x2  }
0xb8: {  	s31 =	sshll.u32 s1, $0xD;
	s1 =	sshrl.u32 s1, $0x2  }
0xb9: {  	s3 =	sand.u32 $0x4000, s31;
	s1 =	sadd.s32 s1, s30  }
0xba: {  	s0 =	sor.u32 s3, s0;
	s1 =	sshll.u32 s1, $0x11  }
0xbb: {  	s0 =	sor.u32 s1, s0  }
0xbc: {  	s0 =	sadd.s32 $0x8F2B, s0  }
0xbd: {  	[sflag:s0] =	ssyncadd.remote.s32 $0x1  }
0xbe: {  	_ =	sfence.sel $0xFFFF  }
0xbf: {  	[dreg:$0x0] =	wrdreg $0xFFFFFFFF;
	(pc) =	sbr.abs _section_cstart, $3  }
0xc0: {  	[dreg:$0x1] =	wrdreg $0xFFFFFFFF  }
0xc1: {  	_ =	task.clear_ibuf [dreg:s6], $0x2FFFF;
	_ =	strace $0x9FFFFFFF  }
0xc2: {  	(tm) =	ssettm $0x7FFFFFFF  }
0xc3: {  	_ =	shalt  }
tec
execute0_lowered:
.L_overlay_start_1:
0x0: {  	(tag) =	ssettag $0x1  }
0x1: {  	s5 =	rddreg [dreg:$0x0]  }
0x2: {  	s2 =	rddreg [dreg:$0x1]  }
0x3: {  	s0 =	rddreg [dreg:$0x2];
	s3 =	simm.s32 $0x0  }
0x4: {  	s1 =	stileid.u32;
	s4 =	srdreg.scid;
	s12 =	simm.s32 $0x1  }
0x5: {  	s13 =	simm.s32 $0x2;
	s14 =	simm.s32 $0x3;
	s15 =	simm.s32 $0x50  }
0x6: {  	s16 =	simm.s32 $0x14080;
	s17 =	simm.s32 $0x14100;
	s21 =	simm.s32 $0x0  }
0x7: {  	[smem:$0x7FF] =	sst s3;
	s6 =	sshll.u32 s1, $0xB;
	s18 =	smul.u32 $0x2800, s1  }
0x8: {  	s7 =	sand.u32 $0x1, s4;
	s11 =	smul.u32 $0x50000, s1;
	s4 =	sadd.s32 $0x3BA00, s5  }
0x9: {  	s19 =	sshll.u32 s1, $0x6;
	_ =	strace $0x80000047;
	s6 =	sadd.s32 s6, s5  }
0xa: {  	s8 =	smul.u32 $0x28000, s7;
	s10 =	ssub.s32 $0x2, s7;
	s7 =	sshll.u32 s7, $0xF  }
0xb: {  	s9 =	sadd.s32 s18, s5;
	s30 =	sshrl.u32 s10, $0x1;
	s31 =	sshrl.u32 s11, $0x2  }
0xc: {  	s7 =	sadd.s32 s7, s6;
	s6 =	sor.u32 $0x1C01, s19;
	s19 =	sor.u32 $0x1C04, s19  }
0xd: {  	s8 =	sadd.s32 s8, s5;
	s10 =	ssub.s32 s10, s30;
	s11 =	sadd.s32 s31, s2  }
0xe: {  	s5 =	sadd.s32 $0x13A00, s9;
	s7 =	sadd.s32 $0x3A00, s7;
	s20 =	sadd.s32 $0x3C000, s8  }
0xf: {  	s8 =	smax.u32 s10, $0x1;
	s9 =	sshrl.u32 s11, $0x3;
	s10 =	simm.s32 $0x14000  }
0x10: {  	s11 =	simm.s32 $0x18000;
	s18 =	sadd.s32 s18, s20;
	s20 =	simm.s32 $0x4  }
.LBB2_1:
0x11: {  	[spmem:s9], [sflag:s6] =	dma.local [hbm:s5], $0x2800  }
0x12: {  	[tilespmem:s10], [sflag:$0x2] =	stream.linear.gather [hbm4b:s7+s3], $0x3E80, $0x38;
	[tilespmem:$0x1A800] =	vst v63  }
0x13: {  	_ = 	snop  }
0x14: {  	[tilespmem:s11], [sflag:$0x3] =	stream.linear.gather [hbm4b:s4+s3], $0x2800, $0x38;
	[tilespmem:$0x1A800] =	vst v63  }
0x15: {  	_ =	swait.ge [sflag:s12], $0x2800  }
0x16: {  	[sflag:s12] =	ssyncset.done $0x0  }
0x17: {  	[sflag:s12] =	ssyncadd.s32 $0xFFFFD800  }
0x18: {  	_ =	swait.ge [sflag:s13], $0x3E80  }
0x19: {  	[sflag:s13] =	ssyncset.done $0x0  }
0x1a: {  	[sflag:s13] =	ssyncadd.s32 $0xFFFFC180  }
0x1b: {  	_ =	swait.ge [sflag:s14], $0x2800  }
0x1c: {  	[sflag:s14] =	ssyncset.done $0x0  }
0x1d: {  	[sflag:s14] =	ssyncadd.s32 $0xFFFFD800  }
0x1e: {  	[bflag:$0x0] =	sbarrier.arrive $0xFFFF  }
0x1f: {  	[spmem:s2] =	stream.indirect.scatter.add.f32 [tilespmem:s11], [sflag:$0x1], $0x80, s10, s15, $0xb8;
	[tilespmem:$0x1A800] =	vst v63  }
0x20: {  	_ = 	snop  }
0x21: {  	[spmem:s2] =	stream.indirect.scatter.add.f32 [tilespmem:s11], [sflag:$0x2], $0x80, s16, s15, $0xb8;
	[tilespmem:$0x1A800] =	vst v63  }
0x22: {  	_ =	swait.ge [sflag:s12], $0x2800  }
0x23: {  	[sflag:s12] =	ssyncset.done $0x0  }
0x24: {  	[sflag:s12] =	ssyncadd.s32 $0xFFFFD800  }
0x25: {  	[spmem:s2] =	stream.indirect.scatter.add.f32 [tilespmem:s11], [sflag:$0x1], $0x80, s17, s15, $0xb8;
	[tilespmem:$0x1A800] =	vst v63  }
0x26: {  	_ =	swait.ge [sflag:s13], $0x2800  }
0x27: {  	[sflag:s13] =	ssyncset.done $0x0  }
0x28: {  	s22 =	simm.s32 $0x14180;
	[sflag:s13] =	ssyncadd.s32 $0xFFFFD800  }
0x29: {  	[spmem:s2] =	stream.indirect.scatter.add.f32 [tilespmem:s11], [sflag:$0x2], $0x80, s22, s15, $0xb8;
	[tilespmem:$0x1A800] =	vst v63  }
0x2a: {  	_ =	swait.ge [sflag:s12], $0x2800  }
0x2b: {  	[sflag:s12] =	ssyncset.done $0x0  }
0x2c: {  	s31 =	simm.s32 $0x14200;
	[sflag:s12] =	ssyncadd.s32 $0xFFFFD800  }
0x2d: {  	[spmem:s2] =	stream.indirect.scatter.add.f32 [tilespmem:s11], [sflag:$0x1], $0x80, s31, s15, $0xb8;
	[tilespmem:$0x1A800] =	vst v63  }
0x2e: {  	_ =	swait.ge [sflag:s13], $0x2800  }
0x2f: {  	s23 =	simm.s32 $0xFFFF1400;
	s22 =	simm.s32 $0xFFFFC400;
	[sflag:s13] =	ssyncset.done $0x0  }
.LBB2_2:
0x30: {  	s24 =	sadd.s32 $0x17E80, s22  }
0x31: {  	[sflag:s13] =	ssyncadd.s32 $0xFFFFD800;
	s25 =	smov.u32 s23;
	s26 =	sadd.s32 $0x400, s23  }
0x32: {  	[spmem:s2] =	stream.indirect.scatter.add.f32 [tilespmem:s11], [sflag:$0x2], $0x80, s24, s15, $0xb8;
	[tilespmem:$0x1A800] =	vst v63  }
0x33: {  	p0 =	sne.s32 s23, $0xFFFFFC00;
	_ =	swait.ge [sflag:s12], $0x2800  }
.Ltmp0:
0x34: {  	[sflag:s12] =	ssyncset.done $0x0;
	(pc) =	sbr.rel @p0 .LBB2_2-.Ltmp0, $4  }
0x35: {  	s22 =	sadd.s32 $0x17F00, s22;
	[sflag:s12] =	ssyncadd.s32 $0xFFFFD800  }
0x36: {  	[spmem:s2] =	stream.indirect.scatter.add.f32 [tilespmem:s11], [sflag:$0x1], $0x80, s22, s15, $0xb8;
	[tilespmem:$0x1A800] =	vst v63  }
0x37: {  	_ =	swait.ge [sflag:s13], $0x2800  }
0x38: {  	s23 =	smov.u32 s26;
	s22 =	sshra.s32 s25, $0x2;
	[sflag:s13] =	ssyncset.done $0x0  }
0x39: {  	s23 =	sadd.s32 $0x17E80, s22;
	[sflag:s13] =	ssyncadd.s32 $0xFFFFD800  }
0x3a: {  	[spmem:s2] =	stream.indirect.scatter.add.f32 [tilespmem:s11], [sflag:$0x2], $0x80, s23, s15, $0xb8;
	[tilespmem:$0x1A800] =	vst v63  }
0x3b: {  	_ =	swait.ge [sflag:s12], $0x2800  }
0x3c: {  	[sflag:s12] =	ssyncset.done $0x0  }
0x3d: {  	s31 =	sadd.s32 $0x17F00, s22;
	[sflag:s12] =	ssyncadd.s32 $0xFFFFD800  }
0x3e: {  	[spmem:s2] =	stream.indirect.scatter.add.f32 [tilespmem:s11], [sflag:$0x1], $0x80, s31, s15, $0xb8;
	[tilespmem:$0x1A800] =	vst v63  }
0x3f: {  	_ =	swait.ge [sflag:s13], $0x2800  }
0x40: {  	[sflag:s13] =	ssyncset.done $0x0  }
0x41: {  	[sflag:s13] =	ssyncadd.s32 $0xFFFFD800  }
0x42: {  	_ =	swait.ge [sflag:s12], $0x2800  }
0x43: {  	s21 =	sadd.s32 $0x1, s21;
	[sflag:s12] =	ssyncset.done $0x0  }
0x44: {  	p0 =	sne.s32 s21, s8;
	[sflag:s12] =	ssyncadd.s32 $0xFFFFD800  }
.Ltmp1:
0x45: {  	[bflag:$0x0] =	sbarrier.arrive $0xFFFF;
	(pc) =	sbr.rel @p0 .LBB2_1-.Ltmp1, $4  }
0x46: {  	[hbm:s18], [sflag:s19] =	dma.local [spmem:s9], $0x2800  }
0x47: {  	_ =	swait.ge [sflag:s20], $0x2800  }
0x48: {  	[sflag:s20] =	ssyncset.done $0x0  }
0x49: {  	[sflag:s20] =	ssyncadd.s32 $0xFFFFD800  }
0x4a: {  	_ =	sfence.sel $0x180000  }
0x4b: {  	[bflag:$0x0] =	sbarrier.arrive $0xFFFF  }
0x4c: {  	p0 =	sne.s32 s1, $0x0;
	_ =	strace $0x90000047  }
0x4d: {  	s0 =	sadd.s32 @!p0 $0x100000, s0;
	[bflag:$0x2] =	sbarrier.arrive $0xFFFF  }
0x4e: {  	[sflag:s0] =	ssyncadd.tile.s32 @!p0 $0x1;
	_ =	shalt  }
.Lfunc_end2:
_tile_overlayer_lowered:
.L_overlay_start_2:
0x4f: {  	(tag) =	ssettag $0x2  }
0x50: {  	s0 =	rddreg [dreg:$0x0];
	s2 =	stileid.u32  }
0x51: {  	s1 =	rddreg [dreg:$0x1];
	p0 =	sne.s32 s2, $0x0  }
0x52: {  	s3 =	rddreg [dreg:$0x2];
	[bflag:$0x3] =	sbarrier.arrive $0xFFFF;
	s2 =	simm.s32 @!p0 $0x1C04  }
0x53: {  	[timem:s3], [sflag:s2] =	dma.local @!p0 [hbm:s0], s1  }
0x54: {  	s0 =	simm.s32 @!p0 $0x4  }
0x55: {  	_ =	swait.ge @!p0 [sflag:s0], s1  }
0x56: {  	s1 =	ssub.s32 @!p0 $0x0, s1;
	[sflag:s0] =	ssyncset.done @!p0 $0x0  }
0x57: {  	[sflag:s0] =	ssyncadd.s32 @!p0 s1  }
0x58: {  	[bflag:$0x3] =	sbarrier.arrive $0xFFFF  }
0x59: {  	_ =	shalt  }

// kernel: kernel.13.cloned.1.call-start
scs
__scs_entry_jumppad:
0x0: {  	(pc) =	sbr.rel $0x88, $3  }
0x1: {  	(tag) =	ssettag $0x0;
	lr =	simm.s32 $0x1  }
0x2: {  	[smem:$0x3F91] =	sst lr;
	_ =	strace $0xD0000000  }
0x3: {  	_ = 	snop  }
0x4: {  	_ = 	snop  }
0x5: {  	_ = 	snop  }
0x6: {  	_ = 	snop  }
0x7: {  	_ = 	snop  }
__scs_overlays_trampoline_lowered:
0x8: {  	[smem:$0x3FA0] =	sst s0  }
0x9: {  	[smem:$0x3FA1] =	sst s1  }
0xa: {  	[smem:$0x3FA2] =	sst s2  }
0xb: {  	[smem:$0x3FA3] =	sst s3  }
0xc: {  	[smem:$0x3FA4] =	sst s4  }
0xd: {  	[smem:$0x3FA5] =	sst s5  }
0xe: {  	[smem:$0x3FA6] =	sst s6  }
0xf: {  	[smem:$0x3FA7] =	sst s7  }
0x10: {  	[smem:$0x3FA8] =	sst s8  }
0x11: {  	[smem:$0x3FA9] =	sst s9;
	s0 =	simm.s32 @!p0 $0x0  }
0x12: {  	s1 =	sld [smem:$0x3F8F];
	s0 =	simm.s32 @p0 $0x1  }
0x13: {  	[smem:$0x3FAA] =	sst s0;
	s0 =	simm.s32 @!p1 $0x0  }
0x14: {  	s2 =	sld [smem:$0x3F8E];
	s0 =	simm.s32 @p1 $0x1  }
0x15: {  	[smem:$0x3FAB] =	sst s0;
	s0 =	simm.s32 @!p2 $0x0  }
0x16: {  	s3 =	sld [smem:$0x3FDB];
	s0 =	simm.s32 @p2 $0x1  }
0x17: {  	s4 =	simm.s32 $0x1BF5;
	[smem:$0x3FAD] =	sst s0  }
0x18: {  	s0 =	sld [smem:$0x3F90];
	_ =	swait.ge [sflag:s4], $0x0  }
0x19: {  	s7 =	sld [smem:$0x3F91]  }
0x1a: {  	s8 =	sadd.s32 $0xFFFFE003, lr  }
0x1b: {  	s9 =	sadd.s32 $0xFFFFFEF7, lr;
	s5 =	simm.s32 $0xFFFFFFFF;
	p2 =	slt.u32 s8, $0xFFFFF086  }
0x1c: {  	p1 =	slt.u32 s9, $0xF7A;
	s5 =	simm.s32 @!p2 $0x0  }
0x1d: {  	s5 =	simm.s32 @p1 $0x1;
	p0 =	seq.s32 s7, s2  }
0x1e: {  	s7 =	smul.u32 @!p0 $0xF7A, s2;
	p2 =	seq.s32 @!p0 s5, $0x0  }
0x1f: {  	s9 =	smul.u32 $0xF7A, s1;
	s8 =	simm.s32 @!p0 $0x1BF5;
	p2 =	por !p2, p0  }
0x20: {  	[sflag:s8] =	ssyncset.s32 @!p0 $0xFFFFF086;
	s6 =	sadd.s32 @!p0 s3, s7;
	s7 =	simm.s32 @!p0 $0x108  }
0x21: {  	s3 =	sadd.s32 s3, s9;
	s6 =	sadd.s32 @!p0 $0x88, s6;
	s7 =	simm.s32 @p2 $0x1082  }
0x22: {  	[simem:s7], [sflag:s8] =	dma.local @!p0 [hbm:s6], $0xF7A  }
0x23: {  	s9 =	sor.u32 $0xD0000000, s2;
	s6 =	simm.s32 $0x108;
	_ =	swait.ge @!p0 [sflag:s8], $0x0  }
0x24: {  	s3 =	sadd.s32 $0x88, s3;
	s6 =	simm.s32 @!p1 $0x1082;
	[sflag:s4] =	ssyncset.s32 $0xFFFFF086  }
0x25: {  	[simem:s6], [sflag:s4] =	dma.local [hbm:s3], $0xF7A  }
0x26: {  	[smem:$0x3F91] =	sst s1;
	(tag) =	ssettag s2;
	_ =	strace s9  }
0x27: {  	s1 =	sld [smem:$0x3FA1]  }
0x28: {  	s2 =	sld [smem:$0x3FA2]  }
0x29: {  	s4 =	sld [smem:$0x3FA4]  }
0x2a: {  	p0 =	seq.s32 s5, $0x0;
	s5 =	sld [smem:$0x3FA5]  }
0x2b: {  	s6 =	sld [smem:$0x3FA6]  }
0x2c: {  	s7 =	sld [smem:$0x3FA7]  }
0x2d: {  	s3 =	simm.s32 $0x108;
	s8 =	sld [smem:$0x3FA8]  }
0x2e: {  	s3 =	simm.s32 @!p0 $0x1082;
	s9 =	sld [smem:$0x3FA9]  }
0x2f: {  	lr =	sadd.s32 s0, s3;
	s0 =	sld [smem:$0x3FA0]  }
0x30: {  	s3 =	sld [smem:$0x3FA3]  }
0x31: {  	[smem:$0x3FAC] =	sst s10  }
0x32: {  	s10 =	sld [smem:$0x3FAA];
	_ =	sdelay $0x3  }
0x33: {  	p0 =	seq.s32 s10, $0x1;
	s10 =	sld [smem:$0x3FAC];
	_ =	sdelay $0x3  }
0x34: {  	[smem:$0x3FAC] =	sst s10  }
0x35: {  	s10 =	sld [smem:$0x3FAB];
	_ =	sdelay $0x3  }
0x36: {  	p1 =	seq.s32 s10, $0x1;
	s10 =	sld [smem:$0x3FAC];
	_ =	sdelay $0x3  }
0x37: {  	[smem:$0x3FAC] =	sst s10  }
0x38: {  	s10 =	sld [smem:$0x3FAD]  }
0x39: {  	_ = 	snop;
	(pc) =	sbr.ind lr, $3  }
0x3a: {  	_ = 	snop  }
0x3b: {  	_ = 	snop  }
0x3c: {  	p2 =	seq.s32 s10, $0x1;
	s10 =	sld [smem:$0x3FAC]  }
0x3d: {  	_ =	shalt  }
0x3e: {  	_ =	shalt  }
0x3f: {  	_ =	shalt  }
0x40: {  	_ =	shalt  }
0x41: {  	_ =	shalt  }
0x42: {  	_ =	shalt  }
0x43: {  	_ =	shalt  }
0x44: {  	_ =	shalt  }
0x45: {  	_ =	shalt  }
0x46: {  	_ =	shalt  }
0x47: {  	_ =	shalt  }
0x48: {  	_ =	shalt  }
0x49: {  	_ =	shalt  }
0x4a: {  	_ =	shalt  }
0x4b: {  	_ =	shalt  }
0x4c: {  	_ =	shalt  }
0x4d: {  	_ =	shalt  }
0x4e: {  	_ =	shalt  }
0x4f: {  	_ =	shalt  }
0x50: {  	_ =	shalt  }
0x51: {  	_ =	shalt  }
0x52: {  	_ =	shalt  }
0x53: {  	_ =	shalt  }
0x54: {  	_ =	shalt  }
0x55: {  	_ =	shalt  }
0x56: {  	_ =	shalt  }
0x57: {  	_ =	shalt  }
0x58: {  	_ =	shalt  }
0x59: {  	_ =	shalt  }
0x5a: {  	_ =	shalt  }
0x5b: {  	_ =	shalt  }
0x5c: {  	_ =	shalt  }
0x5d: {  	_ =	shalt  }
0x5e: {  	_ =	shalt  }
0x5f: {  	_ =	shalt  }
0x60: {  	_ =	shalt  }
0x61: {  	_ =	shalt  }
0x62: {  	_ =	shalt  }
0x63: {  	_ =	shalt  }
0x64: {  	_ =	shalt  }
0x65: {  	_ =	shalt  }
0x66: {  	_ =	shalt  }
0x67: {  	_ =	shalt  }
0x68: {  	_ =	shalt  }
0x69: {  	_ =	shalt  }
0x6a: {  	_ =	shalt  }
0x6b: {  	_ =	shalt  }
0x6c: {  	_ =	shalt  }
0x6d: {  	_ =	shalt  }
0x6e: {  	_ =	shalt  }
0x6f: {  	_ =	shalt  }
0x70: {  	_ =	shalt  }
0x71: {  	_ =	shalt  }
0x72: {  	_ =	shalt  }
0x73: {  	_ =	shalt  }
0x74: {  	_ =	shalt  }
0x75: {  	_ =	shalt  }
0x76: {  	_ =	shalt  }
0x77: {  	_ =	shalt  }
0x78: {  	_ =	shalt  }
0x79: {  	_ =	shalt  }
0x7a: {  	_ =	shalt  }
0x7b: {  	_ =	shalt  }
0x7c: {  	_ =	shalt  }
0x7d: {  	_ =	shalt  }
0x7e: {  	_ =	shalt  }
0x7f: {  	_ =	shalt  }
0x80: {  	_ =	shalt  }
0x81: {  	_ =	shalt  }
0x82: {  	_ =	shalt  }
0x83: {  	_ =	shalt  }
0x84: {  	_ =	shalt  }
0x85: {  	_ =	shalt  }
0x86: {  	_ =	shalt  }
0x87: {  	_ =	shalt  }
.Lfunc_end0:
.L_simem_size_0:
called_computation.1_lowered:
.L_overlay_start_0:
0x88: {  	s2 =	sld [smem:$0x3FD9]  }
0x89: {  	s3 =	sld [smem:$0x3FFE];
	_ =	sdelay $0x1  }
0x8a: {  	s1 =	srdreg.scid  }
0x8b: {  	s0 =	sand.u32 $0x1, s1  }
0x8c: {  	s17 =	sshll.u32 s0, $0xA;
	s2 =	sadd.s32 s3, s2  }
0x8d: {  	s2 =	sadd.s32 s2, s17  }
0x8e: {  	[smem:$0x3FB8] =	sst s2  }
0x8f: {  	_ = 	snop  }
0x90: {  	s2 =	sld [smem:$0x3FD0];
	(tm) =	ssettm $0x1  }
0x91: {  	s18 =	sld [smem:$0x3FFB];
	_ =	sdelay $0x3  }
0x92: {  	_ =	strace s18  }
0x93: {  	s3 =	sld [smem:$0x3FFC];
	_ =	sdelay $0x3  }
0x94: {  	_ =	strace s3  }
0x95: {  	s3 =	sld [smem:$0x3FFD];
	_ =	sdelay $0x3  }
0x96: {  	_ =	strace s3  }
0x97: {  	_ =	strace $0x8FFFFFFF  }
0x98: {  	s19 =	sld [smem:$0x3FDB];
	_ =	sdelay $0x1  }
0x99: {  	s4 =	simm.s32 $_scs_section_size  }
0x9a: {  	s5 =	simm.s32 $_size__tile_overlayer_lowered;
	s6 =	simm.s32 $_tile_overlayer_lowered  }
0x9b: {  	s22 =	simm.s32 $0x1BFF;
	s21 =	sshll.u32 s6, $0x1;
	s3 =	sadd.s32 s4, s19  }
0x9c: {  	s7 =	simm.s32 $0x0;
	s20 =	sshll.u32 s5, $0x1;
	s5 =	sadd.s32 s21, s3  }
0x9d: {  	[timem:s7], [sflag:s22] =	dma.local [hbm:s5], s20  }
0x9e: {  	_ =	swait.ge [sflag:s22], s20  }
0x9f: {  	s4 =	ssub.s32 $0x0, s20;
	[sflag:s22] =	ssyncset.done $0x0  }
0xa0: {  	[sflag:s22] =	ssyncadd.s32 s4;
	_ =	sdelay $0x1  }
0xa1: {  	s23 =	simm.s32 $0x1B8B  }
0xa2: {  	_ =	swait.ge [sflag:s23], $0x1  }
0xa3: {  	[sflag:s23] =	ssyncset.done $0x0  }
0xa4: {  	s25 =	simm.s32 $0x1B8E;
	s24 =	sld [smem:$0x3FFE];
	[sflag:s23] =	ssyncadd.s32 $0xFFFFFFFF  }
0xa5: {  	s26 =	simm.s32 $execute0_lowered;
	[smem:$0x3FD2] =	sst s25  }
0xa6: {  	s5 =	sshll.u32 s26, $0x1;
	_ =	strace $0x80000049;
	[dreg:$0x1] =	wrdreg $0xFFFFFFFF  }
0xa7: {  	s28 =	simm.s32 $_size_execute0_lowered;
	s3 =	sadd.s32 s3, s5;
	[dreg:$0x0] =	wrdreg $0x0  }
0xa8: {  	s5 =	sshll.u32 s28, $0x1;
	[dreg:$0x2] =	wrdreg s3  }
0xa9: {  	[dreg:$0x3] =	wrdreg s5  }
0xaa: {  	[dreg:$0x4] =	wrdreg $0xC0  }
0xab: {  	_ =	task [dreg:s7], $0x5FFFF  }
0xac: {  	[dreg:$0x1] =	wrdreg $0xFFFFFFFF  }
0xad: {  	[dreg:$0x0] =	wrdreg $0x60  }
0xae: {  	[dreg:$0x2] =	wrdreg s24  }
0xaf: {  	[dreg:$0x3] =	wrdreg s2  }
0xb0: {  	[dreg:$0x4] =	wrdreg $0x0  }
0xb1: {  	[dreg:$0x5] =	wrdreg $0x9  }
0xb2: {  	_ =	task.clear_ibuf [dreg:s7], $0x6FFFF;
	_ =	strace $0x90000049  }
0xb3: {  	s29 =	simm.s32 $0x9;
	_ =	strace $0x8000004B  }
0xb4: {  	_ =	swait.ge [sflag:s29], $0x1  }
0xb5: {  	[sflag:s29] =	ssyncadd.s32 $0xFFFFFFFF  }
0xb6: {  	_ =	strace $0x9000004B  }
0xb7: {  	_ =	sfence  }
0xb8: {  	s30 =	sld [smem:$0x0];
	_ =	sdelay $0x2  }
0xb9: {  	s31 =	sshll.u32 s1, $0xD;
	s1 =	sshrl.u32 s1, $0x2  }
0xba: {  	s3 =	sand.u32 $0x4000, s31;
	s1 =	sadd.s32 s1, s30  }
0xbb: {  	s0 =	sor.u32 s3, s0;
	s1 =	sshll.u32 s1, $0x11  }
0xbc: {  	s0 =	sor.u32 s1, s0  }
0xbd: {  	s0 =	sadd.s32 $0x8F2B, s0  }
0xbe: {  	[sflag:s0] =	ssyncadd.remote.s32 $0x1  }
0xbf: {  	_ =	sfence.sel $0xFFFF  }
0xc0: {  	[dreg:$0x0] =	wrdreg $0xFFFFFFFF;
	(pc) =	sbr.abs _section_cstart, $3  }
0xc1: {  	[dreg:$0x1] =	wrdreg $0xFFFFFFFF  }
0xc2: {  	_ =	task.clear_ibuf [dreg:s7], $0x2FFFF;
	_ =	strace $0x9FFFFFFF  }
0xc3: {  	(tm) =	ssettm $0x7FFFFFFF  }
tec
execute0_lowered:
.L_overlay_start_1:
0x0: {  	(tag) =	ssettag $0x1  }
0x1: {  	s0 =	rddreg [dreg:$0x0]  }
0x2: {  	s2 =	rddreg [dreg:$0x1]  }
0x3: {  	s1 =	rddreg [dreg:$0x2];
	s3 =	srdreg.scid  }
0x4: {  	s6 =	simm.s32 $0x0;
	s22 =	stileid.u32;
	s13 =	simm.s32 $0x400  }
0x5: {  	s14 =	simm.s32 $0x14000;
	s15 =	simm.s32 $0x16780;
	s16 =	simm.s32 $0x1  }
0x6: {  	s17 =	simm.s32 $0x2;
	s18 =	simm.s32 $0x3;
	s19 =	simm.s32 $0x50  }
0x7: {  	s20 =	simm.s32 $0x1A780;
	s21 =	simm.s32 $0x14050;
	s28 =	simm.s32 $0x1A500  }
0x8: {  	s29 =	simm.s32 $0x1A580;
	s30 =	simm.s32 $0x0;
	s24 =	smul.u32 $0x2800, s22  }
0x9: {  	s5 =	sand.u32 $0x1, s3;
	[smem:$0x7FF] =	sst s6;
	s26 =	smul.u32 $0x50000, s22  }
0xa: {  	s10 =	sshll.u32 s22, $0x7;
	s4 =	sshll.u32 s5, $0x4;
	_ =	strace $0x8000004A  }
0xb: {  	s8 =	smul.u32 $0x28000, s5;
	s5 =	ssub.s32 $0x2, s5;
	s10 =	sand.u32 $0x380, s10  }
0xc: {  	s23 =	sor.u32 s22, s4;
	s4 =	sadd.s32 $0x3BA00, s0;
	s25 =	sadd.s32 s24, s0  }
0xd: {  	s11 =	sshrl.u32 s5, $0x1;
	s7 =	sshll.u32 s23, $0xB;
	s6 =	sshrl.u32 s23, $0x3  }
0xe: {  	s11 =	ssub.s32 s5, s11;
	s5 =	sadd.s32 $0x13A00, s25;
	s23 =	simm.s32 $0x4  }
0xf: {  	s25 =	simm.s32 $0x1A480;
	s9 =	sadd.s32 s7, s0;
	s0 =	sadd.s32 s8, s0  }
0x10: {  	s6 =	smul.u32 $0x13C00, s6;
	s8 =	sshrl.u32 s26, $0x2;
	s26 =	simm.s32 $0x166C0  }
0x11: {  	s12 =	sadd.s32 s8, s1;
	s9 =	sadd.s32 $0x3A00, s9;
	s0 =	sadd.s32 $0x62C00, s0  }
0x12: {  	s31 =	sor.u32 s10, s6;
	s6 =	sshll.u32 s22, $0x6;
	s10 =	smax.u32 s11, $0x1  }
0x13: {  	s11 =	sshrl.u32 s12, $0x3;
	s22 =	simm.s32 $0x1CF80;
	s8 =	sshrl.u32 s31, $0x3  }
0x14: {  	s24 =	sadd.s32 s24, s0;
	s7 =	sor.u32 $0x1C01, s6;
	s8 =	sadd.s32 s2, s8  }
.LBB2_1:
0x15: {  	[spmem:s11], [sflag:s7] =	dma.local [hbm:s5], $0x2800  }
0x16: {  	s0 =	simm.s32 $0x80  }
0x17: {  	[tilespmem:s14], [sflag:$0x2] =	stream.strided.gather [hbm4b:s8+s0], $0x2780, s13, s0, $0x38;
	[tilespmem:$0x1F780] =	vst v63  }
0x18: {  	s12 =	simm.s32 $0x0  }
0x19: {  	[tilespmem:s15], [sflag:$0x3] =	stream.linear.gather [hbm4b:s9+s12], $0x3E80, $0x38;
	[tilespmem:$0x1F780] =	vst v63  }
0x1a: {  	_ =	swait.ge [sflag:s16], $0x2800  }
0x1b: {  	[sflag:s16] =	ssyncset.done $0x0  }
0x1c: {  	[sflag:s16] =	ssyncadd.s32 $0xFFFFD800  }
0x1d: {  	_ =	swait.ge [sflag:s17], $0x2780  }
0x1e: {  	[sflag:s17] =	ssyncset.done $0x0  }
0x1f: {  	[sflag:s17] =	ssyncadd.s32 $0xFFFFD880  }
0x20: {  	_ =	swait.ge [sflag:s18], $0x3E80  }
0x21: {  	[sflag:s18] =	ssyncset.done $0x0  }
0x22: {  	[sflag:s18] =	ssyncadd.s32 $0xFFFFC180  }
0x23: {  	[bflag:$0x0] =	sbarrier.arrive $0xFFFF  }
0x24: {  	[tilespmem:s20], [sflag:$0x1] =	stream.indirect.gather [hbm4b:s4+s19], $0x80, s14, s19, $0xb8;
	[tilespmem:$0x1F780] =	vst v63  }
0x25: {  	_ = 	snop  }
0x26: {  	[tilespmem:s22], [sflag:$0x2] =	stream.indirect.gather [hbm4b:s4+s19], $0x80, s21, s19, $0xb8;
	[tilespmem:$0x1F780] =	vst v63  }
0x27: {  	_ =	swait.ge [sflag:s16], $0x2800  }
0x28: {  	[sflag:s16] =	ssyncset.done $0x0  }
0x29: {  	s2 =	simm.s32 $0x16780;
	[sflag:s16] =	ssyncadd.s32 $0xFFFFD800  }
0x2a: {  	[spmem:s1] =	stream.indirect.scatter.add.f32 [tilespmem:s20], [sflag:$0x4], $0x80, s2, s19, $0xb8;
	[tilespmem:$0x1F780] =	vst v63  }
0x2b: {  	_ =	swait.ge [sflag:s23], $0x2800  }
0x2c: {  	[sflag:s23] =	ssyncset.done $0x0  }
0x2d: {  	s3 =	simm.s32 $0x140A0;
	[sflag:s23] =	ssyncadd.s32 $0xFFFFD800  }
0x2e: {  	[tilespmem:s20], [sflag:$0x1] =	stream.indirect.gather [hbm4b:s4+s19], $0x80, s3, s19, $0xb8;
	[tilespmem:$0x1F780] =	vst v63  }
0x2f: {  	_ =	swait.ge [sflag:s17], $0x2800  }
0x30: {  	[sflag:s17] =	ssyncset.done $0x0  }
0x31: {  	s12 =	simm.s32 $0x16800;
	[sflag:s17] =	ssyncadd.s32 $0xFFFFD800  }
0x32: {  	[spmem:s1] =	stream.indirect.scatter.add.f32 [tilespmem:s22], [sflag:$0x4], $0x80, s12, s19, $0xb8;
	[tilespmem:$0x1F780] =	vst v63  }
0x33: {  	_ =	swait.ge [sflag:s23], $0x2800  }
0x34: {  	s31 =	simm.s32 $0x140F0;
	[sflag:s23] =	ssyncset.done $0x0  }
0x35: {  	s0 =	simm.s32 $0x400;
	s2 =	simm.s32 $0x14190;
	[sflag:s23] =	ssyncadd.s32 $0xFFFFD800  }
.LBB2_2:
0x36: {  	[tilespmem:s22], [sflag:$0x2] =	stream.indirect.gather [hbm4b:s4+s19], $0x80, s31, s19, $0xb8;
	[tilespmem:$0x1F780] =	vst v63  }
0x37: {  	s3 =	smov.u32 s0;
	s31 =	smov.u32 s2  }
0x38: {  	p0 =	sne.s32 s0, $0xF000;
	s0 =	sadd.s32 $0x400, s0;
	_ =	swait.ge [sflag:s16], $0x2800  }
0x39: {  	s3 =	sshra.s32 s3, $0x2;
	[sflag:s16] =	ssyncset.done $0x0  }
0x3a: {  	s12 =	sadd.s32 $0x16780, s3;
	[sflag:s16] =	ssyncadd.s32 $0xFFFFD800  }
0x3b: {  	[spmem:s1] =	stream.indirect.scatter.add.f32 [tilespmem:s20], [sflag:$0x4], $0x80, s12, s19, $0xb8;
	[tilespmem:$0x1F780] =	vst v63  }
0x3c: {  	_ =	swait.ge [sflag:s23], $0x2800  }
0x3d: {  	[sflag:s23] =	ssyncset.done $0x0  }
0x3e: {  	s12 =	sadd.s32 $0xFFFFFFB0, s2;
	[sflag:s23] =	ssyncadd.s32 $0xFFFFD800  }
0x3f: {  	[tilespmem:s20], [sflag:$0x1] =	stream.indirect.gather [hbm4b:s4+s19], $0x80, s12, s19, $0xb8;
	[tilespmem:$0x1F780] =	vst v63  }
0x40: {  	_ =	swait.ge [sflag:s17], $0x2800  }
0x41: {  	[sflag:s17] =	ssyncset.done $0x0  }
.Ltmp0:
0x42: {  	s3 =	sadd.s32 $0x16800, s3;
	[sflag:s17] =	ssyncadd.s32 $0xFFFFD800;
	(pc) =	sbr.rel @p0 .LBB2_2-.Ltmp0, $4  }
0x43: {  	[spmem:s1] =	stream.indirect.scatter.add.f32 [tilespmem:s22], [sflag:$0x4], $0x80, s3, s19, $0xb8;
	[tilespmem:$0x1F780] =	vst v63  }
0x44: {  	_ =	swait.ge [sflag:s23], $0x2800  }
0x45: {  	[sflag:s23] =	ssyncset.done $0x0  }
0x46: {  	s2 =	sadd.s32 $0xA0, s2;
	[sflag:s23] =	ssyncadd.s32 $0xFFFFD800  }
0x47: {  	[tilespmem:s22], [sflag:$0x2] =	stream.indirect.gather [hbm4b:s4+s19], $0x80, s31, s19, $0xb8;
	[tilespmem:$0x1F780] =	vst v63  }
0x48: {  	_ =	swait.ge [sflag:s16], $0x2800  }
0x49: {  	[sflag:s16] =	ssyncset.done $0x0  }
0x4a: {  	[sflag:s16] =	ssyncadd.s32 $0xFFFFD800  }
0x4b: {  	[spmem:s1] =	stream.indirect.scatter.add.f32 [tilespmem:s20], [sflag:$0x4], $0x80, s25, s19, $0xb8;
	[tilespmem:$0x1F780] =	vst v63  }
0x4c: {  	_ =	swait.ge [sflag:s23], $0x2800  }
0x4d: {  	[sflag:s23] =	ssyncset.done $0x0  }
0x4e: {  	[sflag:s23] =	ssyncadd.s32 $0xFFFFD800  }
0x4f: {  	[tilespmem:s20], [sflag:$0x1] =	stream.indirect.gather [hbm4b:s4+s19], $0x80, s26, s19, $0xb8;
	[tilespmem:$0x1F780] =	vst v63  }
0x50: {  	_ =	swait.ge [sflag:s17], $0x2800  }
0x51: {  	[sflag:s17] =	ssyncset.done $0x0  }
0x52: {  	[sflag:s17] =	ssyncadd.s32 $0xFFFFD800  }
0x53: {  	[spmem:s1] =	stream.indirect.scatter.add.f32 [tilespmem:s22], [sflag:$0x4], $0x80, s28, s19, $0xb8;
	[tilespmem:$0x1F780] =	vst v63  }
0x54: {  	_ =	swait.ge [sflag:s23], $0x2800  }
0x55: {  	[sflag:s23] =	ssyncset.done $0x0  }
0x56: {  	[sflag:s23] =	ssyncadd.s32 $0xFFFFD800  }
0x57: {  	_ =	swait.ge [sflag:s16], $0x2800  }
0x58: {  	[sflag:s16] =	ssyncset.done $0x0  }
0x59: {  	[sflag:s16] =	ssyncadd.s32 $0xFFFFD800  }
0x5a: {  	[spmem:s1] =	stream.indirect.scatter.add.f32 [tilespmem:s20], [sflag:$0x4], $0x80, s29, s19, $0xb8;
	[tilespmem:$0x1F780] =	vst v63  }
0x5b: {  	_ =	swait.ge [sflag:s23], $0x2800  }
0x5c: {  	s30 =	sadd.s32 $0x1, s30;
	[sflag:s23] =	ssyncset.done $0x0  }
0x5d: {  	p0 =	sne.s32 s30, s10;
	[sflag:s23] =	ssyncadd.s32 $0xFFFFD800  }
.Ltmp1:
0x5e: {  	s0 =	sor.u32 $0x1C04, s6;
	[bflag:$0x0] =	sbarrier.arrive $0xFFFF;
	(pc) =	sbr.rel @p0 .LBB2_1-.Ltmp1, $4  }
0x5f: {  	[hbm:s24], [sflag:s0] =	dma.local [spmem:s11], $0x2800  }
0x60: {  	_ =	swait.ge [sflag:s23], $0x2800  }
0x61: {  	[sflag:s23] =	ssyncset.done $0x0  }
0x62: {  	[sflag:s23] =	ssyncadd.s32 $0xFFFFD800  }
0x63: {  	_ =	sfence.sel $0x180000  }
0x64: {  	[bflag:$0x0] =	sbarrier.arrive $0xFFFF  }
0x65: {  	_ =	strace $0x9000004A  }
0x66: {  	s0 =	stileid.u32;
	[bflag:$0x2] =	sbarrier.arrive $0xFFFF  }
0x67: {  	p0 =	sne.s32 s0, $0x0;
	s0 =	rddreg [dreg:$0x3]  }
0x68: {  	s0 =	sadd.s32 @!p0 $0x100000, s0  }
0x69: {  	[sflag:s0] =	ssyncadd.tile.s32 @!p0 $0x1;
	_ =	shalt  }
.Lfunc_end2:
_tile_overlayer_lowered:
.L_overlay_start_2:
0x6a: {  	(tag) =	ssettag $0x2  }
0x6b: {  	s0 =	rddreg [dreg:$0x0];
	s2 =	stileid.u32  }
0x6c: {  	s1 =	rddreg [dreg:$0x1];
	p0 =	sne.s32 s2, $0x0  }
0x6d: {  	s3 =	rddreg [dreg:$0x2];
	[bflag:$0x3] =	sbarrier.arrive $0xFFFF;
	s2 =	simm.s32 @!p0 $0x1C04  }
0x6e: {  	[timem:s3], [sflag:s2] =	dma.local @!p0 [hbm:s0], s1  }
0x6f: {  	s0 =	simm.s32 @!p0 $0x4  }
0x70: {  	_ =	swait.ge @!p0 [sflag:s0], s1  }
0x71: {  	s1 =	ssub.s32 @!p0 $0x0, s1;
	[sflag:s0] =	ssyncset.done @!p0 $0x0  }
0x72: {  	[sflag:s0] =	ssyncadd.s32 @!p0 s1  }
0x73: {  	[bflag:$0x3] =	sbarrier.arrive $0xFFFF  }
0x74: {  	_ =	shalt  }

// kernel: kernel.16.cloned.1.call-start
scs
__scs_entry_jumppad:
0x0: {  	(pc) =	sbr.rel $0x88, $3  }
0x1: {  	(tag) =	ssettag $0x0;
	lr =	simm.s32 $0x1  }
0x2: {  	[smem:$0x3F91] =	sst lr;
	_ =	strace $0xD0000000  }
0x3: {  	_ = 	snop  }
0x4: {  	_ = 	snop  }
0x5: {  	_ = 	snop  }
0x6: {  	_ = 	snop  }
0x7: {  	_ = 	snop  }
__scs_overlays_trampoline_lowered:
0x8: {  	[smem:$0x3FA0] =	sst s0  }
0x9: {  	[smem:$0x3FA1] =	sst s1  }
0xa: {  	[smem:$0x3FA2] =	sst s2  }
0xb: {  	[smem:$0x3FA3] =	sst s3  }
0xc: {  	[smem:$0x3FA4] =	sst s4  }
0xd: {  	[smem:$0x3FA5] =	sst s5  }
0xe: {  	[smem:$0x3FA6] =	sst s6  }
0xf: {  	[smem:$0x3FA7] =	sst s7  }
0x10: {  	[smem:$0x3FA8] =	sst s8  }
0x11: {  	[smem:$0x3FA9] =	sst s9;
	s0 =	simm.s32 @!p0 $0x0  }
0x12: {  	s1 =	sld [smem:$0x3F8F];
	s0 =	simm.s32 @p0 $0x1  }
0x13: {  	[smem:$0x3FAA] =	sst s0;
	s0 =	simm.s32 @!p1 $0x0  }
0x14: {  	s2 =	sld [smem:$0x3F8E];
	s0 =	simm.s32 @p1 $0x1  }
0x15: {  	[smem:$0x3FAB] =	sst s0;
	s0 =	simm.s32 @!p2 $0x0  }
0x16: {  	s3 =	sld [smem:$0x3FDB];
	s0 =	simm.s32 @p2 $0x1  }
0x17: {  	s4 =	simm.s32 $0x1BF5;
	[smem:$0x3FAD] =	sst s0  }
0x18: {  	s0 =	sld [smem:$0x3F90];
	_ =	swait.ge [sflag:s4], $0x0  }
0x19: {  	s7 =	sld [smem:$0x3F91]  }
0x1a: {  	s8 =	sadd.s32 $0xFFFFE003, lr  }
0x1b: {  	s9 =	sadd.s32 $0xFFFFFEF7, lr;
	s5 =	simm.s32 $0xFFFFFFFF;
	p2 =	slt.u32 s8, $0xFFFFF086  }
0x1c: {  	p1 =	slt.u32 s9, $0xF7A;
	s5 =	simm.s32 @!p2 $0x0  }
0x1d: {  	s5 =	simm.s32 @p1 $0x1;
	p0 =	seq.s32 s7, s2  }
0x1e: {  	s7 =	smul.u32 @!p0 $0xF7A, s2;
	p2 =	seq.s32 @!p0 s5, $0x0  }
0x1f: {  	s9 =	smul.u32 $0xF7A, s1;
	s8 =	simm.s32 @!p0 $0x1BF5;
	p2 =	por !p2, p0  }
0x20: {  	[sflag:s8] =	ssyncset.s32 @!p0 $0xFFFFF086;
	s6 =	sadd.s32 @!p0 s3, s7;
	s7 =	simm.s32 @!p0 $0x108  }
0x21: {  	s3 =	sadd.s32 s3, s9;
	s6 =	sadd.s32 @!p0 $0x88, s6;
	s7 =	simm.s32 @p2 $0x1082  }
0x22: {  	[simem:s7], [sflag:s8] =	dma.local @!p0 [hbm:s6], $0xF7A  }
0x23: {  	s9 =	sor.u32 $0xD0000000, s2;
	s6 =	simm.s32 $0x108;
	_ =	swait.ge @!p0 [sflag:s8], $0x0  }
0x24: {  	s3 =	sadd.s32 $0x88, s3;
	s6 =	simm.s32 @!p1 $0x1082;
	[sflag:s4] =	ssyncset.s32 $0xFFFFF086  }
0x25: {  	[simem:s6], [sflag:s4] =	dma.local [hbm:s3], $0xF7A  }
0x26: {  	[smem:$0x3F91] =	sst s1;
	(tag) =	ssettag s2;
	_ =	strace s9  }
0x27: {  	s1 =	sld [smem:$0x3FA1]  }
0x28: {  	s2 =	sld [smem:$0x3FA2]  }
0x29: {  	s4 =	sld [smem:$0x3FA4]  }
0x2a: {  	p0 =	seq.s32 s5, $0x0;
	s5 =	sld [smem:$0x3FA5]  }
0x2b: {  	s6 =	sld [smem:$0x3FA6]  }
0x2c: {  	s7 =	sld [smem:$0x3FA7]  }
0x2d: {  	s3 =	simm.s32 $0x108;
	s8 =	sld [smem:$0x3FA8]  }
0x2e: {  	s3 =	simm.s32 @!p0 $0x1082;
	s9 =	sld [smem:$0x3FA9]  }
0x2f: {  	lr =	sadd.s32 s0, s3;
	s0 =	sld [smem:$0x3FA0]  }
0x30: {  	s3 =	sld [smem:$0x3FA3]  }
0x31: {  	[smem:$0x3FAC] =	sst s10  }
0x32: {  	s10 =	sld [smem:$0x3FAA];
	_ =	sdelay $0x3  }
0x33: {  	p0 =	seq.s32 s10, $0x1;
	s10 =	sld [smem:$0x3FAC];
	_ =	sdelay $0x3  }
0x34: {  	[smem:$0x3FAC] =	sst s10  }
0x35: {  	s10 =	sld [smem:$0x3FAB];
	_ =	sdelay $0x3  }
0x36: {  	p1 =	seq.s32 s10, $0x1;
	s10 =	sld [smem:$0x3FAC];
	_ =	sdelay $0x3  }
0x37: {  	[smem:$0x3FAC] =	sst s10  }
0x38: {  	s10 =	sld [smem:$0x3FAD]  }
0x39: {  	_ = 	snop;
	(pc) =	sbr.ind lr, $3  }
0x3a: {  	_ = 	snop  }
0x3b: {  	_ = 	snop  }
0x3c: {  	p2 =	seq.s32 s10, $0x1;
	s10 =	sld [smem:$0x3FAC]  }
0x3d: {  	_ =	shalt  }
0x3e: {  	_ =	shalt  }
0x3f: {  	_ =	shalt  }
0x40: {  	_ =	shalt  }
0x41: {  	_ =	shalt  }
0x42: {  	_ =	shalt  }
0x43: {  	_ =	shalt  }
0x44: {  	_ =	shalt  }
0x45: {  	_ =	shalt  }
0x46: {  	_ =	shalt  }
0x47: {  	_ =	shalt  }
0x48: {  	_ =	shalt  }
0x49: {  	_ =	shalt  }
0x4a: {  	_ =	shalt  }
0x4b: {  	_ =	shalt  }
0x4c: {  	_ =	shalt  }
0x4d: {  	_ =	shalt  }
0x4e: {  	_ =	shalt  }
0x4f: {  	_ =	shalt  }
0x50: {  	_ =	shalt  }
0x51: {  	_ =	shalt  }
0x52: {  	_ =	shalt  }
0x53: {  	_ =	shalt  }
0x54: {  	_ =	shalt  }
0x55: {  	_ =	shalt  }
0x56: {  	_ =	shalt  }
0x57: {  	_ =	shalt  }
0x58: {  	_ =	shalt  }
0x59: {  	_ =	shalt  }
0x5a: {  	_ =	shalt  }
0x5b: {  	_ =	shalt  }
0x5c: {  	_ =	shalt  }
0x5d: {  	_ =	shalt  }
0x5e: {  	_ =	shalt  }
0x5f: {  	_ =	shalt  }
0x60: {  	_ =	shalt  }
0x61: {  	_ =	shalt  }
0x62: {  	_ =	shalt  }
0x63: {  	_ =	shalt  }
0x64: {  	_ =	shalt  }
0x65: {  	_ =	shalt  }
0x66: {  	_ =	shalt  }
0x67: {  	_ =	shalt  }
0x68: {  	_ =	shalt  }
0x69: {  	_ =	shalt  }
0x6a: {  	_ =	shalt  }
0x6b: {  	_ =	shalt  }
0x6c: {  	_ =	shalt  }
0x6d: {  	_ =	shalt  }
0x6e: {  	_ =	shalt  }
0x6f: {  	_ =	shalt  }
0x70: {  	_ =	shalt  }
0x71: {  	_ =	shalt  }
0x72: {  	_ =	shalt  }
0x73: {  	_ =	shalt  }
0x74: {  	_ =	shalt  }
0x75: {  	_ =	shalt  }
0x76: {  	_ =	shalt  }
0x77: {  	_ =	shalt  }
0x78: {  	_ =	shalt  }
0x79: {  	_ =	shalt  }
0x7a: {  	_ =	shalt  }
0x7b: {  	_ =	shalt  }
0x7c: {  	_ =	shalt  }
0x7d: {  	_ =	shalt  }
0x7e: {  	_ =	shalt  }
0x7f: {  	_ =	shalt  }
0x80: {  	_ =	shalt  }
0x81: {  	_ =	shalt  }
0x82: {  	_ =	shalt  }
0x83: {  	_ =	shalt  }
0x84: {  	_ =	shalt  }
0x85: {  	_ =	shalt  }
0x86: {  	_ =	shalt  }
0x87: {  	_ =	shalt  }
.Lfunc_end0:
.L_simem_size_0:
called_computation.2_lowered:
.L_overlay_start_0:
0x88: {  	s2 =	sld [smem:$0x3FD9]  }
0x89: {  	s3 =	sld [smem:$0x3FFE];
	_ =	sdelay $0x1  }
0x8a: {  	s1 =	srdreg.scid  }
0x8b: {  	s0 =	sand.u32 $0x1, s1  }
0x8c: {  	s17 =	sshll.u32 s0, $0xA;
	s2 =	sadd.s32 s3, s2  }
0x8d: {  	s2 =	sadd.s32 s2, s17  }
0x8e: {  	[smem:$0x3FB8] =	sst s2  }
0x8f: {  	_ = 	snop  }
0x90: {  	s2 =	sld [smem:$0x3FD0];
	(tm) =	ssettm $0x1  }
0x91: {  	s18 =	sld [smem:$0x3FFB];
	_ =	sdelay $0x3  }
0x92: {  	_ =	strace s18  }
0x93: {  	s3 =	sld [smem:$0x3FFC];
	_ =	sdelay $0x3  }
0x94: {  	_ =	strace s3  }
0x95: {  	s3 =	sld [smem:$0x3FFD];
	_ =	sdelay $0x3  }
0x96: {  	_ =	strace s3  }
0x97: {  	_ =	strace $0x8FFFFFFF  }
0x98: {  	s19 =	sld [smem:$0x3FDB];
	_ =	sdelay $0x1  }
0x99: {  	s4 =	simm.s32 $_scs_section_size  }
0x9a: {  	s5 =	simm.s32 $_size__tile_overlayer_lowered;
	s6 =	simm.s32 $_tile_overlayer_lowered  }
0x9b: {  	s22 =	simm.s32 $0x1BFF;
	s21 =	sshll.u32 s6, $0x1;
	s3 =	sadd.s32 s4, s19  }
0x9c: {  	s7 =	simm.s32 $0x0;
	s20 =	sshll.u32 s5, $0x1;
	s5 =	sadd.s32 s21, s3  }
0x9d: {  	[timem:s7], [sflag:s22] =	dma.local [hbm:s5], s20  }
0x9e: {  	_ =	swait.ge [sflag:s22], s20  }
0x9f: {  	s4 =	ssub.s32 $0x0, s20;
	[sflag:s22] =	ssyncset.done $0x0  }
0xa0: {  	[sflag:s22] =	ssyncadd.s32 s4;
	_ =	sdelay $0x1  }
0xa1: {  	s23 =	simm.s32 $0x1B8B  }
0xa2: {  	_ =	swait.ge [sflag:s23], $0x1  }
0xa3: {  	[sflag:s23] =	ssyncset.done $0x0  }
0xa4: {  	s25 =	simm.s32 $0x1B8E;
	s24 =	sld [smem:$0x3FFE];
	[sflag:s23] =	ssyncadd.s32 $0xFFFFFFFF  }
0xa5: {  	s26 =	simm.s32 $execute0_lowered;
	[smem:$0x3FD2] =	sst s25  }
0xa6: {  	s5 =	sshll.u32 s26, $0x1;
	_ =	strace $0x8000004C;
	[dreg:$0x1] =	wrdreg $0xFFFFFFFF  }
0xa7: {  	s28 =	simm.s32 $_size_execute0_lowered;
	s3 =	sadd.s32 s3, s5;
	[dreg:$0x0] =	wrdreg $0x0  }
0xa8: {  	s5 =	sshll.u32 s28, $0x1;
	[dreg:$0x2] =	wrdreg s3  }
0xa9: {  	[dreg:$0x3] =	wrdreg s5  }
0xaa: {  	[dreg:$0x4] =	wrdreg $0xC0  }
0xab: {  	_ =	task [dreg:s7], $0x5FFFF  }
0xac: {  	[dreg:$0x1] =	wrdreg $0xFFFFFFFF  }
0xad: {  	[dreg:$0x0] =	wrdreg $0x60  }
0xae: {  	[dreg:$0x2] =	wrdreg s24  }
0xaf: {  	[dreg:$0x3] =	wrdreg s2  }
0xb0: {  	[dreg:$0x4] =	wrdreg $0x0  }
0xb1: {  	[dreg:$0x5] =	wrdreg $0x9  }
0xb2: {  	_ =	task.clear_ibuf [dreg:s7], $0x6FFFF;
	_ =	strace $0x9000004C  }
0xb3: {  	s29 =	simm.s32 $0x9;
	_ =	strace $0x8000004E  }
0xb4: {  	_ =	swait.ge [sflag:s29], $0x1  }
0xb5: {  	[sflag:s29] =	ssyncadd.s32 $0xFFFFFFFF  }
0xb6: {  	_ =	strace $0x9000004E  }
0xb7: {  	_ =	sfence  }
0xb8: {  	s30 =	sld [smem:$0x0];
	_ =	sdelay $0x2  }
0xb9: {  	s31 =	sshll.u32 s1, $0xD;
	s1 =	sshrl.u32 s1, $0x2  }
0xba: {  	s3 =	sand.u32 $0x4000, s31;
	s1 =	sadd.s32 s1, s30  }
0xbb: {  	s0 =	sor.u32 s3, s0;
	s1 =	sshll.u32 s1, $0x11  }
0xbc: {  	s0 =	sor.u32 s1, s0  }
0xbd: {  	s0 =	sadd.s32 $0x8F2B, s0  }
0xbe: {  	[sflag:s0] =	ssyncadd.remote.s32 $0x1  }
0xbf: {  	_ =	sfence.sel $0xFFFF  }
0xc0: {  	[dreg:$0x0] =	wrdreg $0xFFFFFFFF;
	(pc) =	sbr.abs _section_cstart, $3  }
0xc1: {  	[dreg:$0x1] =	wrdreg $0xFFFFFFFF  }
0xc2: {  	_ =	task.clear_ibuf [dreg:s7], $0x2FFFF;
	_ =	strace $0x9FFFFFFF  }
0xc3: {  	(tm) =	ssettm $0x7FFFFFFF  }
tec
execute0_lowered:
.L_overlay_start_1:
0x0: {  	(tag) =	ssettag $0x1  }
0x1: {  	s0 =	rddreg [dreg:$0x0]  }
0x2: {  	s2 =	rddreg [dreg:$0x1]  }
0x3: {  	s1 =	rddreg [dreg:$0x2];
	s3 =	srdreg.scid  }
0x4: {  	s6 =	simm.s32 $0x0;
	s22 =	stileid.u32;
	s13 =	simm.s32 $0x400  }
0x5: {  	s14 =	simm.s32 $0x14000;
	s15 =	simm.s32 $0x16780;
	s16 =	simm.s32 $0x1  }
0x6: {  	s17 =	simm.s32 $0x2;
	s18 =	simm.s32 $0x3;
	s19 =	simm.s32 $0x50  }
0x7: {  	s20 =	simm.s32 $0x1A780;
	s21 =	simm.s32 $0x14050;
	s28 =	simm.s32 $0x1A500  }
0x8: {  	s29 =	simm.s32 $0x1A580;
	s30 =	simm.s32 $0x0;
	s24 =	smul.u32 $0x2800, s22  }
0x9: {  	s5 =	sand.u32 $0x1, s3;
	[smem:$0x7FF] =	sst s6;
	s26 =	smul.u32 $0x50000, s22  }
0xa: {  	s10 =	sshll.u32 s22, $0x7;
	s4 =	sshll.u32 s5, $0x4;
	_ =	strace $0x8000004D  }
0xb: {  	s8 =	smul.u32 $0x28000, s5;
	s5 =	ssub.s32 $0x2, s5;
	s10 =	sand.u32 $0x380, s10  }
0xc: {  	s23 =	sor.u32 s22, s4;
	s4 =	sadd.s32 $0x3BA00, s0;
	s25 =	sadd.s32 s24, s0  }
0xd: {  	s11 =	sshrl.u32 s5, $0x1;
	s7 =	sshll.u32 s23, $0xB;
	s6 =	sshrl.u32 s23, $0x3  }
0xe: {  	s11 =	ssub.s32 s5, s11;
	s5 =	sadd.s32 $0x13A00, s25;
	s23 =	simm.s32 $0x4  }
0xf: {  	s25 =	simm.s32 $0x1A480;
	s9 =	sadd.s32 s7, s0;
	s0 =	sadd.s32 s8, s0  }
0x10: {  	s6 =	smul.u32 $0x13C00, s6;
	s8 =	sshrl.u32 s26, $0x2;
	s26 =	simm.s32 $0x166C0  }
0x11: {  	s12 =	sadd.s32 s8, s1;
	s9 =	sadd.s32 $0x3A00, s9;
	s0 =	sadd.s32 $0x62C00, s0  }
0x12: {  	s31 =	sor.u32 s10, s6;
	s6 =	sshll.u32 s22, $0x6;
	s10 =	smax.u32 s11, $0x1  }
0x13: {  	s11 =	sshrl.u32 s12, $0x3;
	s22 =	simm.s32 $0x1CF80;
	s8 =	sshrl.u32 s31, $0x3  }
0x14: {  	s24 =	sadd.s32 s24, s0;
	s7 =	sor.u32 $0x1C01, s6;
	s8 =	sadd.s32 s2, s8  }
.LBB2_1:
0x15: {  	[spmem:s11], [sflag:s7] =	dma.local [hbm:s5], $0x2800  }
0x16: {  	s0 =	simm.s32 $0x80  }
0x17: {  	[tilespmem:s14], [sflag:$0x2] =	stream.strided.gather [hbm4b:s8+s0], $0x2780, s13, s0, $0x38;
	[tilespmem:$0x1F780] =	vst v63  }
0x18: {  	s12 =	simm.s32 $0x0  }
0x19: {  	[tilespmem:s15], [sflag:$0x3] =	stream.linear.gather [hbm4b:s9+s12], $0x3E80, $0x38;
	[tilespmem:$0x1F780] =	vst v63  }
0x1a: {  	_ =	swait.ge [sflag:s16], $0x2800  }
0x1b: {  	[sflag:s16] =	ssyncset.done $0x0  }
0x1c: {  	[sflag:s16] =	ssyncadd.s32 $0xFFFFD800  }
0x1d: {  	_ =	swait.ge [sflag:s17], $0x2780  }
0x1e: {  	[sflag:s17] =	ssyncset.done $0x0  }
0x1f: {  	[sflag:s17] =	ssyncadd.s32 $0xFFFFD880  }
0x20: {  	_ =	swait.ge [sflag:s18], $0x3E80  }
0x21: {  	[sflag:s18] =	ssyncset.done $0x0  }
0x22: {  	[sflag:s18] =	ssyncadd.s32 $0xFFFFC180  }
0x23: {  	[bflag:$0x0] =	sbarrier.arrive $0xFFFF  }
0x24: {  	[tilespmem:s20], [sflag:$0x1] =	stream.indirect.gather [hbm4b:s4+s19], $0x80, s14, s19, $0xb8;
	[tilespmem:$0x1F780] =	vst v63  }
0x25: {  	_ = 	snop  }
0x26: {  	[tilespmem:s22], [sflag:$0x2] =	stream.indirect.gather [hbm4b:s4+s19], $0x80, s21, s19, $0xb8;
	[tilespmem:$0x1F780] =	vst v63  }
0x27: {  	_ =	swait.ge [sflag:s16], $0x2800  }
0x28: {  	[sflag:s16] =	ssyncset.done $0x0  }
0x29: {  	s2 =	simm.s32 $0x16780;
	[sflag:s16] =	ssyncadd.s32 $0xFFFFD800  }
0x2a: {  	[spmem:s1] =	stream.indirect.scatter.add.f32 [tilespmem:s20], [sflag:$0x4], $0x80, s2, s19, $0xb8;
	[tilespmem:$0x1F780] =	vst v63  }
0x2b: {  	_ =	swait.ge [sflag:s23], $0x2800  }
0x2c: {  	[sflag:s23] =	ssyncset.done $0x0  }
0x2d: {  	s3 =	simm.s32 $0x140A0;
	[sflag:s23] =	ssyncadd.s32 $0xFFFFD800  }
0x2e: {  	[tilespmem:s20], [sflag:$0x1] =	stream.indirect.gather [hbm4b:s4+s19], $0x80, s3, s19, $0xb8;
	[tilespmem:$0x1F780] =	vst v63  }
0x2f: {  	_ =	swait.ge [sflag:s17], $0x2800  }
0x30: {  	[sflag:s17] =	ssyncset.done $0x0  }
0x31: {  	s12 =	simm.s32 $0x16800;
	[sflag:s17] =	ssyncadd.s32 $0xFFFFD800  }
0x32: {  	[spmem:s1] =	stream.indirect.scatter.add.f32 [tilespmem:s22], [sflag:$0x4], $0x80, s12, s19, $0xb8;
	[tilespmem:$0x1F780] =	vst v63  }
0x33: {  	_ =	swait.ge [sflag:s23], $0x2800  }
0x34: {  	s31 =	simm.s32 $0x140F0;
	[sflag:s23] =	ssyncset.done $0x0  }
0x35: {  	s0 =	simm.s32 $0x400;
	s2 =	simm.s32 $0x14190;
	[sflag:s23] =	ssyncadd.s32 $0xFFFFD800  }
.LBB2_2:
0x36: {  	[tilespmem:s22], [sflag:$0x2] =	stream.indirect.gather [hbm4b:s4+s19], $0x80, s31, s19, $0xb8;
	[tilespmem:$0x1F780] =	vst v63  }
0x37: {  	s3 =	smov.u32 s0;
	s31 =	smov.u32 s2  }
0x38: {  	p0 =	sne.s32 s0, $0xF000;
	s0 =	sadd.s32 $0x400, s0;
	_ =	swait.ge [sflag:s16], $0x2800  }
0x39: {  	s3 =	sshra.s32 s3, $0x2;
	[sflag:s16] =	ssyncset.done $0x0  }
0x3a: {  	s12 =	sadd.s32 $0x16780, s3;
	[sflag:s16] =	ssyncadd.s32 $0xFFFFD800  }
0x3b: {  	[spmem:s1] =	stream.indirect.scatter.add.f32 [tilespmem:s20], [sflag:$0x4], $0x80, s12, s19, $0xb8;
	[tilespmem:$0x1F780] =	vst v63  }
0x3c: {  	_ =	swait.ge [sflag:s23], $0x2800  }
0x3d: {  	[sflag:s23] =	ssyncset.done $0x0  }
0x3e: {  	s12 =	sadd.s32 $0xFFFFFFB0, s2;
	[sflag:s23] =	ssyncadd.s32 $0xFFFFD800  }
0x3f: {  	[tilespmem:s20], [sflag:$0x1] =	stream.indirect.gather [hbm4b:s4+s19], $0x80, s12, s19, $0xb8;
	[tilespmem:$0x1F780] =	vst v63  }
0x40: {  	_ =	swait.ge [sflag:s17], $0x2800  }
0x41: {  	[sflag:s17] =	ssyncset.done $0x0  }
.Ltmp0:
0x42: {  	s3 =	sadd.s32 $0x16800, s3;
	[sflag:s17] =	ssyncadd.s32 $0xFFFFD800;
	(pc) =	sbr.rel @p0 .LBB2_2-.Ltmp0, $4  }
0x43: {  	[spmem:s1] =	stream.indirect.scatter.add.f32 [tilespmem:s22], [sflag:$0x4], $0x80, s3, s19, $0xb8;
	[tilespmem:$0x1F780] =	vst v63  }
0x44: {  	_ =	swait.ge [sflag:s23], $0x2800  }
0x45: {  	[sflag:s23] =	ssyncset.done $0x0  }
0x46: {  	s2 =	sadd.s32 $0xA0, s2;
	[sflag:s23] =	ssyncadd.s32 $0xFFFFD800  }
0x47: {  	[tilespmem:s22], [sflag:$0x2] =	stream.indirect.gather [hbm4b:s4+s19], $0x80, s31, s19, $0xb8;
	[tilespmem:$0x1F780] =	vst v63  }
0x48: {  	_ =	swait.ge [sflag:s16], $0x2800  }
0x49: {  	[sflag:s16] =	ssyncset.done $0x0  }
0x4a: {  	[sflag:s16] =	ssyncadd.s32 $0xFFFFD800  }
0x4b: {  	[spmem:s1] =	stream.indirect.scatter.add.f32 [tilespmem:s20], [sflag:$0x4], $0x80, s25, s19, $0xb8;
	[tilespmem:$0x1F780] =	vst v63  }
0x4c: {  	_ =	swait.ge [sflag:s23], $0x2800  }
0x4d: {  	[sflag:s23] =	ssyncset.done $0x0  }
0x4e: {  	[sflag:s23] =	ssyncadd.s32 $0xFFFFD800  }
0x4f: {  	[tilespmem:s20], [sflag:$0x1] =	stream.indirect.gather [hbm4b:s4+s19], $0x80, s26, s19, $0xb8;
	[tilespmem:$0x1F780] =	vst v63  }
0x50: {  	_ =	swait.ge [sflag:s17], $0x2800  }
0x51: {  	[sflag:s17] =	ssyncset.done $0x0  }
0x52: {  	[sflag:s17] =	ssyncadd.s32 $0xFFFFD800  }
0x53: {  	[spmem:s1] =	stream.indirect.scatter.add.f32 [tilespmem:s22], [sflag:$0x4], $0x80, s28, s19, $0xb8;
	[tilespmem:$0x1F780] =	vst v63  }
0x54: {  	_ =	swait.ge [sflag:s23], $0x2800  }
0x55: {  	[sflag:s23] =	ssyncset.done $0x0  }
0x56: {  	[sflag:s23] =	ssyncadd.s32 $0xFFFFD800  }
0x57: {  	_ =	swait.ge [sflag:s16], $0x2800  }
0x58: {  	[sflag:s16] =	ssyncset.done $0x0  }
0x59: {  	[sflag:s16] =	ssyncadd.s32 $0xFFFFD800  }
0x5a: {  	[spmem:s1] =	stream.indirect.scatter.add.f32 [tilespmem:s20], [sflag:$0x4], $0x80, s29, s19, $0xb8;
	[tilespmem:$0x1F780] =	vst v63  }
0x5b: {  	_ =	swait.ge [sflag:s23], $0x2800  }
0x5c: {  	s30 =	sadd.s32 $0x1, s30;
	[sflag:s23] =	ssyncset.done $0x0  }
0x5d: {  	p0 =	sne.s32 s30, s10;
	[sflag:s23] =	ssyncadd.s32 $0xFFFFD800  }
.Ltmp1:
0x5e: {  	s0 =	sor.u32 $0x1C04, s6;
	[bflag:$0x0] =	sbarrier.arrive $0xFFFF;
	(pc) =	sbr.rel @p0 .LBB2_1-.Ltmp1, $4  }
0x5f: {  	[hbm:s24], [sflag:s0] =	dma.local [spmem:s11], $0x2800  }
0x60: {  	_ =	swait.ge [sflag:s23], $0x2800  }
0x61: {  	[sflag:s23] =	ssyncset.done $0x0  }
0x62: {  	[sflag:s23] =	ssyncadd.s32 $0xFFFFD800  }
0x63: {  	_ =	sfence.sel $0x180000  }
0x64: {  	[bflag:$0x0] =	sbarrier.arrive $0xFFFF  }
0x65: {  	_ =	strace $0x9000004D  }
0x66: {  	s0 =	stileid.u32;
	[bflag:$0x2] =	sbarrier.arrive $0xFFFF  }
0x67: {  	p0 =	sne.s32 s0, $0x0;
	s0 =	rddreg [dreg:$0x3]  }
0x68: {  	s0 =	sadd.s32 @!p0 $0x100000, s0  }
0x69: {  	[sflag:s0] =	ssyncadd.tile.s32 @!p0 $0x1;
	_ =	shalt  }
.Lfunc_end2:
_tile_overlayer_lowered:
.L_overlay_start_2:
0x6a: {  	(tag) =	ssettag $0x2  }
0x6b: {  	s0 =	rddreg [dreg:$0x0];
	s2 =	stileid.u32  }
0x6c: {  	s1 =	rddreg [dreg:$0x1];
	p0 =	sne.s32 s2, $0x0  }
0x6d: {  	s3 =	rddreg [dreg:$0x2];
	[bflag:$0x3] =	sbarrier.arrive $0xFFFF;
	s2 =	simm.s32 @!p0 $0x1C04  }
0x6e: {  	[timem:s3], [sflag:s2] =	dma.local @!p0 [hbm:s0], s1  }
0x6f: {  	s0 =	simm.s32 @!p0 $0x4  }
0x70: {  	_ =	swait.ge @!p0 [sflag:s0], s1  }
0x71: {  	s1 =	ssub.s32 @!p0 $0x0, s1;
	[sflag:s0] =	ssyncset.done @!p0 $0x0  }
0x72: {  	[sflag:s0] =	ssyncadd.s32 @!p0 s1  }
0x73: {  	[bflag:$0x3] =	sbarrier.arrive $0xFFFF  }
0x74: {  	_ =	shalt  }

// kernel: kernel.19.cloned.1.call-start
scs
__scs_entry_jumppad:
0x0: {  	(pc) =	sbr.rel $0x88, $3  }
0x1: {  	(tag) =	ssettag $0x0;
	lr =	simm.s32 $0x1  }
0x2: {  	[smem:$0x3F91] =	sst lr;
	_ =	strace $0xD0000000  }
0x3: {  	_ = 	snop  }
0x4: {  	_ = 	snop  }
0x5: {  	_ = 	snop  }
0x6: {  	_ = 	snop  }
0x7: {  	_ = 	snop  }
__scs_overlays_trampoline_lowered:
0x8: {  	[smem:$0x3FA0] =	sst s0  }
0x9: {  	[smem:$0x3FA1] =	sst s1  }
0xa: {  	[smem:$0x3FA2] =	sst s2  }
0xb: {  	[smem:$0x3FA3] =	sst s3  }
0xc: {  	[smem:$0x3FA4] =	sst s4  }
0xd: {  	[smem:$0x3FA5] =	sst s5  }
0xe: {  	[smem:$0x3FA6] =	sst s6  }
0xf: {  	[smem:$0x3FA7] =	sst s7  }
0x10: {  	[smem:$0x3FA8] =	sst s8  }
0x11: {  	[smem:$0x3FA9] =	sst s9;
	s0 =	simm.s32 @!p0 $0x0  }
0x12: {  	s1 =	sld [smem:$0x3F8F];
	s0 =	simm.s32 @p0 $0x1  }
0x13: {  	[smem:$0x3FAA] =	sst s0;
	s0 =	simm.s32 @!p1 $0x0  }
0x14: {  	s2 =	sld [smem:$0x3F8E];
	s0 =	simm.s32 @p1 $0x1  }
0x15: {  	[smem:$0x3FAB] =	sst s0;
	s0 =	simm.s32 @!p2 $0x0  }
0x16: {  	s3 =	sld [smem:$0x3FDB];
	s0 =	simm.s32 @p2 $0x1  }
0x17: {  	s4 =	simm.s32 $0x1BF5;
	[smem:$0x3FAD] =	sst s0  }
0x18: {  	s0 =	sld [smem:$0x3F90];
	_ =	swait.ge [sflag:s4], $0x0  }
0x19: {  	s7 =	sld [smem:$0x3F91]  }
0x1a: {  	s8 =	sadd.s32 $0xFFFFE003, lr  }
0x1b: {  	s9 =	sadd.s32 $0xFFFFFEF7, lr;
	s5 =	simm.s32 $0xFFFFFFFF;
	p2 =	slt.u32 s8, $0xFFFFF086  }
0x1c: {  	p1 =	slt.u32 s9, $0xF7A;
	s5 =	simm.s32 @!p2 $0x0  }
0x1d: {  	s5 =	simm.s32 @p1 $0x1;
	p0 =	seq.s32 s7, s2  }
0x1e: {  	s7 =	smul.u32 @!p0 $0xF7A, s2;
	p2 =	seq.s32 @!p0 s5, $0x0  }
0x1f: {  	s9 =	smul.u32 $0xF7A, s1;
	s8 =	simm.s32 @!p0 $0x1BF5;
	p2 =	por !p2, p0  }
0x20: {  	[sflag:s8] =	ssyncset.s32 @!p0 $0xFFFFF086;
	s6 =	sadd.s32 @!p0 s3, s7;
	s7 =	simm.s32 @!p0 $0x108  }
0x21: {  	s3 =	sadd.s32 s3, s9;
	s6 =	sadd.s32 @!p0 $0x88, s6;
	s7 =	simm.s32 @p2 $0x1082  }
0x22: {  	[simem:s7], [sflag:s8] =	dma.local @!p0 [hbm:s6], $0xF7A  }
0x23: {  	s9 =	sor.u32 $0xD0000000, s2;
	s6 =	simm.s32 $0x108;
	_ =	swait.ge @!p0 [sflag:s8], $0x0  }
0x24: {  	s3 =	sadd.s32 $0x88, s3;
	s6 =	simm.s32 @!p1 $0x1082;
	[sflag:s4] =	ssyncset.s32 $0xFFFFF086  }
0x25: {  	[simem:s6], [sflag:s4] =	dma.local [hbm:s3], $0xF7A  }
0x26: {  	[smem:$0x3F91] =	sst s1;
	(tag) =	ssettag s2;
	_ =	strace s9  }
0x27: {  	s1 =	sld [smem:$0x3FA1]  }
0x28: {  	s2 =	sld [smem:$0x3FA2]  }
0x29: {  	s4 =	sld [smem:$0x3FA4]  }
0x2a: {  	p0 =	seq.s32 s5, $0x0;
	s5 =	sld [smem:$0x3FA5]  }
0x2b: {  	s6 =	sld [smem:$0x3FA6]  }
0x2c: {  	s7 =	sld [smem:$0x3FA7]  }
0x2d: {  	s3 =	simm.s32 $0x108;
	s8 =	sld [smem:$0x3FA8]  }
0x2e: {  	s3 =	simm.s32 @!p0 $0x1082;
	s9 =	sld [smem:$0x3FA9]  }
0x2f: {  	lr =	sadd.s32 s0, s3;
	s0 =	sld [smem:$0x3FA0]  }
0x30: {  	s3 =	sld [smem:$0x3FA3]  }
0x31: {  	[smem:$0x3FAC] =	sst s10  }
0x32: {  	s10 =	sld [smem:$0x3FAA];
	_ =	sdelay $0x3  }
0x33: {  	p0 =	seq.s32 s10, $0x1;
	s10 =	sld [smem:$0x3FAC];
	_ =	sdelay $0x3  }
0x34: {  	[smem:$0x3FAC] =	sst s10  }
0x35: {  	s10 =	sld [smem:$0x3FAB];
	_ =	sdelay $0x3  }
0x36: {  	p1 =	seq.s32 s10, $0x1;
	s10 =	sld [smem:$0x3FAC];
	_ =	sdelay $0x3  }
0x37: {  	[smem:$0x3FAC] =	sst s10  }
0x38: {  	s10 =	sld [smem:$0x3FAD]  }
0x39: {  	_ = 	snop;
	(pc) =	sbr.ind lr, $3  }
0x3a: {  	_ = 	snop  }
0x3b: {  	_ = 	snop  }
0x3c: {  	p2 =	seq.s32 s10, $0x1;
	s10 =	sld [smem:$0x3FAC]  }
0x3d: {  	_ =	shalt  }
0x3e: {  	_ =	shalt  }
0x3f: {  	_ =	shalt  }
0x40: {  	_ =	shalt  }
0x41: {  	_ =	shalt  }
0x42: {  	_ =	shalt  }
0x43: {  	_ =	shalt  }
0x44: {  	_ =	shalt  }
0x45: {  	_ =	shalt  }
0x46: {  	_ =	shalt  }
0x47: {  	_ =	shalt  }
0x48: {  	_ =	shalt  }
0x49: {  	_ =	shalt  }
0x4a: {  	_ =	shalt  }
0x4b: {  	_ =	shalt  }
0x4c: {  	_ =	shalt  }
0x4d: {  	_ =	shalt  }
0x4e: {  	_ =	shalt  }
0x4f: {  	_ =	shalt  }
0x50: {  	_ =	shalt  }
0x51: {  	_ =	shalt  }
0x52: {  	_ =	shalt  }
0x53: {  	_ =	shalt  }
0x54: {  	_ =	shalt  }
0x55: {  	_ =	shalt  }
0x56: {  	_ =	shalt  }
0x57: {  	_ =	shalt  }
0x58: {  	_ =	shalt  }
0x59: {  	_ =	shalt  }
0x5a: {  	_ =	shalt  }
0x5b: {  	_ =	shalt  }
0x5c: {  	_ =	shalt  }
0x5d: {  	_ =	shalt  }
0x5e: {  	_ =	shalt  }
0x5f: {  	_ =	shalt  }
0x60: {  	_ =	shalt  }
0x61: {  	_ =	shalt  }
0x62: {  	_ =	shalt  }
0x63: {  	_ =	shalt  }
0x64: {  	_ =	shalt  }
0x65: {  	_ =	shalt  }
0x66: {  	_ =	shalt  }
0x67: {  	_ =	shalt  }
0x68: {  	_ =	shalt  }
0x69: {  	_ =	shalt  }
0x6a: {  	_ =	shalt  }
0x6b: {  	_ =	shalt  }
0x6c: {  	_ =	shalt  }
0x6d: {  	_ =	shalt  }
0x6e: {  	_ =	shalt  }
0x6f: {  	_ =	shalt  }
0x70: {  	_ =	shalt  }
0x71: {  	_ =	shalt  }
0x72: {  	_ =	shalt  }
0x73: {  	_ =	shalt  }
0x74: {  	_ =	shalt  }
0x75: {  	_ =	shalt  }
0x76: {  	_ =	shalt  }
0x77: {  	_ =	shalt  }
0x78: {  	_ =	shalt  }
0x79: {  	_ =	shalt  }
0x7a: {  	_ =	shalt  }
0x7b: {  	_ =	shalt  }
0x7c: {  	_ =	shalt  }
0x7d: {  	_ =	shalt  }
0x7e: {  	_ =	shalt  }
0x7f: {  	_ =	shalt  }
0x80: {  	_ =	shalt  }
0x81: {  	_ =	shalt  }
0x82: {  	_ =	shalt  }
0x83: {  	_ =	shalt  }
0x84: {  	_ =	shalt  }
0x85: {  	_ =	shalt  }
0x86: {  	_ =	shalt  }
0x87: {  	_ =	shalt  }
.Lfunc_end0:
.L_simem_size_0:
called_computation.3_lowered:
.L_overlay_start_0:
0x88: {  	s2 =	sld [smem:$0x3FD9]  }
0x89: {  	s3 =	sld [smem:$0x3FFE];
	_ =	sdelay $0x1  }
0x8a: {  	s1 =	srdreg.scid  }
0x8b: {  	s0 =	sand.u32 $0x1, s1  }
0x8c: {  	s17 =	sshll.u32 s0, $0xA;
	s2 =	sadd.s32 s3, s2  }
0x8d: {  	s2 =	sadd.s32 s2, s17  }
0x8e: {  	[smem:$0x3FB8] =	sst s2  }
0x8f: {  	_ = 	snop  }
0x90: {  	s2 =	sld [smem:$0x3FD0];
	(tm) =	ssettm $0x1  }
0x91: {  	s18 =	sld [smem:$0x3FFB];
	_ =	sdelay $0x3  }
0x92: {  	_ =	strace s18  }
0x93: {  	s3 =	sld [smem:$0x3FFC];
	_ =	sdelay $0x3  }
0x94: {  	_ =	strace s3  }
0x95: {  	s3 =	sld [smem:$0x3FFD];
	_ =	sdelay $0x3  }
0x96: {  	_ =	strace s3  }
0x97: {  	_ =	strace $0x8FFFFFFF  }
0x98: {  	s19 =	sld [smem:$0x3FDB];
	_ =	sdelay $0x1  }
0x99: {  	s4 =	simm.s32 $_scs_section_size  }
0x9a: {  	s5 =	simm.s32 $_size__tile_overlayer_lowered;
	s6 =	simm.s32 $_tile_overlayer_lowered  }
0x9b: {  	s22 =	simm.s32 $0x1BFF;
	s21 =	sshll.u32 s6, $0x1;
	s3 =	sadd.s32 s4, s19  }
0x9c: {  	s7 =	simm.s32 $0x0;
	s20 =	sshll.u32 s5, $0x1;
	s5 =	sadd.s32 s21, s3  }
0x9d: {  	[timem:s7], [sflag:s22] =	dma.local [hbm:s5], s20  }
0x9e: {  	_ =	swait.ge [sflag:s22], s20  }
0x9f: {  	s4 =	ssub.s32 $0x0, s20;
	[sflag:s22] =	ssyncset.done $0x0  }
0xa0: {  	[sflag:s22] =	ssyncadd.s32 s4;
	_ =	sdelay $0x1  }
0xa1: {  	s23 =	simm.s32 $0x1B8B  }
0xa2: {  	_ =	swait.ge [sflag:s23], $0x1  }
0xa3: {  	[sflag:s23] =	ssyncset.done $0x0  }
0xa4: {  	s25 =	simm.s32 $0x1B8E;
	s24 =	sld [smem:$0x3FFE];
	[sflag:s23] =	ssyncadd.s32 $0xFFFFFFFF  }
0xa5: {  	s26 =	simm.s32 $execute0_lowered;
	[smem:$0x3FD2] =	sst s25  }
0xa6: {  	s5 =	sshll.u32 s26, $0x1;
	_ =	strace $0x8000004F;
	[dreg:$0x1] =	wrdreg $0xFFFFFFFF  }
0xa7: {  	s28 =	simm.s32 $_size_execute0_lowered;
	s3 =	sadd.s32 s3, s5;
	[dreg:$0x0] =	wrdreg $0x0  }
0xa8: {  	s5 =	sshll.u32 s28, $0x1;
	[dreg:$0x2] =	wrdreg s3  }
0xa9: {  	[dreg:$0x3] =	wrdreg s5  }
0xaa: {  	[dreg:$0x4] =	wrdreg $0xC0  }
0xab: {  	_ =	task [dreg:s7], $0x5FFFF  }
0xac: {  	[dreg:$0x1] =	wrdreg $0xFFFFFFFF  }
0xad: {  	[dreg:$0x0] =	wrdreg $0x60  }
0xae: {  	[dreg:$0x2] =	wrdreg s24  }
0xaf: {  	[dreg:$0x3] =	wrdreg s2  }
0xb0: {  	[dreg:$0x4] =	wrdreg $0x0  }
0xb1: {  	[dreg:$0x5] =	wrdreg $0x9  }
0xb2: {  	_ =	task.clear_ibuf [dreg:s7], $0x6FFFF;
	_ =	strace $0x9000004F  }
0xb3: {  	s29 =	simm.s32 $0x9;
	_ =	strace $0x80000051  }
0xb4: {  	_ =	swait.ge [sflag:s29], $0x1  }
0xb5: {  	[sflag:s29] =	ssyncadd.s32 $0xFFFFFFFF  }
0xb6: {  	_ =	strace $0x90000051  }
0xb7: {  	_ =	sfence  }
0xb8: {  	s30 =	sld [smem:$0x0];
	_ =	sdelay $0x2  }
0xb9: {  	s31 =	sshll.u32 s1, $0xD;
	s1 =	sshrl.u32 s1, $0x2  }
0xba: {  	s3 =	sand.u32 $0x4000, s31;
	s1 =	sadd.s32 s1, s30  }
0xbb: {  	s0 =	sor.u32 s3, s0;
	s1 =	sshll.u32 s1, $0x11  }
0xbc: {  	s0 =	sor.u32 s1, s0  }
0xbd: {  	s0 =	sadd.s32 $0x8F2B, s0  }
0xbe: {  	[sflag:s0] =	ssyncadd.remote.s32 $0x1  }
0xbf: {  	_ =	sfence.sel $0xFFFF  }
0xc0: {  	[dreg:$0x0] =	wrdreg $0xFFFFFFFF;
	(pc) =	sbr.abs _section_cstart, $3  }
0xc1: {  	[dreg:$0x1] =	wrdreg $0xFFFFFFFF  }
0xc2: {  	_ =	task.clear_ibuf [dreg:s7], $0x2FFFF;
	_ =	strace $0x9FFFFFFF  }
0xc3: {  	(tm) =	ssettm $0x7FFFFFFF  }
tec
execute0_lowered:
.L_overlay_start_1:
0x0: {  	(tag) =	ssettag $0x1  }
0x1: {  	s0 =	rddreg [dreg:$0x0]  }
0x2: {  	s2 =	rddreg [dreg:$0x1]  }
0x3: {  	s1 =	rddreg [dreg:$0x2];
	s3 =	srdreg.scid  }
0x4: {  	s6 =	simm.s32 $0x0;
	s22 =	stileid.u32;
	s13 =	simm.s32 $0x400  }
0x5: {  	s14 =	simm.s32 $0x14000;
	s15 =	simm.s32 $0x16780;
	s16 =	simm.s32 $0x1  }
0x6: {  	s17 =	simm.s32 $0x2;
	s18 =	simm.s32 $0x3;
	s19 =	simm.s32 $0x50  }
0x7: {  	s20 =	simm.s32 $0x1A780;
	s21 =	simm.s32 $0x14050;
	s28 =	simm.s32 $0x1A500  }
0x8: {  	s29 =	simm.s32 $0x1A580;
	s30 =	simm.s32 $0x0;
	s24 =	smul.u32 $0x2800, s22  }
0x9: {  	s5 =	sand.u32 $0x1, s3;
	[smem:$0x7FF] =	sst s6;
	s26 =	smul.u32 $0x50000, s22  }
0xa: {  	s10 =	sshll.u32 s22, $0x7;
	s4 =	sshll.u32 s5, $0x4;
	_ =	strace $0x80000050  }
0xb: {  	s8 =	smul.u32 $0x28000, s5;
	s5 =	ssub.s32 $0x2, s5;
	s10 =	sand.u32 $0x380, s10  }
0xc: {  	s23 =	sor.u32 s22, s4;
	s4 =	sadd.s32 $0x3BA00, s0;
	s25 =	sadd.s32 s24, s0  }
0xd: {  	s11 =	sshrl.u32 s5, $0x1;
	s7 =	sshll.u32 s23, $0xB;
	s6 =	sshrl.u32 s23, $0x3  }
0xe: {  	s11 =	ssub.s32 s5, s11;
	s5 =	sadd.s32 $0x13A00, s25;
	s23 =	simm.s32 $0x4  }
0xf: {  	s25 =	simm.s32 $0x1A480;
	s9 =	sadd.s32 s7, s0;
	s0 =	sadd.s32 s8, s0  }
0x10: {  	s6 =	smul.u32 $0x13C00, s6;
	s8 =	sshrl.u32 s26, $0x2;
	s26 =	simm.s32 $0x166C0  }
0x11: {  	s12 =	sadd.s32 s8, s1;
	s9 =	sadd.s32 $0x3A00, s9;
	s0 =	sadd.s32 $0x62C00, s0  }
0x12: {  	s31 =	sor.u32 s10, s6;
	s6 =	sshll.u32 s22, $0x6;
	s10 =	smax.u32 s11, $0x1  }
0x13: {  	s11 =	sshrl.u32 s12, $0x3;
	s22 =	simm.s32 $0x1CF80;
	s8 =	sshrl.u32 s31, $0x3  }
0x14: {  	s24 =	sadd.s32 s24, s0;
	s7 =	sor.u32 $0x1C01, s6;
	s8 =	sadd.s32 s2, s8  }
.LBB2_1:
0x15: {  	[spmem:s11], [sflag:s7] =	dma.local [hbm:s5], $0x2800  }
0x16: {  	s0 =	simm.s32 $0x80  }
0x17: {  	[tilespmem:s14], [sflag:$0x2] =	stream.strided.gather [hbm4b:s8+s0], $0x2780, s13, s0, $0x38;
	[tilespmem:$0x1F780] =	vst v63  }
0x18: {  	s12 =	simm.s32 $0x0  }
0x19: {  	[tilespmem:s15], [sflag:$0x3] =	stream.linear.gather [hbm4b:s9+s12], $0x3E80, $0x38;
	[tilespmem:$0x1F780] =	vst v63  }
0x1a: {  	_ =	swait.ge [sflag:s16], $0x2800  }
0x1b: {  	[sflag:s16] =	ssyncset.done $0x0  }
0x1c: {  	[sflag:s16] =	ssyncadd.s32 $0xFFFFD800  }
0x1d: {  	_ =	swait.ge [sflag:s17], $0x2780  }
0x1e: {  	[sflag:s17] =	ssyncset.done $0x0  }
0x1f: {  	[sflag:s17] =	ssyncadd.s32 $0xFFFFD880  }
0x20: {  	_ =	swait.ge [sflag:s18], $0x3E80  }
0x21: {  	[sflag:s18] =	ssyncset.done $0x0  }
0x22: {  	[sflag:s18] =	ssyncadd.s32 $0xFFFFC180  }
0x23: {  	[bflag:$0x0] =	sbarrier.arrive $0xFFFF  }
0x24: {  	[tilespmem:s20], [sflag:$0x1] =	stream.indirect.gather [hbm4b:s4+s19], $0x80, s14, s19, $0xb8;
	[tilespmem:$0x1F780] =	vst v63  }
0x25: {  	_ = 	snop  }
0x26: {  	[tilespmem:s22], [sflag:$0x2] =	stream.indirect.gather [hbm4b:s4+s19], $0x80, s21, s19, $0xb8;
	[tilespmem:$0x1F780] =	vst v63  }
0x27: {  	_ =	swait.ge [sflag:s16], $0x2800  }
0x28: {  	[sflag:s16] =	ssyncset.done $0x0  }
0x29: {  	s2 =	simm.s32 $0x16780;
	[sflag:s16] =	ssyncadd.s32 $0xFFFFD800  }
0x2a: {  	[spmem:s1] =	stream.indirect.scatter.add.f32 [tilespmem:s20], [sflag:$0x4], $0x80, s2, s19, $0xb8;
	[tilespmem:$0x1F780] =	vst v63  }
0x2b: {  	_ =	swait.ge [sflag:s23], $0x2800  }
0x2c: {  	[sflag:s23] =	ssyncset.done $0x0  }
0x2d: {  	s3 =	simm.s32 $0x140A0;
	[sflag:s23] =	ssyncadd.s32 $0xFFFFD800  }
0x2e: {  	[tilespmem:s20], [sflag:$0x1] =	stream.indirect.gather [hbm4b:s4+s19], $0x80, s3, s19, $0xb8;
	[tilespmem:$0x1F780] =	vst v63  }
0x2f: {  	_ =	swait.ge [sflag:s17], $0x2800  }
0x30: {  	[sflag:s17] =	ssyncset.done $0x0  }
0x31: {  	s12 =	simm.s32 $0x16800;
	[sflag:s17] =	ssyncadd.s32 $0xFFFFD800  }
0x32: {  	[spmem:s1] =	stream.indirect.scatter.add.f32 [tilespmem:s22], [sflag:$0x4], $0x80, s12, s19, $0xb8;
	[tilespmem:$0x1F780] =	vst v63  }
0x33: {  	_ =	swait.ge [sflag:s23], $0x2800  }
0x34: {  	s31 =	simm.s32 $0x140F0;
	[sflag:s23] =	ssyncset.done $0x0  }
0x35: {  	s0 =	simm.s32 $0x400;
	s2 =	simm.s32 $0x14190;
	[sflag:s23] =	ssyncadd.s32 $0xFFFFD800  }
.LBB2_2:
0x36: {  	[tilespmem:s22], [sflag:$0x2] =	stream.indirect.gather [hbm4b:s4+s19], $0x80, s31, s19, $0xb8;
	[tilespmem:$0x1F780] =	vst v63  }
0x37: {  	s3 =	smov.u32 s0;
	s31 =	smov.u32 s2  }
0x38: {  	p0 =	sne.s32 s0, $0xF000;
	s0 =	sadd.s32 $0x400, s0;
	_ =	swait.ge [sflag:s16], $0x2800  }
0x39: {  	s3 =	sshra.s32 s3, $0x2;
	[sflag:s16] =	ssyncset.done $0x0  }
0x3a: {  	s12 =	sadd.s32 $0x16780, s3;
	[sflag:s16] =	ssyncadd.s32 $0xFFFFD800  }
0x3b: {  	[spmem:s1] =	stream.indirect.scatter.add.f32 [tilespmem:s20], [sflag:$0x4], $0x80, s12, s19, $0xb8;
	[tilespmem:$0x1F780] =	vst v63  }
0x3c: {  	_ =	swait.ge [sflag:s23], $0x2800  }
0x3d: {  	[sflag:s23] =	ssyncset.done $0x0  }
0x3e: {  	s12 =	sadd.s32 $0xFFFFFFB0, s2;
	[sflag:s23] =	ssyncadd.s32 $0xFFFFD800  }
0x3f: {  	[tilespmem:s20], [sflag:$0x1] =	stream.indirect.gather [hbm4b:s4+s19], $0x80, s12, s19, $0xb8;
	[tilespmem:$0x1F780] =	vst v63  }
0x40: {  	_ =	swait.ge [sflag:s17], $0x2800  }
0x41: {  	[sflag:s17] =	ssyncset.done $0x0  }
.Ltmp0:
0x42: {  	s3 =	sadd.s32 $0x16800, s3;
	[sflag:s17] =	ssyncadd.s32 $0xFFFFD800;
	(pc) =	sbr.rel @p0 .LBB2_2-.Ltmp0, $4  }
0x43: {  	[spmem:s1] =	stream.indirect.scatter.add.f32 [tilespmem:s22], [sflag:$0x4], $0x80, s3, s19, $0xb8;
	[tilespmem:$0x1F780] =	vst v63  }
0x44: {  	_ =	swait.ge [sflag:s23], $0x2800  }
0x45: {  	[sflag:s23] =	ssyncset.done $0x0  }
0x46: {  	s2 =	sadd.s32 $0xA0, s2;
	[sflag:s23] =	ssyncadd.s32 $0xFFFFD800  }
0x47: {  	[tilespmem:s22], [sflag:$0x2] =	stream.indirect.gather [hbm4b:s4+s19], $0x80, s31, s19, $0xb8;
	[tilespmem:$0x1F780] =	vst v63  }
0x48: {  	_ =	swait.ge [sflag:s16], $0x2800  }
0x49: {  	[sflag:s16] =	ssyncset.done $0x0  }
0x4a: {  	[sflag:s16] =	ssyncadd.s32 $0xFFFFD800  }
0x4b: {  	[spmem:s1] =	stream.indirect.scatter.add.f32 [tilespmem:s20], [sflag:$0x4], $0x80, s25, s19, $0xb8;
	[tilespmem:$0x1F780] =	vst v63  }
0x4c: {  	_ =	swait.ge [sflag:s23], $0x2800  }
0x4d: {  	[sflag:s23] =	ssyncset.done $0x0  }
0x4e: {  	[sflag:s23] =	ssyncadd.s32 $0xFFFFD800  }
0x4f: {  	[tilespmem:s20], [sflag:$0x1] =	stream.indirect.gather [hbm4b:s4+s19], $0x80, s26, s19, $0xb8;
	[tilespmem:$0x1F780] =	vst v63  }
0x50: {  	_ =	swait.ge [sflag:s17], $0x2800  }
0x51: {  	[sflag:s17] =	ssyncset.done $0x0  }
0x52: {  	[sflag:s17] =	ssyncadd.s32 $0xFFFFD800  }
0x53: {  	[spmem:s1] =	stream.indirect.scatter.add.f32 [tilespmem:s22], [sflag:$0x4], $0x80, s28, s19, $0xb8;
	[tilespmem:$0x1F780] =	vst v63  }
0x54: {  	_ =	swait.ge [sflag:s23], $0x2800  }
0x55: {  	[sflag:s23] =	ssyncset.done $0x0  }
0x56: {  	[sflag:s23] =	ssyncadd.s32 $0xFFFFD800  }
0x57: {  	_ =	swait.ge [sflag:s16], $0x2800  }
0x58: {  	[sflag:s16] =	ssyncset.done $0x0  }
0x59: {  	[sflag:s16] =	ssyncadd.s32 $0xFFFFD800  }
0x5a: {  	[spmem:s1] =	stream.indirect.scatter.add.f32 [tilespmem:s20], [sflag:$0x4], $0x80, s29, s19, $0xb8;
	[tilespmem:$0x1F780] =	vst v63  }
0x5b: {  	_ =	swait.ge [sflag:s23], $0x2800  }
0x5c: {  	s30 =	sadd.s32 $0x1, s30;
	[sflag:s23] =	ssyncset.done $0x0  }
0x5d: {  	p0 =	sne.s32 s30, s10;
	[sflag:s23] =	ssyncadd.s32 $0xFFFFD800  }
.Ltmp1:
0x5e: {  	s0 =	sor.u32 $0x1C04, s6;
	[bflag:$0x0] =	sbarrier.arrive $0xFFFF;
	(pc) =	sbr.rel @p0 .LBB2_1-.Ltmp1, $4  }
0x5f: {  	[hbm:s24], [sflag:s0] =	dma.local [spmem:s11], $0x2800  }
0x60: {  	_ =	swait.ge [sflag:s23], $0x2800  }
0x61: {  	[sflag:s23] =	ssyncset.done $0x0  }
0x62: {  	[sflag:s23] =	ssyncadd.s32 $0xFFFFD800  }
0x63: {  	_ =	sfence.sel $0x180000  }
0x64: {  	[bflag:$0x0] =	sbarrier.arrive $0xFFFF  }
0x65: {  	_ =	strace $0x90000050  }
0x66: {  	s0 =	stileid.u32;
	[bflag:$0x2] =	sbarrier.arrive $0xFFFF  }
0x67: {  	p0 =	sne.s32 s0, $0x0;
	s0 =	rddreg [dreg:$0x3]  }
0x68: {  	s0 =	sadd.s32 @!p0 $0x100000, s0  }
0x69: {  	[sflag:s0] =	ssyncadd.tile.s32 @!p0 $0x1;
	_ =	shalt  }
.Lfunc_end2:
_tile_overlayer_lowered:
.L_overlay_start_2:
0x6a: {  	(tag) =	ssettag $0x2  }
0x6b: {  	s0 =	rddreg [dreg:$0x0];
	s2 =	stileid.u32  }
0x6c: {  	s1 =	rddreg [dreg:$0x1];
	p0 =	sne.s32 s2, $0x0  }
0x6d: {  	s3 =	rddreg [dreg:$0x2];
	[bflag:$0x3] =	sbarrier.arrive $0xFFFF;
	s2 =	simm.s32 @!p0 $0x1C04  }
0x6e: {  	[timem:s3], [sflag:s2] =	dma.local @!p0 [hbm:s0], s1  }
0x6f: {  	s0 =	simm.s32 @!p0 $0x4  }
0x70: {  	_ =	swait.ge @!p0 [sflag:s0], s1  }
0x71: {  	s1 =	ssub.s32 @!p0 $0x0, s1;
	[sflag:s0] =	ssyncset.done @!p0 $0x0  }
0x72: {  	[sflag:s0] =	ssyncadd.s32 @!p0 s1  }
0x73: {  	[bflag:$0x3] =	sbarrier.arrive $0xFFFF  }
0x74: {  	_ =	shalt  }

</sc_bundles>
